<compile_context>
chip_gen: v7x
topology: tpu7x:2x2x1
jax: 0.10.2.dev20260603
libtpu: 0.0.44.dev20260713+nightly
codegen_flags: <defaults>
</compile_context>

<pallas_src>
import functools

import jax
import jax.numpy as jnp
from jax import lax
from jax.experimental import pallas as pl
from jax.experimental.pallas import tpu as pltpu
from jax.experimental.pallas import tpu_sc as plsc

N = 6400000
G = 1024
NW = 32
ROWS = N // NW
S = 10000
NCH = ROWS // S
HALF = NCH // 2
VPC = S // 16
PAGES = 4

_mesh = plsc.VectorSubcoreMesh(core_axis_name="c", subcore_axis_name="s")


@functools.partial(
    pl.kernel,
    mesh=_mesh,
    out_type=jax.ShapeDtypeStruct((NW, G), jnp.float32),
    compiler_params=pltpu.CompilerParams(needs_layout_passes=False),
    scratch_types=[
        pltpu.VMEM((S,), jnp.float32),
        pltpu.VMEM((S,), jnp.float32),
        pltpu.VMEM((S,), jnp.int32),
        pltpu.VMEM((S,), jnp.float32),
        pltpu.VMEM((S,), jnp.float32),
        pltpu.VMEM((S,), jnp.int32),
        pltpu.VMEM((PAGES * 16 * G,), jnp.float32),
        pltpu.VMEM((G,), jnp.float32),
        pltpu.SemaphoreType.DMA,
        pltpu.SemaphoreType.DMA,
    ],
)
def _seg_kernel(x_hbm, ch_hbm, b_hbm, out_hbm,
                x0_v, c0_v, b0_v, x1_v, c1_v, b1_v, acc_v, part_v,
                sem0, sem1):
    wid = lax.axis_index("s") * 2 + lax.axis_index("c")
    lane = lax.iota(jnp.int32, 16)
    lane16 = lane * 16
    zero16f = jnp.zeros((16,), jnp.float32)
    base0 = wid * ROWS


    bufs = ((x0_v, c0_v, b0_v, sem0), (x1_v, c1_v, b1_v, sem1))

    def issue(cidx, buf):
        xv, cv, bv, sem = buf
        base = base0 + cidx * S
        pltpu.async_copy(x_hbm.at[pl.ds(base, S)], xv, sem)
        pltpu.async_copy(ch_hbm.at[pl.ds(base, S)], cv, sem)
        pltpu.async_copy(b_hbm.at[pl.ds(base, S)], bv, sem)

    def drain(buf):
        xv, cv, bv, sem = buf
        pltpu.make_async_copy(x_hbm.at[pl.ds(base0, S)], xv, sem).wait()
        pltpu.make_async_copy(ch_hbm.at[pl.ds(base0, S)], cv, sem).wait()
        pltpu.make_async_copy(b_hbm.at[pl.ds(base0, S)], bv, sem).wait()

    def compute(buf):
        xv, cv, bv, _ = buf

        @plsc.parallel_loop(0, VPC, unroll=16)
        def _vec_body(i):
            page_off = (i & (PAGES - 1)) * (16 * G)
            p = xv[pl.ds(i * 16, 16)]
            c = cv[pl.ds(i * 16, 16)]
            b = bv[pl.ds(i * 16, 16)]
            plsc.addupdate_scatter(acc_v, [b * 16 + (lane + page_off)], p * c)

    issue(0, bufs[0])
    issue(1, bufs[1])

    @plsc.parallel_loop(0, PAGES * G, unroll=8)
    def _zero_body(j):
        acc_v[pl.ds(j * 16, 16)] = zero16f

    def outer(o, _):
        for k in (0, 1):
            drain(bufs[k])
            compute(bufs[k])

            @pl.when(o < HALF - 1)
            def _():
                issue(2 * o + 2 + k, bufs[k])

        return 0

    lax.fori_loop(0, HALF, outer, 0)

    @plsc.parallel_loop(0, G // 16, unroll=2)
    def _fold_body(j):
        s = zero16f
        for pg in range(PAGES):
            for m in range(16):
                km = (lane + m) & 15
                s = s + plsc.load_gather(
                    acc_v, [pg * (16 * G) + j * 256 + lane16 + km])
        part_v[pl.ds(j * 16, 16)] = s

    pltpu.sync_copy(part_v, out_hbm.at[wid])


def kernel(positions, node_charges, batch):
    x0 = positions[:, 0]
    c0 = node_charges[:, 0]
    partials = _seg_kernel(x0, c0, batch)
    return partials.sum(axis=0).reshape(G, 1)

# --- scband reference (transcript-rebuilt; emitter-appended) ---
"""Pipeline reference for scband-electro-model-42288247996791 (READ-ONLY COPY).

The authoritative reference and input builder live on the scoring server;
editing this copy changes nothing except your own understanding.
"""

import jax, jax.numpy as jnp
import numpy as np


def setup_inputs(seed: int = 0) -> dict:
    key = jax.random.key(seed)
    k1, k2, k3 = jax.random.split(key, 3)
    N = 6400000
    num_graphs = 1024
    positions = jax.random.normal(k1, (N, 3), dtype=jnp.float32)
    node_charges = jax.random.normal(k2, (N, 1), dtype=jnp.float32)
    batch = jnp.sort(jax.random.randint(k3, (N,), 0, num_graphs, dtype=jnp.int32))
    # guarantee the max segment id is present so num_graphs is deterministic
    batch = batch.at[-1].set(num_graphs - 1)
    return {"positions": positions, "node_charges": node_charges, "batch": batch}


def reference(positions, node_charges, batch):
    # node_energy = charges * positions[:, :1]
    node_energy = node_charges * positions[:, :1]
    # _sum_per_graph: scatter_add into [num_graphs, 1]
    num_graphs = 1024
    energies = jax.ops.segment_sum(node_energy, batch, num_segments=num_graphs)
    return energies

if __name__ == "__main__":
    import jax
    _d = setup_inputs()
    print(jax.jit(kernel)(*tuple(_d.values())))

</pallas_src>

<mosaic_0001>
#map = affine_map<(d0, d1) -> (0)>
#map1 = affine_map<(d0, d1) -> (0, 0)>
module attributes {stable_mosaic.version = 14 : i64} {
  func.func @_seg_kernel(%arg0: i32, %arg1: i32, %arg2: memref<6400000xf32, #tpu.memory_space<hbm>>, %arg3: memref<6400000xf32, #tpu.memory_space<hbm>>, %arg4: memref<6400000xi32, #tpu.memory_space<hbm>>, %arg5: memref<32x1024xf32, #tpu.memory_space<hbm>>, %arg6: memref<10000xf32, #tpu.memory_space<vmem>>, %arg7: memref<10000xf32, #tpu.memory_space<vmem>>, %arg8: memref<10000xi32, #tpu.memory_space<vmem>>, %arg9: memref<10000xf32, #tpu.memory_space<vmem>>, %arg10: memref<10000xf32, #tpu.memory_space<vmem>>, %arg11: memref<10000xi32, #tpu.memory_space<vmem>>, %arg12: memref<65536xf32, #tpu.memory_space<vmem>>, %arg13: memref<1024xf32, #tpu.memory_space<vmem>>, %arg14: memref<!tpu.dma_semaphore, #tpu.memory_space<semaphore_mem>>, %arg15: memref<!tpu.dma_semaphore, #tpu.memory_space<semaphore_mem>>) attributes {dimension_semantics = [#tpu.dimension_semantics<core_parallel>, #tpu.dimension_semantics<subcore_parallel>], iteration_bounds = array<i64: 2, 16>, scalar_prefetch = 0 : i64, scratch_operands = 10 : i64, tpu.core_type = #tpu.core_type<sc_vector_subcore>, window_params = [{transform_indices = #map}, {transform_indices = #map}, {transform_indices = #map}, {transform_indices = #map1}]} {
    %mul3A = arith.constant 2 : i32
    %mul3A_0 = arith.muli %arg1, %mul3A : i32
    %add3A = arith.addi %mul3A_0, %arg0 : i32
    %iota3A = tpu.iota {dimensions = array<i32: 0>} : vector<16xi32>
    %mul3A_1 = arith.constant 16 : i32
    %mul3A_2 = vector.broadcast %mul3A_1 : i32 to vector<16xi32>
    %mul3A_3 = arith.muli %iota3A, %mul3A_2 : vector<16xi32>
    %broadcast_in_dim3A = arith.constant 0.000000e+00 : f32
    %broadcast_in_dim3A_4 = vector.broadcast %broadcast_in_dim3A : f32 to vector<16xf32>
    %mul3A_5 = arith.constant 200000 : i32
    %mul3A_6 = arith.muli %add3A, %mul3A_5 : i32
    %add3A_7 = arith.constant 0 : i32
    %add3A_8 = arith.addi %mul3A_6, %add3A_7 : i32
    %dma_start3A = tpu.memref_slice %arg2[%add3A_8] : memref<6400000xf32, #tpu.memory_space<hbm>> -> memref<10000xf32, #tpu.memory_space<hbm>>
    %dma_start3A_9 = tpu.memref_slice %arg2[%add3A_8] : memref<6400000xf32, #tpu.memory_space<hbm>> -> memref<10000xf32, #tpu.memory_space<hbm>>
    tpu.enqueue_dma source(%dma_start3A_9 : memref<10000xf32, #tpu.memory_space<hbm>>) target(%arg6 : memref<10000xf32, #tpu.memory_space<vmem>>) target_semaphore(%arg14 : memref<!tpu.dma_semaphore, #tpu.memory_space<semaphore_mem>>)
    %dma_start3A_10 = tpu.memref_slice %arg3[%add3A_8] : memref<6400000xf32, #tpu.memory_space<hbm>> -> memref<10000xf32, #tpu.memory_space<hbm>>
    %dma_start3A_11 = tpu.memref_slice %arg3[%add3A_8] : memref<6400000xf32, #tpu.memory_space<hbm>> -> memref<10000xf32, #tpu.memory_space<hbm>>
    tpu.enqueue_dma source(%dma_start3A_11 : memref<10000xf32, #tpu.memory_space<hbm>>) target(%arg7 : memref<10000xf32, #tpu.memory_space<vmem>>) target_semaphore(%arg14 : memref<!tpu.dma_semaphore, #tpu.memory_space<semaphore_mem>>)
    %dma_start3A_12 = tpu.memref_slice %arg4[%add3A_8] : memref<6400000xi32, #tpu.memory_space<hbm>> -> memref<10000xi32, #tpu.memory_space<hbm>>
    %dma_start3A_13 = tpu.memref_slice %arg4[%add3A_8] : memref<6400000xi32, #tpu.memory_space<hbm>> -> memref<10000xi32, #tpu.memory_space<hbm>>
    tpu.enqueue_dma source(%dma_start3A_13 : memref<10000xi32, #tpu.memory_space<hbm>>) target(%arg8 : memref<10000xi32, #tpu.memory_space<vmem>>) target_semaphore(%arg14 : memref<!tpu.dma_semaphore, #tpu.memory_space<semaphore_mem>>)
    %add3A_14 = arith.constant 10000 : i32
    %add3A_15 = arith.addi %mul3A_6, %add3A_14 : i32
    %dma_start3A_16 = tpu.memref_slice %arg2[%add3A_15] : memref<6400000xf32, #tpu.memory_space<hbm>> -> memref<10000xf32, #tpu.memory_space<hbm>>
    %dma_start3A_17 = tpu.memref_slice %arg2[%add3A_15] : memref<6400000xf32, #tpu.memory_space<hbm>> -> memref<10000xf32, #tpu.memory_space<hbm>>
    tpu.enqueue_dma source(%dma_start3A_17 : memref<10000xf32, #tpu.memory_space<hbm>>) target(%arg9 : memref<10000xf32, #tpu.memory_space<vmem>>) target_semaphore(%arg15 : memref<!tpu.dma_semaphore, #tpu.memory_space<semaphore_mem>>)
    %dma_start3A_18 = tpu.memref_slice %arg3[%add3A_15] : memref<6400000xf32, #tpu.memory_space<hbm>> -> memref<10000xf32, #tpu.memory_space<hbm>>
    %dma_start3A_19 = tpu.memref_slice %arg3[%add3A_15] : memref<6400000xf32, #tpu.memory_space<hbm>> -> memref<10000xf32, #tpu.memory_space<hbm>>
    tpu.enqueue_dma source(%dma_start3A_19 : memref<10000xf32, #tpu.memory_space<hbm>>) target(%arg10 : memref<10000xf32, #tpu.memory_space<vmem>>) target_semaphore(%arg15 : memref<!tpu.dma_semaphore, #tpu.memory_space<semaphore_mem>>)
    %dma_start3A_20 = tpu.memref_slice %arg4[%add3A_15] : memref<6400000xi32, #tpu.memory_space<hbm>> -> memref<10000xi32, #tpu.memory_space<hbm>>
    %dma_start3A_21 = tpu.memref_slice %arg4[%add3A_15] : memref<6400000xi32, #tpu.memory_space<hbm>> -> memref<10000xi32, #tpu.memory_space<hbm>>
    tpu.enqueue_dma source(%dma_start3A_21 : memref<10000xi32, #tpu.memory_space<hbm>>) target(%arg11 : memref<10000xi32, #tpu.memory_space<vmem>>) target_semaphore(%arg15 : memref<!tpu.dma_semaphore, #tpu.memory_space<semaphore_mem>>)
    %parallel_loop3A = arith.constant 0 : i32
    %parallel_loop3A_22 = arith.constant 4096 : i32
    %parallel_loop3A_23 = arith.constant 1 : i32
    scf.for %parallel_loop3A_33 = %parallel_loop3A to %parallel_loop3A_22 step %parallel_loop3A_23  : i32 {
      %parallel_loop3A_34 = arith.constant 16 : i32
      %parallel_loop3A_35 = arith.muli %parallel_loop3A_33, %parallel_loop3A_34 : i32
      %parallel_loop3A_36 = arith.index_cast %parallel_loop3A_35 : i32 to index
      %parallel_loop3A_37 = tpu.vector_load %arg12[%parallel_loop3A_36] {strides = array<i32>} : memref<65536xf32, #tpu.memory_space<vmem>>, vector<16xf32>,
      tpu.vector_store %arg12[%parallel_loop3A_36], %broadcast_in_dim3A_4 {strides = array<i32>} : memref<65536xf32, #tpu.memory_space<vmem>>, vector<16xf32>,
    } {sc.loop_unroll_factor = 8 : i64, sc.parallel_access}
    %scan3A = arith.constant 0 : i32
    %scan3A_24 = arith.constant 0 : i32
    %scan3A_25 = arith.constant 10 : i32
    %scan3A_26 = arith.addi %scan3A_24, %scan3A_25 : i32
    %scan3A_27 = arith.constant 1 : i32
    %scan3A_28 = scf.for %scan3A_33 = %scan3A_24 to %scan3A_26 step %scan3A_27 iter_args(%scan3A_34 = %scan3A) -> (i32)  : i32 {
      %dma_wait3A = tpu.memref_slice %arg2[%mul3A_6] : memref<6400000xf32, #tpu.memory_space<hbm>> -> memref<10000xf32, #tpu.memory_space<hbm>>
      %dma_wait3A_35 = tpu.memref_slice %arg2[%mul3A_6] : memref<6400000xf32, #tpu.memory_space<hbm>> -> memref<10000xf32, #tpu.memory_space<hbm>>
      tpu.wait_dma2 semaphore(%arg14 : memref<!tpu.dma_semaphore, #tpu.memory_space<semaphore_mem>>) src(%dma_wait3A_35 : memref<10000xf32, #tpu.memory_space<hbm>>) dst(%arg6 : memref<10000xf32, #tpu.memory_space<vmem>>)
      %dma_wait3A_36 = tpu.memref_slice %arg3[%mul3A_6] : memref<6400000xf32, #tpu.memory_space<hbm>> -> memref<10000xf32, #tpu.memory_space<hbm>>
      %dma_wait3A_37 = tpu.memref_slice %arg3[%mul3A_6] : memref<6400000xf32, #tpu.memory_space<hbm>> -> memref<10000xf32, #tpu.memory_space<hbm>>
      tpu.wait_dma2 semaphore(%arg14 : memref<!tpu.dma_semaphore, #tpu.memory_space<semaphore_mem>>) src(%dma_wait3A_37 : memref<10000xf32, #tpu.memory_space<hbm>>) dst(%arg7 : memref<10000xf32, #tpu.memory_space<vmem>>)
      %dma_wait3A_38 = tpu.memref_slice %arg4[%mul3A_6] : memref<6400000xi32, #tpu.memory_space<hbm>> -> memref<10000xi32, #tpu.memory_space<hbm>>
      %dma_wait3A_39 = tpu.memref_slice %arg4[%mul3A_6] : memref<6400000xi32, #tpu.memory_space<hbm>> -> memref<10000xi32, #tpu.memory_space<hbm>>
      tpu.wait_dma2 semaphore(%arg14 : memref<!tpu.dma_semaphore, #tpu.memory_space<semaphore_mem>>) src(%dma_wait3A_39 : memref<10000xi32, #tpu.memory_space<hbm>>) dst(%arg8 : memref<10000xi32, #tpu.memory_space<vmem>>)
      %parallel_loop3A_40 = arith.constant 0 : i32
      %parallel_loop3A_41 = arith.constant 625 : i32
      %parallel_loop3A_42 = arith.constant 1 : i32
      scf.for %parallel_loop3A_60 = %parallel_loop3A_40 to %parallel_loop3A_41 step %parallel_loop3A_42  : i32 {
        %parallel_loop3A_61 = arith.constant 3 : i32
        %parallel_loop3A_62 = arith.andi %parallel_loop3A_60, %parallel_loop3A_61 : i32
        %parallel_loop3A_63 = arith.constant 16384 : i32
        %parallel_loop3A_64 = arith.muli %parallel_loop3A_62, %parallel_loop3A_63 : i32
        %parallel_loop3A_65 = arith.constant 16 : i32
        %parallel_loop3A_66 = arith.muli %parallel_loop3A_60, %parallel_loop3A_65 : i32
        %parallel_loop3A_67 = arith.index_cast %parallel_loop3A_66 : i32 to index
        %parallel_loop3A_68 = tpu.vector_load %arg6[%parallel_loop3A_67] {strides = array<i32>} : memref<10000xf32, #tpu.memory_space<vmem>>, vector<16xf32>,
        %parallel_loop3A_69 = arith.constant 16 : i32
        %parallel_loop3A_70 = arith.muli %parallel_loop3A_60, %parallel_loop3A_69 : i32
        %parallel_loop3A_71 = arith.index_cast %parallel_loop3A_70 : i32 to index
        %parallel_loop3A_72 = tpu.vector_load %arg7[%parallel_loop3A_71] {strides = array<i32>} : memref<10000xf32, #tpu.memory_space<vmem>>, vector<16xf32>,
        %parallel_loop3A_73 = arith.constant 16 : i32
        %parallel_loop3A_74 = arith.muli %parallel_loop3A_60, %parallel_loop3A_73 : i32
        %parallel_loop3A_75 = arith.index_cast %parallel_loop3A_74 : i32 to index
        %parallel_loop3A_76 = tpu.vector_load %arg8[%parallel_loop3A_75] {strides = array<i32>} : memref<10000xi32, #tpu.memory_space<vmem>>, vector<16xi32>,
        %parallel_loop3A_77 = arith.constant 16 : i32
        %parallel_loop3A_78 = vector.broadcast %parallel_loop3A_77 : i32 to vector<16xi32>
        %parallel_loop3A_79 = arith.muli %parallel_loop3A_76, %parallel_loop3A_78 : vector<16xi32>
        %parallel_loop3A_80 = vector.broadcast %parallel_loop3A_64 : i32 to vector<16xi32>
        %parallel_loop3A_81 = arith.addi %iota3A, %parallel_loop3A_80 : vector<16xi32>
        %parallel_loop3A_82 = arith.addi %parallel_loop3A_79, %parallel_loop3A_81 : vector<16xi32>
        %parallel_loop3A_83 = arith.mulf %parallel_loop3A_68, %parallel_loop3A_72 : vector<16xf32>
        tpu.vector_store_idx %arg12[%parallel_loop3A_82], %parallel_loop3A_83 {add = true} : memref<65536xf32, #tpu.memory_space<vmem>>[vector<16xi32>], vector<16xf32>,
      } {sc.loop_unroll_factor = 16 : i64, sc.parallel_access}
      %lt3A = arith.constant 9 : i32
      %lt3A_43 = arith.cmpi slt, %scan3A_33, %lt3A : i32
      %convert_element_type3A = arith.extui %lt3A_43 : i1 to i32
      %cond3A = arith.constant 0 : i32
      %cond3A_44 = arith.cmpi ne, %convert_element_type3A, %cond3A : i32
      scf.if %cond3A_44 {
        %mul3A_60 = arith.constant 2 : i32
        %mul3A_61 = arith.muli %mul3A_60, %scan3A_33 : i32
        %add3A_62 = arith.constant 2 : i32
        %add3A_63 = arith.addi %mul3A_61, %add3A_62 : i32
        %add3A_64 = arith.constant 0 : i32
        %add3A_65 = arith.addi %add3A_63, %add3A_64 : i32
        %mul3A_66 = arith.constant 10000 : i32
        %mul3A_67 = arith.muli %add3A_65, %mul3A_66 : i32
        %add3A_68 = arith.addi %mul3A_6, %mul3A_67 : i32
        %dma_start3A_69 = tpu.memref_slice %arg2[%add3A_68] : memref<6400000xf32, #tpu.memory_space<hbm>> -> memref<10000xf32, #tpu.memory_space<hbm>>
        %dma_start3A_70 = tpu.memref_slice %arg2[%add3A_68] : memref<6400000xf32, #tpu.memory_space<hbm>> -> memref<10000xf32, #tpu.memory_space<hbm>>
        tpu.enqueue_dma source(%dma_start3A_70 : memref<10000xf32, #tpu.memory_space<hbm>>) target(%arg6 : memref<10000xf32, #tpu.memory_space<vmem>>) target_semaphore(%arg14 : memref<!tpu.dma_semaphore, #tpu.memory_space<semaphore_mem>>)
        %dma_start3A_71 = tpu.memref_slice %arg3[%add3A_68] : memref<6400000xf32, #tpu.memory_space<hbm>> -> memref<10000xf32, #tpu.memory_space<hbm>>
        %dma_start3A_72 = tpu.memref_slice %arg3[%add3A_68] : memref<6400000xf32, #tpu.memory_space<hbm>> -> memref<10000xf32, #tpu.memory_space<hbm>>
        tpu.enqueue_dma source(%dma_start3A_72 : memref<10000xf32, #tpu.memory_space<hbm>>) target(%arg7 : memref<10000xf32, #tpu.memory_space<vmem>>) target_semaphore(%arg14 : memref<!tpu.dma_semaphore, #tpu.memory_space<semaphore_mem>>)
        %dma_start3A_73 = tpu.memref_slice %arg4[%add3A_68] : memref<6400000xi32, #tpu.memory_space<hbm>> -> memref<10000xi32, #tpu.memory_space<hbm>>
        %dma_start3A_74 = tpu.memref_slice %arg4[%add3A_68] : memref<6400000xi32, #tpu.memory_space<hbm>> -> memref<10000xi32, #tpu.memory_space<hbm>>
        tpu.enqueue_dma source(%dma_start3A_74 : memref<10000xi32, #tpu.memory_space<hbm>>) target(%arg8 : memref<10000xi32, #tpu.memory_space<vmem>>) target_semaphore(%arg14 : memref<!tpu.dma_semaphore, #tpu.memory_space<semaphore_mem>>)
      } else {
      }
      %dma_wait3A_45 = tpu.memref_slice %arg2[%mul3A_6] : memref<6400000xf32, #tpu.memory_space<hbm>> -> memref<10000xf32, #tpu.memory_space<hbm>>
      %dma_wait3A_46 = tpu.memref_slice %arg2[%mul3A_6] : memref<6400000xf32, #tpu.memory_space<hbm>> -> memref<10000xf32, #tpu.memory_space<hbm>>
      tpu.wait_dma2 semaphore(%arg15 : memref<!tpu.dma_semaphore, #tpu.memory_space<semaphore_mem>>) src(%dma_wait3A_46 : memref<10000xf32, #tpu.memory_space<hbm>>) dst(%arg9 : memref<10000xf32, #tpu.memory_space<vmem>>)
      %dma_wait3A_47 = tpu.memref_slice %arg3[%mul3A_6] : memref<6400000xf32, #tpu.memory_space<hbm>> -> memref<10000xf32, #tpu.memory_space<hbm>>
      %dma_wait3A_48 = tpu.memref_slice %arg3[%mul3A_6] : memref<6400000xf32, #tpu.memory_space<hbm>> -> memref<10000xf32, #tpu.memory_space<hbm>>
      tpu.wait_dma2 semaphore(%arg15 : memref<!tpu.dma_semaphore, #tpu.memory_space<semaphore_mem>>) src(%dma_wait3A_48 : memref<10000xf32, #tpu.memory_space<hbm>>) dst(%arg10 : memref<10000xf32, #tpu.memory_space<vmem>>)
      %dma_wait3A_49 = tpu.memref_slice %arg4[%mul3A_6] : memref<6400000xi32, #tpu.memory_space<hbm>> -> memref<10000xi32, #tpu.memory_space<hbm>>
      %dma_wait3A_50 = tpu.memref_slice %arg4[%mul3A_6] : memref<6400000xi32, #tpu.memory_space<hbm>> -> memref<10000xi32, #tpu.memory_space<hbm>>
      tpu.wait_dma2 semaphore(%arg15 : memref<!tpu.dma_semaphore, #tpu.memory_space<semaphore_mem>>) src(%dma_wait3A_50 : memref<10000xi32, #tpu.memory_space<hbm>>) dst(%arg11 : memref<10000xi32, #tpu.memory_space<vmem>>)
      %parallel_loop3A_51 = arith.constant 0 : i32
      %parallel_loop3A_52 = arith.constant 625 : i32
      %parallel_loop3A_53 = arith.constant 1 : i32
      scf.for %parallel_loop3A_60 = %parallel_loop3A_51 to %parallel_loop3A_52 step %parallel_loop3A_53  : i32 {
        %parallel_loop3A_61 = arith.constant 3 : i32
        %parallel_loop3A_62 = arith.andi %parallel_loop3A_60, %parallel_loop3A_61 : i32
        %parallel_loop3A_63 = arith.constant 16384 : i32
        %parallel_loop3A_64 = arith.muli %parallel_loop3A_62, %parallel_loop3A_63 : i32
        %parallel_loop3A_65 = arith.constant 16 : i32
        %parallel_loop3A_66 = arith.muli %parallel_loop3A_60, %parallel_loop3A_65 : i32
        %parallel_loop3A_67 = arith.index_cast %parallel_loop3A_66 : i32 to index
        %parallel_loop3A_68 = tpu.vector_load %arg9[%parallel_loop3A_67] {strides = array<i32>} : memref<10000xf32, #tpu.memory_space<vmem>>, vector<16xf32>,
        %parallel_loop3A_69 = arith.constant 16 : i32
        %parallel_loop3A_70 = arith.muli %parallel_loop3A_60, %parallel_loop3A_69 : i32
        %parallel_loop3A_71 = arith.index_cast %parallel_loop3A_70 : i32 to index
        %parallel_loop3A_72 = tpu.vector_load %arg10[%parallel_loop3A_71] {strides = array<i32>} : memref<10000xf32, #tpu.memory_space<vmem>>, vector<16xf32>,
        %parallel_loop3A_73 = arith.constant 16 : i32
        %parallel_loop3A_74 = arith.muli %parallel_loop3A_60, %parallel_loop3A_73 : i32
        %parallel_loop3A_75 = arith.index_cast %parallel_loop3A_74 : i32 to index
        %parallel_loop3A_76 = tpu.vector_load %arg11[%parallel_loop3A_75] {strides = array<i32>} : memref<10000xi32, #tpu.memory_space<vmem>>, vector<16xi32>,
        %parallel_loop3A_77 = arith.constant 16 : i32
        %parallel_loop3A_78 = vector.broadcast %parallel_loop3A_77 : i32 to vector<16xi32>
        %parallel_loop3A_79 = arith.muli %parallel_loop3A_76, %parallel_loop3A_78 : vector<16xi32>
        %parallel_loop3A_80 = vector.broadcast %parallel_loop3A_64 : i32 to vector<16xi32>
        %parallel_loop3A_81 = arith.addi %iota3A, %parallel_loop3A_80 : vector<16xi32>
        %parallel_loop3A_82 = arith.addi %parallel_loop3A_79, %parallel_loop3A_81 : vector<16xi32>
        %parallel_loop3A_83 = arith.mulf %parallel_loop3A_68, %parallel_loop3A_72 : vector<16xf32>
        tpu.vector_store_idx %arg12[%parallel_loop3A_82], %parallel_loop3A_83 {add = true} : memref<65536xf32, #tpu.memory_space<vmem>>[vector<16xi32>], vector<16xf32>,
      } {sc.loop_unroll_factor = 16 : i64, sc.parallel_access}
      %lt3A_54 = arith.constant 9 : i32
      %lt3A_55 = arith.cmpi slt, %scan3A_33, %lt3A_54 : i32
      %convert_element_type3A_56 = arith.extui %lt3A_55 : i1 to i32
      %cond3A_57 = arith.constant 0 : i32
      %cond3A_58 = arith.cmpi ne, %convert_element_type3A_56, %cond3A_57 : i32
      scf.if %cond3A_58 {
        %mul3A_60 = arith.constant 2 : i32
        %mul3A_61 = arith.muli %mul3A_60, %scan3A_33 : i32
        %add3A_62 = arith.constant 2 : i32
        %add3A_63 = arith.addi %mul3A_61, %add3A_62 : i32
        %add3A_64 = arith.constant 1 : i32
        %add3A_65 = arith.addi %add3A_63, %add3A_64 : i32
        %mul3A_66 = arith.constant 10000 : i32
        %mul3A_67 = arith.muli %add3A_65, %mul3A_66 : i32
        %add3A_68 = arith.addi %mul3A_6, %mul3A_67 : i32
        %dma_start3A_69 = tpu.memref_slice %arg2[%add3A_68] : memref<6400000xf32, #tpu.memory_space<hbm>> -> memref<10000xf32, #tpu.memory_space<hbm>>
        %dma_start3A_70 = tpu.memref_slice %arg2[%add3A_68] : memref<6400000xf32, #tpu.memory_space<hbm>> -> memref<10000xf32, #tpu.memory_space<hbm>>
        tpu.enqueue_dma source(%dma_start3A_70 : memref<10000xf32, #tpu.memory_space<hbm>>) target(%arg9 : memref<10000xf32, #tpu.memory_space<vmem>>) target_semaphore(%arg15 : memref<!tpu.dma_semaphore, #tpu.memory_space<semaphore_mem>>)
        %dma_start3A_71 = tpu.memref_slice %arg3[%add3A_68] : memref<6400000xf32, #tpu.memory_space<hbm>> -> memref<10000xf32, #tpu.memory_space<hbm>>
        %dma_start3A_72 = tpu.memref_slice %arg3[%add3A_68] : memref<6400000xf32, #tpu.memory_space<hbm>> -> memref<10000xf32, #tpu.memory_space<hbm>>
        tpu.enqueue_dma source(%dma_start3A_72 : memref<10000xf32, #tpu.memory_space<hbm>>) target(%arg10 : memref<10000xf32, #tpu.memory_space<vmem>>) target_semaphore(%arg15 : memref<!tpu.dma_semaphore, #tpu.memory_space<semaphore_mem>>)
        %dma_start3A_73 = tpu.memref_slice %arg4[%add3A_68] : memref<6400000xi32, #tpu.memory_space<hbm>> -> memref<10000xi32, #tpu.memory_space<hbm>>
        %dma_start3A_74 = tpu.memref_slice %arg4[%add3A_68] : memref<6400000xi32, #tpu.memory_space<hbm>> -> memref<10000xi32, #tpu.memory_space<hbm>>
        tpu.enqueue_dma source(%dma_start3A_74 : memref<10000xi32, #tpu.memory_space<hbm>>) target(%arg11 : memref<10000xi32, #tpu.memory_space<vmem>>) target_semaphore(%arg15 : memref<!tpu.dma_semaphore, #tpu.memory_space<semaphore_mem>>)
      } else {
      }
      %scan3A_59 = arith.constant 0 : i32
      scf.yield %scan3A_59 : i32
    }
    %scan3A_29 = arith.constant 10 : i32
    %parallel_loop3A_30 = arith.constant 0 : i32
    %parallel_loop3A_31 = arith.constant 64 : i32
    %parallel_loop3A_32 = arith.constant 1 : i32
    scf.for %parallel_loop3A_33 = %parallel_loop3A_30 to %parallel_loop3A_31 step %parallel_loop3A_32  : i32 {
      %parallel_loop3A_34 = arith.constant 0 : i32
      %parallel_loop3A_35 = vector.broadcast %parallel_loop3A_34 : i32 to vector<16xi32>
      %parallel_loop3A_36 = arith.addi %iota3A, %parallel_loop3A_35 : vector<16xi32>
      %parallel_loop3A_37 = arith.constant 15 : i32
      %parallel_loop3A_38 = vector.broadcast %parallel_loop3A_37 : i32 to vector<16xi32>
      %parallel_loop3A_39 = arith.andi %parallel_loop3A_36, %parallel_loop3A_38 : vector<16xi32>
      %parallel_loop3A_40 = arith.constant 256 : i32
      %parallel_loop3A_41 = arith.muli %parallel_loop3A_33, %parallel_loop3A_40 : i32
      %parallel_loop3A_42 = arith.constant 0 : i32
      %parallel_loop3A_43 = arith.addi %parallel_loop3A_42, %parallel_loop3A_41 : i32
      %parallel_loop3A_44 = vector.broadcast %parallel_loop3A_43 : i32 to vector<16xi32>
      %parallel_loop3A_45 = arith.addi %parallel_loop3A_44, %mul3A_3 : vector<16xi32>
      %parallel_loop3A_46 = arith.addi %parallel_loop3A_45, %parallel_loop3A_39 : vector<16xi32>
      %parallel_loop3A_47 = tpu.vector_load_idx %arg12[%parallel_loop3A_46] : memref<65536xf32, #tpu.memory_space<vmem>>[vector<16xi32>], vector<16xf32>,
      %parallel_loop3A_48 = arith.addf %broadcast_in_dim3A_4, %parallel_loop3A_47 : vector<16xf32>
      %parallel_loop3A_49 = arith.constant 1 : i32
      %parallel_loop3A_50 = vector.broadcast %parallel_loop3A_49 : i32 to vector<16xi32>
      %parallel_loop3A_51 = arith.addi %iota3A, %parallel_loop3A_50 : vector<16xi32>
      %parallel_loop3A_52 = arith.constant 15 : i32
      %parallel_loop3A_53 = vector.broadcast %parallel_loop3A_52 : i32 to vector<16xi32>
      %parallel_loop3A_54 = arith.andi %parallel_loop3A_51, %parallel_loop3A_53 : vector<16xi32>
      %parallel_loop3A_55 = arith.constant 256 : i32
      %parallel_loop3A_56 = arith.muli %parallel_loop3A_33, %parallel_loop3A_55 : i32
      %parallel_loop3A_57 = arith.constant 0 : i32
      %parallel_loop3A_58 = arith.addi %parallel_loop3A_57, %parallel_loop3A_56 : i32
      %parallel_loop3A_59 = vector.broadcast %parallel_loop3A_58 : i32 to vector<16xi32>
      %parallel_loop3A_60 = arith.addi %parallel_loop3A_59, %mul3A_3 : vector<16xi32>
      %parallel_loop3A_61 = arith.addi %parallel_loop3A_60, %parallel_loop3A_54 : vector<16xi32>
      %parallel_loop3A_62 = tpu.vector_load_idx %arg12[%parallel_loop3A_61] : memref<65536xf32, #tpu.memory_space<vmem>>[vector<16xi32>], vector<16xf32>,
      %parallel_loop3A_63 = arith.addf %parallel_loop3A_48, %parallel_loop3A_62 : vector<16xf32>
      %parallel_loop3A_64 = arith.constant 2 : i32
      %parallel_loop3A_65 = vector.broadcast %parallel_loop3A_64 : i32 to vector<16xi32>
      %parallel_loop3A_66 = arith.addi %iota3A, %parallel_loop3A_65 : vector<16xi32>
      %parallel_loop3A_67 = arith.constant 15 : i32
      %parallel_loop3A_68 = vector.broadcast %parallel_loop3A_67 : i32 to vector<16xi32>
      %parallel_loop3A_69 = arith.andi %parallel_loop3A_66, %parallel_loop3A_68 : vector<16xi32>
      %parallel_loop3A_70 = arith.constant 256 : i32
      %parallel_loop3A_71 = arith.muli %parallel_loop3A_33, %parallel_loop3A_70 : i32
      %parallel_loop3A_72 = arith.constant 0 : i32
      %parallel_loop3A_73 = arith.addi %parallel_loop3A_72, %parallel_loop3A_71 : i32
      %parallel_loop3A_74 = vector.broadcast %parallel_loop3A_73 : i32 to vector<16xi32>
      %parallel_loop3A_75 = arith.addi %parallel_loop3A_74, %mul3A_3 : vector<16xi32>
      %parallel_loop3A_76 = arith.addi %parallel_loop3A_75, %parallel_loop3A_69 : vector<16xi32>
      %parallel_loop3A_77 = tpu.vector_load_idx %arg12[%parallel_loop3A_76] : memref<65536xf32, #tpu.memory_space<vmem>>[vector<16xi32>], vector<16xf32>,
      %parallel_loop3A_78 = arith.addf %parallel_loop3A_63, %parallel_loop3A_77 : vector<16xf32>
      %parallel_loop3A_79 = arith.constant 3 : i32
      %parallel_loop3A_80 = vector.broadcast %parallel_loop3A_79 : i32 to vector<16xi32>
      %parallel_loop3A_81 = arith.addi %iota3A, %parallel_loop3A_80 : vector<16xi32>
      %parallel_loop3A_82 = arith.constant 15 : i32
      %parallel_loop3A_83 = vector.broadcast %parallel_loop3A_82 : i32 to vector<16xi32>
      %parallel_loop3A_84 = arith.andi %parallel_loop3A_81, %parallel_loop3A_83 : vector<16xi32>
      %parallel_loop3A_85 = arith.constant 256 : i32
      %parallel_loop3A_86 = arith.muli %parallel_loop3A_33, %parallel_loop3A_85 : i32
      %parallel_loop3A_87 = arith.constant 0 : i32
      %parallel_loop3A_88 = arith.addi %parallel_loop3A_87, %parallel_loop3A_86 : i32
      %parallel_loop3A_89 = vector.broadcast %parallel_loop3A_88 : i32 to vector<16xi32>
      %parallel_loop3A_90 = arith.addi %parallel_loop3A_89, %mul3A_3 : vector<16xi32>
      %parallel_loop3A_91 = arith.addi %parallel_loop3A_90, %parallel_loop3A_84 : vector<16xi32>
      %parallel_loop3A_92 = tpu.vector_load_idx %arg12[%parallel_loop3A_91] : memref<65536xf32, #tpu.memory_space<vmem>>[vector<16xi32>], vector<16xf32>,
      %parallel_loop3A_93 = arith.addf %parallel_loop3A_78, %parallel_loop3A_92 : vector<16xf32>
      %parallel_loop3A_94 = arith.constant 4 : i32
      %parallel_loop3A_95 = vector.broadcast %parallel_loop3A_94 : i32 to vector<16xi32>
      %parallel_loop3A_96 = arith.addi %iota3A, %parallel_loop3A_95 : vector<16xi32>
      %parallel_loop3A_97 = arith.constant 15 : i32
      %parallel_loop3A_98 = vector.broadcast %parallel_loop3A_97 : i32 to vector<16xi32>
      %parallel_loop3A_99 = arith.andi %parallel_loop3A_96, %parallel_loop3A_98 : vector<16xi32>
      %parallel_loop3A_100 = arith.constant 256 : i32
      %parallel_loop3A_101 = arith.muli %parallel_loop3A_33, %parallel_loop3A_100 : i32
      %parallel_loop3A_102 = arith.constant 0 : i32
      %parallel_loop3A_103 = arith.addi %parallel_loop3A_102, %parallel_loop3A_101 : i32
      %parallel_loop3A_104 = vector.broadcast %parallel_loop3A_103 : i32 to vector<16xi32>
      %parallel_loop3A_105 = arith.addi %parallel_loop3A_104, %mul3A_3 : vector<16xi32>
      %parallel_loop3A_106 = arith.addi %parallel_loop3A_105, %parallel_loop3A_99 : vector<16xi32>
      %parallel_loop3A_107 = tpu.vector_load_idx %arg12[%parallel_loop3A_106] : memref<65536xf32, #tpu.memory_space<vmem>>[vector<16xi32>], vector<16xf32>,
      %parallel_loop3A_108 = arith.addf %parallel_loop3A_93, %parallel_loop3A_107 : vector<16xf32>
      %parallel_loop3A_109 = arith.constant 5 : i32
      %parallel_loop3A_110 = vector.broadcast %parallel_loop3A_109 : i32 to vector<16xi32>
      %parallel_loop3A_111 = arith.addi %iota3A, %parallel_loop3A_110 : vector<16xi32>
      %parallel_loop3A_112 = arith.constant 15 : i32
      %parallel_loop3A_113 = vector.broadcast %parallel_loop3A_112 : i32 to vector<16xi32>
      %parallel_loop3A_114 = arith.andi %parallel_loop3A_111, %parallel_loop3A_113 : vector<16xi32>
      %parallel_loop3A_115 = arith.constant 256 : i32
      %parallel_loop3A_116 = arith.muli %parallel_loop3A_33, %parallel_loop3A_115 : i32
      %parallel_loop3A_117 = arith.constant 0 : i32
      %parallel_loop3A_118 = arith.addi %parallel_loop3A_117, %parallel_loop3A_116 : i32
      %parallel_loop3A_119 = vector.broadcast %parallel_loop3A_118 : i32 to vector<16xi32>
      %parallel_loop3A_120 = arith.addi %parallel_loop3A_119, %mul3A_3 : vector<16xi32>
      %parallel_loop3A_121 = arith.addi %parallel_loop3A_120, %parallel_loop3A_114 : vector<16xi32>
      %parallel_loop3A_122 = tpu.vector_load_idx %arg12[%parallel_loop3A_121] : memref<65536xf32, #tpu.memory_space<vmem>>[vector<16xi32>], vector<16xf32>,
      %parallel_loop3A_123 = arith.addf %parallel_loop3A_108, %parallel_loop3A_122 : vector<16xf32>
      %parallel_loop3A_124 = arith.constant 6 : i32
      %parallel_loop3A_125 = vector.broadcast %parallel_loop3A_124 : i32 to vector<16xi32>
      %parallel_loop3A_126 = arith.addi %iota3A, %parallel_loop3A_125 : vector<16xi32>
      %parallel_loop3A_127 = arith.constant 15 : i32
      %parallel_loop3A_128 = vector.broadcast %parallel_loop3A_127 : i32 to vector<16xi32>
      %parallel_loop3A_129 = arith.andi %parallel_loop3A_126, %parallel_loop3A_128 : vector<16xi32>
      %parallel_loop3A_130 = arith.constant 256 : i32
      %parallel_loop3A_131 = arith.muli %parallel_loop3A_33, %parallel_loop3A_130 : i32
      %parallel_loop3A_132 = arith.constant 0 : i32
      %parallel_loop3A_133 = arith.addi %parallel_loop3A_132, %parallel_loop3A_131 : i32
      %parallel_loop3A_134 = vector.broadcast %parallel_loop3A_133 : i32 to vector<16xi32>
      %parallel_loop3A_135 = arith.addi %parallel_loop3A_134, %mul3A_3 : vector<16xi32>
      %parallel_loop3A_136 = arith.addi %parallel_loop3A_135, %parallel_loop3A_129 : vector<16xi32>
      %parallel_loop3A_137 = tpu.vector_load_idx %arg12[%parallel_loop3A_136] : memref<65536xf32, #tpu.memory_space<vmem>>[vector<16xi32>], vector<16xf32>,
      %parallel_loop3A_138 = arith.addf %parallel_loop3A_123, %parallel_loop3A_137 : vector<16xf32>
      %parallel_loop3A_139 = arith.constant 7 : i32
      %parallel_loop3A_140 = vector.broadcast %parallel_loop3A_139 : i32 to vector<16xi32>
      %parallel_loop3A_141 = arith.addi %iota3A, %parallel_loop3A_140 : vector<16xi32>
      %parallel_loop3A_142 = arith.constant 15 : i32
      %parallel_loop3A_143 = vector.broadcast %parallel_loop3A_142 : i32 to vector<16xi32>
      %parallel_loop3A_144 = arith.andi %parallel_loop3A_141, %parallel_loop3A_143 : vector<16xi32>
      %parallel_loop3A_145 = arith.constant 256 : i32
      %parallel_loop3A_146 = arith.muli %parallel_loop3A_33, %parallel_loop3A_145 : i32
      %parallel_loop3A_147 = arith.constant 0 : i32
      %parallel_loop3A_148 = arith.addi %parallel_loop3A_147, %parallel_loop3A_146 : i32
      %parallel_loop3A_149 = vector.broadcast %parallel_loop3A_148 : i32 to vector<16xi32>
      %parallel_loop3A_150 = arith.addi %parallel_loop3A_149, %mul3A_3 : vector<16xi32>
      %parallel_loop3A_151 = arith.addi %parallel_loop3A_150, %parallel_loop3A_144 : vector<16xi32>
      %parallel_loop3A_152 = tpu.vector_load_idx %arg12[%parallel_loop3A_151] : memref<65536xf32, #tpu.memory_space<vmem>>[vector<16xi32>], vector<16xf32>,
      %parallel_loop3A_153 = arith.addf %parallel_loop3A_138, %parallel_loop3A_152 : vector<16xf32>
      %parallel_loop3A_154 = arith.constant 8 : i32
      %parallel_loop3A_155 = vector.broadcast %parallel_loop3A_154 : i32 to vector<16xi32>
      %parallel_loop3A_156 = arith.addi %iota3A, %parallel_loop3A_155 : vector<16xi32>
      %parallel_loop3A_157 = arith.constant 15 : i32
      %parallel_loop3A_158 = vector.broadcast %parallel_loop3A_157 : i32 to vector<16xi32>
      %parallel_loop3A_159 = arith.andi %parallel_loop3A_156, %parallel_loop3A_158 : vector<16xi32>
      %parallel_loop3A_160 = arith.constant 256 : i32
      %parallel_loop3A_161 = arith.muli %parallel_loop3A_33, %parallel_loop3A_160 : i32
      %parallel_loop3A_162 = arith.constant 0 : i32
      %parallel_loop3A_163 = arith.addi %parallel_loop3A_162, %parallel_loop3A_161 : i32
      %parallel_loop3A_164 = vector.broadcast %parallel_loop3A_163 : i32 to vector<16xi32>
      %parallel_loop3A_165 = arith.addi %parallel_loop3A_164, %mul3A_3 : vector<16xi32>
      %parallel_loop3A_166 = arith.addi %parallel_loop3A_165, %parallel_loop3A_159 : vector<16xi32>
      %parallel_loop3A_167 = tpu.vector_load_idx %arg12[%parallel_loop3A_166] : memref<65536xf32, #tpu.memory_space<vmem>>[vector<16xi32>], vector<16xf32>,
      %parallel_loop3A_168 = arith.addf %parallel_loop3A_153, %parallel_loop3A_167 : vector<16xf32>
      %parallel_loop3A_169 = arith.constant 9 : i32
      %parallel_loop3A_170 = vector.broadcast %parallel_loop3A_169 : i32 to vector<16xi32>
      %parallel_loop3A_171 = arith.addi %iota3A, %parallel_loop3A_170 : vector<16xi32>
      %parallel_loop3A_172 = arith.constant 15 : i32
      %parallel_loop3A_173 = vector.broadcast %parallel_loop3A_172 : i32 to vector<16xi32>
      %parallel_loop3A_174 = arith.andi %parallel_loop3A_171, %parallel_loop3A_173 : vector<16xi32>
      %parallel_loop3A_175 = arith.constant 256 : i32
      %parallel_loop3A_176 = arith.muli %parallel_loop3A_33, %parallel_loop3A_175 : i32
      %parallel_loop3A_177 = arith.constant 0 : i32
      %parallel_loop3A_178 = arith.addi %parallel_loop3A_177, %parallel_loop3A_176 : i32
      %parallel_loop3A_179 = vector.broadcast %parallel_loop3A_178 : i32 to vector<16xi32>
      %parallel_loop3A_180 = arith.addi %parallel_loop3A_179, %mul3A_3 : vector<16xi32>
      %parallel_loop3A_181 = arith.addi %parallel_loop3A_180, %parallel_loop3A_174 : vector<16xi32>
      %parallel_loop3A_182 = tpu.vector_load_idx %arg12[%parallel_loop3A_181] : memref<65536xf32, #tpu.memory_space<vmem>>[vector<16xi32>], vector<16xf32>,
      %parallel_loop3A_183 = arith.addf %parallel_loop3A_168, %parallel_loop3A_182 : vector<16xf32>
      %parallel_loop3A_184 = arith.constant 10 : i32
      %parallel_loop3A_185 = vector.broadcast %parallel_loop3A_184 : i32 to vector<16xi32>
      %parallel_loop3A_186 = arith.addi %iota3A, %parallel_loop3A_185 : vector<16xi32>
      %parallel_loop3A_187 = arith.constant 15 : i32
      %parallel_loop3A_188 = vector.broadcast %parallel_loop3A_187 : i32 to vector<16xi32>
      %parallel_loop3A_189 = arith.andi %parallel_loop3A_186, %parallel_loop3A_188 : vector<16xi32>
      %parallel_loop3A_190 = arith.constant 256 : i32
      %parallel_loop3A_191 = arith.muli %parallel_loop3A_33, %parallel_loop3A_190 : i32
      %parallel_loop3A_192 = arith.constant 0 : i32
      %parallel_loop3A_193 = arith.addi %parallel_loop3A_192, %parallel_loop3A_191 : i32
      %parallel_loop3A_194 = vector.broadcast %parallel_loop3A_193 : i32 to vector<16xi32>
      %parallel_loop3A_195 = arith.addi %parallel_loop3A_194, %mul3A_3 : vector<16xi32>
      %parallel_loop3A_196 = arith.addi %parallel_loop3A_195, %parallel_loop3A_189 : vector<16xi32>
      %parallel_loop3A_197 = tpu.vector_load_idx %arg12[%parallel_loop3A_196] : memref<65536xf32, #tpu.memory_space<vmem>>[vector<16xi32>], vector<16xf32>,
      %parallel_loop3A_198 = arith.addf %parallel_loop3A_183, %parallel_loop3A_197 : vector<16xf32>
      %parallel_loop3A_199 = arith.constant 11 : i32
      %parallel_loop3A_200 = vector.broadcast %parallel_loop3A_199 : i32 to vector<16xi32>
      %parallel_loop3A_201 = arith.addi %iota3A, %parallel_loop3A_200 : vector<16xi32>
      %parallel_loop3A_202 = arith.constant 15 : i32
      %parallel_loop3A_203 = vector.broadcast %parallel_loop3A_202 : i32 to vector<16xi32>
      %parallel_loop3A_204 = arith.andi %parallel_loop3A_201, %parallel_loop3A_203 : vector<16xi32>
      %parallel_loop3A_205 = arith.constant 256 : i32
      %parallel_loop3A_206 = arith.muli %parallel_loop3A_33, %parallel_loop3A_205 : i32
      %parallel_loop3A_207 = arith.constant 0 : i32
      %parallel_loop3A_208 = arith.addi %parallel_loop3A_207, %parallel_loop3A_206 : i32
      %parallel_loop3A_209 = vector.broadcast %parallel_loop3A_208 : i32 to vector<16xi32>
      %parallel_loop3A_210 = arith.addi %parallel_loop3A_209, %mul3A_3 : vector<16xi32>
      %parallel_loop3A_211 = arith.addi %parallel_loop3A_210, %parallel_loop3A_204 : vector<16xi32>
      %parallel_loop3A_212 = tpu.vector_load_idx %arg12[%parallel_loop3A_211] : memref<65536xf32, #tpu.memory_space<vmem>>[vector<16xi32>], vector<16xf32>,
      %parallel_loop3A_213 = arith.addf %parallel_loop3A_198, %parallel_loop3A_212 : vector<16xf32>
      %parallel_loop3A_214 = arith.constant 12 : i32
      %parallel_loop3A_215 = vector.broadcast %parallel_loop3A_214 : i32 to vector<16xi32>
      %parallel_loop3A_216 = arith.addi %iota3A, %parallel_loop3A_215 : vector<16xi32>
      %parallel_loop3A_217 = arith.constant 15 : i32
      %parallel_loop3A_218 = vector.broadcast %parallel_loop3A_217 : i32 to vector<16xi32>
      %parallel_loop3A_219 = arith.andi %parallel_loop3A_216, %parallel_loop3A_218 : vector<16xi32>
      %parallel_loop3A_220 = arith.constant 256 : i32
      %parallel_loop3A_221 = arith.muli %parallel_loop3A_33, %parallel_loop3A_220 : i32
      %parallel_loop3A_222 = arith.constant 0 : i32
      %parallel_loop3A_223 = arith.addi %parallel_loop3A_222, %parallel_loop3A_221 : i32
      %parallel_loop3A_224 = vector.broadcast %parallel_loop3A_223 : i32 to vector<16xi32>
      %parallel_loop3A_225 = arith.addi %parallel_loop3A_224, %mul3A_3 : vector<16xi32>
      %parallel_loop3A_226 = arith.addi %parallel_loop3A_225, %parallel_loop3A_219 : vector<16xi32>
      %parallel_loop3A_227 = tpu.vector_load_idx %arg12[%parallel_loop3A_226] : memref<65536xf32, #tpu.memory_space<vmem>>[vector<16xi32>], vector<16xf32>,
      %parallel_loop3A_228 = arith.addf %parallel_loop3A_213, %parallel_loop3A_227 : vector<16xf32>
      %parallel_loop3A_229 = arith.constant 13 : i32
      %parallel_loop3A_230 = vector.broadcast %parallel_loop3A_229 : i32 to vector<16xi32>
      %parallel_loop3A_231 = arith.addi %iota3A, %parallel_loop3A_230 : vector<16xi32>
      %parallel_loop3A_232 = arith.constant 15 : i32
      %parallel_loop3A_233 = vector.broadcast %parallel_loop3A_232 : i32 to vector<16xi32>
      %parallel_loop3A_234 = arith.andi %parallel_loop3A_231, %parallel_loop3A_233 : vector<16xi32>
      %parallel_loop3A_235 = arith.constant 256 : i32
      %parallel_loop3A_236 = arith.muli %parallel_loop3A_33, %parallel_loop3A_235 : i32
      %parallel_loop3A_237 = arith.constant 0 : i32
      %parallel_loop3A_238 = arith.addi %parallel_loop3A_237, %parallel_loop3A_236 : i32
      %parallel_loop3A_239 = vector.broadcast %parallel_loop3A_238 : i32 to vector<16xi32>
      %parallel_loop3A_240 = arith.addi %parallel_loop3A_239, %mul3A_3 : vector<16xi32>
      %parallel_loop3A_241 = arith.addi %parallel_loop3A_240, %parallel_loop3A_234 : vector<16xi32>
      %parallel_loop3A_242 = tpu.vector_load_idx %arg12[%parallel_loop3A_241] : memref<65536xf32, #tpu.memory_space<vmem>>[vector<16xi32>], vector<16xf32>,
      %parallel_loop3A_243 = arith.addf %parallel_loop3A_228, %parallel_loop3A_242 : vector<16xf32>
      %parallel_loop3A_244 = arith.constant 14 : i32
      %parallel_loop3A_245 = vector.broadcast %parallel_loop3A_244 : i32 to vector<16xi32>
      %parallel_loop3A_246 = arith.addi %iota3A, %parallel_loop3A_245 : vector<16xi32>
      %parallel_loop3A_247 = arith.constant 15 : i32
      %parallel_loop3A_248 = vector.broadcast %parallel_loop3A_247 : i32 to vector<16xi32>
      %parallel_loop3A_249 = arith.andi %parallel_loop3A_246, %parallel_loop3A_248 : vector<16xi32>
      %parallel_loop3A_250 = arith.constant 256 : i32
      %parallel_loop3A_251 = arith.muli %parallel_loop3A_33, %parallel_loop3A_250 : i32
      %parallel_loop3A_252 = arith.constant 0 : i32
      %parallel_loop3A_253 = arith.addi %parallel_loop3A_252, %parallel_loop3A_251 : i32
      %parallel_loop3A_254 = vector.broadcast %parallel_loop3A_253 : i32 to vector<16xi32>
      %parallel_loop3A_255 = arith.addi %parallel_loop3A_254, %mul3A_3 : vector<16xi32>
      %parallel_loop3A_256 = arith.addi %parallel_loop3A_255, %parallel_loop3A_249 : vector<16xi32>
      %parallel_loop3A_257 = tpu.vector_load_idx %arg12[%parallel_loop3A_256] : memref<65536xf32, #tpu.memory_space<vmem>>[vector<16xi32>], vector<16xf32>,
      %parallel_loop3A_258 = arith.addf %parallel_loop3A_243, %parallel_loop3A_257 : vector<16xf32>
      %parallel_loop3A_259 = arith.constant 15 : i32
      %parallel_loop3A_260 = vector.broadcast %parallel_loop3A_259 : i32 to vector<16xi32>
      %parallel_loop3A_261 = arith.addi %iota3A, %parallel_loop3A_260 : vector<16xi32>
      %parallel_loop3A_262 = arith.constant 15 : i32
      %parallel_loop3A_263 = vector.broadcast %parallel_loop3A_262 : i32 to vector<16xi32>
      %parallel_loop3A_264 = arith.andi %parallel_loop3A_261, %parallel_loop3A_263 : vector<16xi32>
      %parallel_loop3A_265 = arith.constant 256 : i32
      %parallel_loop3A_266 = arith.muli %parallel_loop3A_33, %parallel_loop3A_265 : i32
      %parallel_loop3A_267 = arith.constant 0 : i32
      %parallel_loop3A_268 = arith.addi %parallel_loop3A_267, %parallel_loop3A_266 : i32
      %parallel_loop3A_269 = vector.broadcast %parallel_loop3A_268 : i32 to vector<16xi32>
      %parallel_loop3A_270 = arith.addi %parallel_loop3A_269, %mul3A_3 : vector<16xi32>
      %parallel_loop3A_271 = arith.addi %parallel_loop3A_270, %parallel_loop3A_264 : vector<16xi32>
      %parallel_loop3A_272 = tpu.vector_load_idx %arg12[%parallel_loop3A_271] : memref<65536xf32, #tpu.memory_space<vmem>>[vector<16xi32>], vector<16xf32>,
      %parallel_loop3A_273 = arith.addf %parallel_loop3A_258, %parallel_loop3A_272 : vector<16xf32>
      %parallel_loop3A_274 = arith.constant 0 : i32
      %parallel_loop3A_275 = vector.broadcast %parallel_loop3A_274 : i32 to vector<16xi32>
      %parallel_loop3A_276 = arith.addi %iota3A, %parallel_loop3A_275 : vector<16xi32>
      %parallel_loop3A_277 = arith.constant 15 : i32
      %parallel_loop3A_278 = vector.broadcast %parallel_loop3A_277 : i32 to vector<16xi32>
      %parallel_loop3A_279 = arith.andi %parallel_loop3A_276, %parallel_loop3A_278 : vector<16xi32>
      %parallel_loop3A_280 = arith.constant 256 : i32
      %parallel_loop3A_281 = arith.muli %parallel_loop3A_33, %parallel_loop3A_280 : i32
      %parallel_loop3A_282 = arith.constant 16384 : i32
      %parallel_loop3A_283 = arith.addi %parallel_loop3A_282, %parallel_loop3A_281 : i32
      %parallel_loop3A_284 = vector.broadcast %parallel_loop3A_283 : i32 to vector<16xi32>
      %parallel_loop3A_285 = arith.addi %parallel_loop3A_284, %mul3A_3 : vector<16xi32>
      %parallel_loop3A_286 = arith.addi %parallel_loop3A_285, %parallel_loop3A_279 : vector<16xi32>
      %parallel_loop3A_287 = tpu.vector_load_idx %arg12[%parallel_loop3A_286] : memref<65536xf32, #tpu.memory_space<vmem>>[vector<16xi32>], vector<16xf32>,
      %parallel_loop3A_288 = arith.addf %parallel_loop3A_273, %parallel_loop3A_287 : vector<16xf32>
      %parallel_loop3A_289 = arith.constant 1 : i32
      %parallel_loop3A_290 = vector.broadcast %parallel_loop3A_289 : i32 to vector<16xi32>
      %parallel_loop3A_291 = arith.addi %iota3A, %parallel_loop3A_290 : vector<16xi32>
      %parallel_loop3A_292 = arith.constant 15 : i32
      %parallel_loop3A_293 = vector.broadcast %parallel_loop3A_292 : i32 to vector<16xi32>
      %parallel_loop3A_294 = arith.andi %parallel_loop3A_291, %parallel_loop3A_293 : vector<16xi32>
      %parallel_loop3A_295 = arith.constant 256 : i32
      %parallel_loop3A_296 = arith.muli %parallel_loop3A_33, %parallel_loop3A_295 : i32
      %parallel_loop3A_297 = arith.constant 16384 : i32
      %parallel_loop3A_298 = arith.addi %parallel_loop3A_297, %parallel_loop3A_296 : i32
      %parallel_loop3A_299 = vector.broadcast %parallel_loop3A_298 : i32 to vector<16xi32>
      %parallel_loop3A_300 = arith.addi %parallel_loop3A_299, %mul3A_3 : vector<16xi32>
      %parallel_loop3A_301 = arith.addi %parallel_loop3A_300, %parallel_loop3A_294 : vector<16xi32>
      %parallel_loop3A_302 = tpu.vector_load_idx %arg12[%parallel_loop3A_301] : memref<65536xf32, #tpu.memory_space<vmem>>[vector<16xi32>], vector<16xf32>,
      %parallel_loop3A_303 = arith.addf %parallel_loop3A_288, %parallel_loop3A_302 : vector<16xf32>
      %parallel_loop3A_304 = arith.constant 2 : i32
      %parallel_loop3A_305 = vector.broadcast %parallel_loop3A_304 : i32 to vector<16xi32>
      %parallel_loop3A_306 = arith.addi %iota3A, %parallel_loop3A_305 : vector<16xi32>
      %parallel_loop3A_307 = arith.constant 15 : i32
      %parallel_loop3A_308 = vector.broadcast %parallel_loop3A_307 : i32 to vector<16xi32>
      %parallel_loop3A_309 = arith.andi %parallel_loop3A_306, %parallel_loop3A_308 : vector<16xi32>
      %parallel_loop3A_310 = arith.constant 256 : i32
      %parallel_loop3A_311 = arith.muli %parallel_loop3A_33, %parallel_loop3A_310 : i32
      %parallel_loop3A_312 = arith.constant 16384 : i32
      %parallel_loop3A_313 = arith.addi %parallel_loop3A_312, %parallel_loop3A_311 : i32
      %parallel_loop3A_314 = vector.broadcast %parallel_loop3A_313 : i32 to vector<16xi32>
      %parallel_loop3A_315 = arith.addi %parallel_loop3A_314, %mul3A_3 : vector<16xi32>
      %parallel_loop3A_316 = arith.addi %parallel_loop3A_315, %parallel_loop3A_309 : vector<16xi32>
      %parallel_loop3A_317 = tpu.vector_load_idx %arg12[%parallel_loop3A_316] : memref<65536xf32, #tpu.memory_space<vmem>>[vector<16xi32>], vector<16xf32>,
      %parallel_loop3A_318 = arith.addf %parallel_loop3A_303, %parallel_loop3A_317 : vector<16xf32>
      %parallel_loop3A_319 = arith.constant 3 : i32
      %parallel_loop3A_320 = vector.broadcast %parallel_loop3A_319 : i32 to vector<16xi32>
      %parallel_loop3A_321 = arith.addi %iota3A, %parallel_loop3A_320 : vector<16xi32>
      %parallel_loop3A_322 = arith.constant 15 : i32
      %parallel_loop3A_323 = vector.broadcast %parallel_loop3A_322 : i32 to vector<16xi32>
      %parallel_loop3A_324 = arith.andi %parallel_loop3A_321, %parallel_loop3A_323 : vector<16xi32>
      %parallel_loop3A_325 = arith.constant 256 : i32
      %parallel_loop3A_326 = arith.muli %parallel_loop3A_33, %parallel_loop3A_325 : i32
      %parallel_loop3A_327 = arith.constant 16384 : i32
      %parallel_loop3A_328 = arith.addi %parallel_loop3A_327, %parallel_loop3A_326 : i32
      %parallel_loop3A_329 = vector.broadcast %parallel_loop3A_328 : i32 to vector<16xi32>
      %parallel_loop3A_330 = arith.addi %parallel_loop3A_329, %mul3A_3 : vector<16xi32>
      %parallel_loop3A_331 = arith.addi %parallel_loop3A_330, %parallel_loop3A_324 : vector<16xi32>
      %parallel_loop3A_332 = tpu.vector_load_idx %arg12[%parallel_loop3A_331] : memref<65536xf32, #tpu.memory_space<vmem>>[vector<16xi32>], vector<16xf32>,
      %parallel_loop3A_333 = arith.addf %parallel_loop3A_318, %parallel_loop3A_332 : vector<16xf32>
      %parallel_loop3A_334 = arith.constant 4 : i32
      %parallel_loop3A_335 = vector.broadcast %parallel_loop3A_334 : i32 to vector<16xi32>
      %parallel_loop3A_336 = arith.addi %iota3A, %parallel_loop3A_335 : vector<16xi32>
      %parallel_loop3A_337 = arith.constant 15 : i32
      %parallel_loop3A_338 = vector.broadcast %parallel_loop3A_337 : i32 to vector<16xi32>
      %parallel_loop3A_339 = arith.andi %parallel_loop3A_336, %parallel_loop3A_338 : vector<16xi32>
      %parallel_loop3A_340 = arith.constant 256 : i32
      %parallel_loop3A_341 = arith.muli %parallel_loop3A_33, %parallel_loop3A_340 : i32
      %parallel_loop3A_342 = arith.constant 16384 : i32
      %parallel_loop3A_343 = arith.addi %parallel_loop3A_342, %parallel_loop3A_341 : i32
      %parallel_loop3A_344 = vector.broadcast %parallel_loop3A_343 : i32 to vector<16xi32>
      %parallel_loop3A_345 = arith.addi %parallel_loop3A_344, %mul3A_3 : vector<16xi32>
      %parallel_loop3A_346 = arith.addi %parallel_loop3A_345, %parallel_loop3A_339 : vector<16xi32>
      %parallel_loop3A_347 = tpu.vector_load_idx %arg12[%parallel_loop3A_346] : memref<65536xf32, #tpu.memory_space<vmem>>[vector<16xi32>], vector<16xf32>,
      %parallel_loop3A_348 = arith.addf %parallel_loop3A_333, %parallel_loop3A_347 : vector<16xf32>
      %parallel_loop3A_349 = arith.constant 5 : i32
      %parallel_loop3A_350 = vector.broadcast %parallel_loop3A_349 : i32 to vector<16xi32>
      %parallel_loop3A_351 = arith.addi %iota3A, %parallel_loop3A_350 : vector<16xi32>
      %parallel_loop3A_352 = arith.constant 15 : i32
      %parallel_loop3A_353 = vector.broadcast %parallel_loop3A_352 : i32 to vector<16xi32>
      %parallel_loop3A_354 = arith.andi %parallel_loop3A_351, %parallel_loop3A_353 : vector<16xi32>
      %parallel_loop3A_355 = arith.constant 256 : i32
      %parallel_loop3A_356 = arith.muli %parallel_loop3A_33, %parallel_loop3A_355 : i32
      %parallel_loop3A_357 = arith.constant 16384 : i32
      %parallel_loop3A_358 = arith.addi %parallel_loop3A_357, %parallel_loop3A_356 : i32
      %parallel_loop3A_359 = vector.broadcast %parallel_loop3A_358 : i32 to vector<16xi32>
      %parallel_loop3A_360 = arith.addi %parallel_loop3A_359, %mul3A_3 : vector<16xi32>
      %parallel_loop3A_361 = arith.addi %parallel_loop3A_360, %parallel_loop3A_354 : vector<16xi32>
      %parallel_loop3A_362 = tpu.vector_load_idx %arg12[%parallel_loop3A_361] : memref<65536xf32, #tpu.memory_space<vmem>>[vector<16xi32>], vector<16xf32>,
      %parallel_loop3A_363 = arith.addf %parallel_loop3A_348, %parallel_loop3A_362 : vector<16xf32>
      %parallel_loop3A_364 = arith.constant 6 : i32
      %parallel_loop3A_365 = vector.broadcast %parallel_loop3A_364 : i32 to vector<16xi32>
      %parallel_loop3A_366 = arith.addi %iota3A, %parallel_loop3A_365 : vector<16xi32>
      %parallel_loop3A_367 = arith.constant 15 : i32
      %parallel_loop3A_368 = vector.broadcast %parallel_loop3A_367 : i32 to vector<16xi32>
      %parallel_loop3A_369 = arith.andi %parallel_loop3A_366, %parallel_loop3A_368 : vector<16xi32>
      %parallel_loop3A_370 = arith.constant 256 : i32
      %parallel_loop3A_371 = arith.muli %parallel_loop3A_33, %parallel_loop3A_370 : i32
      %parallel_loop3A_372 = arith.constant 16384 : i32
      %parallel_loop3A_373 = arith.addi %parallel_loop3A_372, %parallel_loop3A_371 : i32
      %parallel_loop3A_374 = vector.broadcast %parallel_loop3A_373 : i32 to vector<16xi32>
      %parallel_loop3A_375 = arith.addi %parallel_loop3A_374, %mul3A_3 : vector<16xi32>
      %parallel_loop3A_376 = arith.addi %parallel_loop3A_375, %parallel_loop3A_369 : vector<16xi32>
      %parallel_loop3A_377 = tpu.vector_load_idx %arg12[%parallel_loop3A_376] : memref<65536xf32, #tpu.memory_space<vmem>>[vector<16xi32>], vector<16xf32>,
      %parallel_loop3A_378 = arith.addf %parallel_loop3A_363, %parallel_loop3A_377 : vector<16xf32>
      %parallel_loop3A_379 = arith.constant 7 : i32
      %parallel_loop3A_380 = vector.broadcast %parallel_loop3A_379 : i32 to vector<16xi32>
      %parallel_loop3A_381 = arith.addi %iota3A, %parallel_loop3A_380 : vector<16xi32>
      %parallel_loop3A_382 = arith.constant 15 : i32
      %parallel_loop3A_383 = vector.broadcast %parallel_loop3A_382 : i32 to vector<16xi32>
      %parallel_loop3A_384 = arith.andi %parallel_loop3A_381, %parallel_loop3A_383 : vector<16xi32>
      %parallel_loop3A_385 = arith.constant 256 : i32
      %parallel_loop3A_386 = arith.muli %parallel_loop3A_33, %parallel_loop3A_385 : i32
      %parallel_loop3A_387 = arith.constant 16384 : i32
      %parallel_loop3A_388 = arith.addi %parallel_loop3A_387, %parallel_loop3A_386 : i32
      %parallel_loop3A_389 = vector.broadcast %parallel_loop3A_388 : i32 to vector<16xi32>
      %parallel_loop3A_390 = arith.addi %parallel_loop3A_389, %mul3A_3 : vector<16xi32>
      %parallel_loop3A_391 = arith.addi %parallel_loop3A_390, %parallel_loop3A_384 : vector<16xi32>
      %parallel_loop3A_392 = tpu.vector_load_idx %arg12[%parallel_loop3A_391] : memref<65536xf32, #tpu.memory_space<vmem>>[vector<16xi32>], vector<16xf32>,
      %parallel_loop3A_393 = arith.addf %parallel_loop3A_378, %parallel_loop3A_392 : vector<16xf32>
      %parallel_loop3A_394 = arith.constant 8 : i32
      %parallel_loop3A_395 = vector.broadcast %parallel_loop3A_394 : i32 to vector<16xi32>
      %parallel_loop3A_396 = arith.addi %iota3A, %parallel_loop3A_395 : vector<16xi32>
      %parallel_loop3A_397 = arith.constant 15 : i32
      %parallel_loop3A_398 = vector.broadcast %parallel_loop3A_397 : i32 to vector<16xi32>
      %parallel_loop3A_399 = arith.andi %parallel_loop3A_396, %parallel_loop3A_398 : vector<16xi32>
      %parallel_loop3A_400 = arith.constant 256 : i32
      %parallel_loop3A_401 = arith.muli %parallel_loop3A_33, %parallel_loop3A_400 : i32
      %parallel_loop3A_402 = arith.constant 16384 : i32
      %parallel_loop3A_403 = arith.addi %parallel_loop3A_402, %parallel_loop3A_401 : i32
      %parallel_loop3A_404 = vector.broadcast %parallel_loop3A_403 : i32 to vector<16xi32>
      %parallel_loop3A_405 = arith.addi %parallel_loop3A_404, %mul3A_3 : vector<16xi32>
      %parallel_loop3A_406 = arith.addi %parallel_loop3A_405, %parallel_loop3A_399 : vector<16xi32>
      %parallel_loop3A_407 = tpu.vector_load_idx %arg12[%parallel_loop3A_406] : memref<65536xf32, #tpu.memory_space<vmem>>[vector<16xi32>], vector<16xf32>,
      %parallel_loop3A_408 = arith.addf %parallel_loop3A_393, %parallel_loop3A_407 : vector<16xf32>
      %parallel_loop3A_409 = arith.constant 9 : i32
      %parallel_loop3A_410 = vector.broadcast %parallel_loop3A_409 : i32 to vector<16xi32>
      %parallel_loop3A_411 = arith.addi %iota3A, %parallel_loop3A_410 : vector<16xi32>
      %parallel_loop3A_412 = arith.constant 15 : i32
      %parallel_loop3A_413 = vector.broadcast %parallel_loop3A_412 : i32 to vector<16xi32>
      %parallel_loop3A_414 = arith.andi %parallel_loop3A_411, %parallel_loop3A_413 : vector<16xi32>
      %parallel_loop3A_415 = arith.constant 256 : i32
      %parallel_loop3A_416 = arith.muli %parallel_loop3A_33, %parallel_loop3A_415 : i32
      %parallel_loop3A_417 = arith.constant 16384 : i32
      %parallel_loop3A_418 = arith.addi %parallel_loop3A_417, %parallel_loop3A_416 : i32
      %parallel_loop3A_419 = vector.broadcast %parallel_loop3A_418 : i32 to vector<16xi32>
      %parallel_loop3A_420 = arith.addi %parallel_loop3A_419, %mul3A_3 : vector<16xi32>
      %parallel_loop3A_421 = arith.addi %parallel_loop3A_420, %parallel_loop3A_414 : vector<16xi32>
      %parallel_loop3A_422 = tpu.vector_load_idx %arg12[%parallel_loop3A_421] : memref<65536xf32, #tpu.memory_space<vmem>>[vector<16xi32>], vector<16xf32>,
      %parallel_loop3A_423 = arith.addf %parallel_loop3A_408, %parallel_loop3A_422 : vector<16xf32>
      %parallel_loop3A_424 = arith.constant 10 : i32
      %parallel_loop3A_425 = vector.broadcast %parallel_loop3A_424 : i32 to vector<16xi32>
      %parallel_loop3A_426 = arith.addi %iota3A, %parallel_loop3A_425 : vector<16xi32>
      %parallel_loop3A_427 = arith.constant 15 : i32
      %parallel_loop3A_428 = vector.broadcast %parallel_loop3A_427 : i32 to vector<16xi32>
      %parallel_loop3A_429 = arith.andi %parallel_loop3A_426, %parallel_loop3A_428 : vector<16xi32>
      %parallel_loop3A_430 = arith.constant 256 : i32
      %parallel_loop3A_431 = arith.muli %parallel_loop3A_33, %parallel_loop3A_430 : i32
      %parallel_loop3A_432 = arith.constant 16384 : i32
      %parallel_loop3A_433 = arith.addi %parallel_loop3A_432, %parallel_loop3A_431 : i32
      %parallel_loop3A_434 = vector.broadcast %parallel_loop3A_433 : i32 to vector<16xi32>
      %parallel_loop3A_435 = arith.addi %parallel_loop3A_434, %mul3A_3 : vector<16xi32>
      %parallel_loop3A_436 = arith.addi %parallel_loop3A_435, %parallel_loop3A_429 : vector<16xi32>
      %parallel_loop3A_437 = tpu.vector_load_idx %arg12[%parallel_loop3A_436] : memref<65536xf32, #tpu.memory_space<vmem>>[vector<16xi32>], vector<16xf32>,
      %parallel_loop3A_438 = arith.addf %parallel_loop3A_423, %parallel_loop3A_437 : vector<16xf32>
      %parallel_loop3A_439 = arith.constant 11 : i32
      %parallel_loop3A_440 = vector.broadcast %parallel_loop3A_439 : i32 to vector<16xi32>
      %parallel_loop3A_441 = arith.addi %iota3A, %parallel_loop3A_440 : vector<16xi32>
      %parallel_loop3A_442 = arith.constant 15 : i32
      %parallel_loop3A_443 = vector.broadcast %parallel_loop3A_442 : i32 to vector<16xi32>
      %parallel_loop3A_444 = arith.andi %parallel_loop3A_441, %parallel_loop3A_443 : vector<16xi32>
      %parallel_loop3A_445 = arith.constant 256 : i32
      %parallel_loop3A_446 = arith.muli %parallel_loop3A_33, %parallel_loop3A_445 : i32
      %parallel_loop3A_447 = arith.constant 16384 : i32
      %parallel_loop3A_448 = arith.addi %parallel_loop3A_447, %parallel_loop3A_446 : i32
      %parallel_loop3A_449 = vector.broadcast %parallel_loop3A_448 : i32 to vector<16xi32>
      %parallel_loop3A_450 = arith.addi %parallel_loop3A_449, %mul3A_3 : vector<16xi32>
      %parallel_loop3A_451 = arith.addi %parallel_loop3A_450, %parallel_loop3A_444 : vector<16xi32>
      %parallel_loop3A_452 = tpu.vector_load_idx %arg12[%parallel_loop3A_451] : memref<65536xf32, #tpu.memory_space<vmem>>[vector<16xi32>], vector<16xf32>,
      %parallel_loop3A_453 = arith.addf %parallel_loop3A_438, %parallel_loop3A_452 : vector<16xf32>
      %parallel_loop3A_454 = arith.constant 12 : i32
      %parallel_loop3A_455 = vector.broadcast %parallel_loop3A_454 : i32 to vector<16xi32>
      %parallel_loop3A_456 = arith.addi %iota3A, %parallel_loop3A_455 : vector<16xi32>
      %parallel_loop3A_457 = arith.constant 15 : i32
      %parallel_loop3A_458 = vector.broadcast %parallel_loop3A_457 : i32 to vector<16xi32>
      %parallel_loop3A_459 = arith.andi %parallel_loop3A_456, %parallel_loop3A_458 : vector<16xi32>
      %parallel_loop3A_460 = arith.constant 256 : i32
      %parallel_loop3A_461 = arith.muli %parallel_loop3A_33, %parallel_loop3A_460 : i32
      %parallel_loop3A_462 = arith.constant 16384 : i32
      %parallel_loop3A_463 = arith.addi %parallel_loop3A_462, %parallel_loop3A_461 : i32
      %parallel_loop3A_464 = vector.broadcast %parallel_loop3A_463 : i32 to vector<16xi32>
      %parallel_loop3A_465 = arith.addi %parallel_loop3A_464, %mul3A_3 : vector<16xi32>
      %parallel_loop3A_466 = arith.addi %parallel_loop3A_465, %parallel_loop3A_459 : vector<16xi32>
      %parallel_loop3A_467 = tpu.vector_load_idx %arg12[%parallel_loop3A_466] : memref<65536xf32, #tpu.memory_space<vmem>>[vector<16xi32>], vector<16xf32>,
      %parallel_loop3A_468 = arith.addf %parallel_loop3A_453, %parallel_loop3A_467 : vector<16xf32>
      %parallel_loop3A_469 = arith.constant 13 : i32
      %parallel_loop3A_470 = vector.broadcast %parallel_loop3A_469 : i32 to vector<16xi32>
      %parallel_loop3A_471 = arith.addi %iota3A, %parallel_loop3A_470 : vector<16xi32>
      %parallel_loop3A_472 = arith.constant 15 : i32
      %parallel_loop3A_473 = vector.broadcast %parallel_loop3A_472 : i32 to vector<16xi32>
      %parallel_loop3A_474 = arith.andi %parallel_loop3A_471, %parallel_loop3A_473 : vector<16xi32>
      %parallel_loop3A_475 = arith.constant 256 : i32
      %parallel_loop3A_476 = arith.muli %parallel_loop3A_33, %parallel_loop3A_475 : i32
      %parallel_loop3A_477 = arith.constant 16384 : i32
      %parallel_loop3A_478 = arith.addi %parallel_loop3A_477, %parallel_loop3A_476 : i32
      %parallel_loop3A_479 = vector.broadcast %parallel_loop3A_478 : i32 to vector<16xi32>
      %parallel_loop3A_480 = arith.addi %parallel_loop3A_479, %mul3A_3 : vector<16xi32>
      %parallel_loop3A_481 = arith.addi %parallel_loop3A_480, %parallel_loop3A_474 : vector<16xi32>
      %parallel_loop3A_482 = tpu.vector_load_idx %arg12[%parallel_loop3A_481] : memref<65536xf32, #tpu.memory_space<vmem>>[vector<16xi32>], vector<16xf32>,
      %parallel_loop3A_483 = arith.addf %parallel_loop3A_468, %parallel_loop3A_482 : vector<16xf32>
      %parallel_loop3A_484 = arith.constant 14 : i32
      %parallel_loop3A_485 = vector.broadcast %parallel_loop3A_484 : i32 to vector<16xi32>
      %parallel_loop3A_486 = arith.addi %iota3A, %parallel_loop3A_485 : vector<16xi32>
      %parallel_loop3A_487 = arith.constant 15 : i32
      %parallel_loop3A_488 = vector.broadcast %parallel_loop3A_487 : i32 to vector<16xi32>
      %parallel_loop3A_489 = arith.andi %parallel_loop3A_486, %parallel_loop3A_488 : vector<16xi32>
      %parallel_loop3A_490 = arith.constant 256 : i32
      %parallel_loop3A_491 = arith.muli %parallel_loop3A_33, %parallel_loop3A_490 : i32
      %parallel_loop3A_492 = arith.constant 16384 : i32
      %parallel_loop3A_493 = arith.addi %parallel_loop3A_492, %parallel_loop3A_491 : i32
      %parallel_loop3A_494 = vector.broadcast %parallel_loop3A_493 : i32 to vector<16xi32>
      %parallel_loop3A_495 = arith.addi %parallel_loop3A_494, %mul3A_3 : vector<16xi32>
      %parallel_loop3A_496 = arith.addi %parallel_loop3A_495, %parallel_loop3A_489 : vector<16xi32>
      %parallel_loop3A_497 = tpu.vector_load_idx %arg12[%parallel_loop3A_496] : memref<65536xf32, #tpu.memory_space<vmem>>[vector<16xi32>], vector<16xf32>,
      %parallel_loop3A_498 = arith.addf %parallel_loop3A_483, %parallel_loop3A_497 : vector<16xf32>
      %parallel_loop3A_499 = arith.constant 15 : i32
      %parallel_loop3A_500 = vector.broadcast %parallel_loop3A_499 : i32 to vector<16xi32>
      %parallel_loop3A_501 = arith.addi %iota3A, %parallel_loop3A_500 : vector<16xi32>
      %parallel_loop3A_502 = arith.constant 15 : i32
      %parallel_loop3A_503 = vector.broadcast %parallel_loop3A_502 : i32 to vector<16xi32>
      %parallel_loop3A_504 = arith.andi %parallel_loop3A_501, %parallel_loop3A_503 : vector<16xi32>
      %parallel_loop3A_505 = arith.constant 256 : i32
      %parallel_loop3A_506 = arith.muli %parallel_loop3A_33, %parallel_loop3A_505 : i32
      %parallel_loop3A_507 = arith.constant 16384 : i32
      %parallel_loop3A_508 = arith.addi %parallel_loop3A_507, %parallel_loop3A_506 : i32
      %parallel_loop3A_509 = vector.broadcast %parallel_loop3A_508 : i32 to vector<16xi32>
      %parallel_loop3A_510 = arith.addi %parallel_loop3A_509, %mul3A_3 : vector<16xi32>
      %parallel_loop3A_511 = arith.addi %parallel_loop3A_510, %parallel_loop3A_504 : vector<16xi32>
      %parallel_loop3A_512 = tpu.vector_load_idx %arg12[%parallel_loop3A_511] : memref<65536xf32, #tpu.memory_space<vmem>>[vector<16xi32>], vector<16xf32>,
      %parallel_loop3A_513 = arith.addf %parallel_loop3A_498, %parallel_loop3A_512 : vector<16xf32>
      %parallel_loop3A_514 = arith.constant 0 : i32
      %parallel_loop3A_515 = vector.broadcast %parallel_loop3A_514 : i32 to vector<16xi32>
      %parallel_loop3A_516 = arith.addi %iota3A, %parallel_loop3A_515 : vector<16xi32>
      %parallel_loop3A_517 = arith.constant 15 : i32
      %parallel_loop3A_518 = vector.broadcast %parallel_loop3A_517 : i32 to vector<16xi32>
      %parallel_loop3A_519 = arith.andi %parallel_loop3A_516, %parallel_loop3A_518 : vector<16xi32>
      %parallel_loop3A_520 = arith.constant 256 : i32
      %parallel_loop3A_521 = arith.muli %parallel_loop3A_33, %parallel_loop3A_520 : i32
      %parallel_loop3A_522 = arith.constant 32768 : i32
      %parallel_loop3A_523 = arith.addi %parallel_loop3A_522, %parallel_loop3A_521 : i32
      %parallel_loop3A_524 = vector.broadcast %parallel_loop3A_523 : i32 to vector<16xi32>
      %parallel_loop3A_525 = arith.addi %parallel_loop3A_524, %mul3A_3 : vector<16xi32>
      %parallel_loop3A_526 = arith.addi %parallel_loop3A_525, %parallel_loop3A_519 : vector<16xi32>
      %parallel_loop3A_527 = tpu.vector_load_idx %arg12[%parallel_loop3A_526] : memref<65536xf32, #tpu.memory_space<vmem>>[vector<16xi32>], vector<16xf32>,
      %parallel_loop3A_528 = arith.addf %parallel_loop3A_513, %parallel_loop3A_527 : vector<16xf32>
      %parallel_loop3A_529 = arith.constant 1 : i32
      %parallel_loop3A_530 = vector.broadcast %parallel_loop3A_529 : i32 to vector<16xi32>
      %parallel_loop3A_531 = arith.addi %iota3A, %parallel_loop3A_530 : vector<16xi32>
      %parallel_loop3A_532 = arith.constant 15 : i32
      %parallel_loop3A_533 = vector.broadcast %parallel_loop3A_532 : i32 to vector<16xi32>
      %parallel_loop3A_534 = arith.andi %parallel_loop3A_531, %parallel_loop3A_533 : vector<16xi32>
      %parallel_loop3A_535 = arith.constant 256 : i32
      %parallel_loop3A_536 = arith.muli %parallel_loop3A_33, %parallel_loop3A_535 : i32
      %parallel_loop3A_537 = arith.constant 32768 : i32
      %parallel_loop3A_538 = arith.addi %parallel_loop3A_537, %parallel_loop3A_536 : i32
      %parallel_loop3A_539 = vector.broadcast %parallel_loop3A_538 : i32 to vector<16xi32>
      %parallel_loop3A_540 = arith.addi %parallel_loop3A_539, %mul3A_3 : vector<16xi32>
      %parallel_loop3A_541 = arith.addi %parallel_loop3A_540, %parallel_loop3A_534 : vector<16xi32>
      %parallel_loop3A_542 = tpu.vector_load_idx %arg12[%parallel_loop3A_541] : memref<65536xf32, #tpu.memory_space<vmem>>[vector<16xi32>], vector<16xf32>,
      %parallel_loop3A_543 = arith.addf %parallel_loop3A_528, %parallel_loop3A_542 : vector<16xf32>
      %parallel_loop3A_544 = arith.constant 2 : i32
      %parallel_loop3A_545 = vector.broadcast %parallel_loop3A_544 : i32 to vector<16xi32>
      %parallel_loop3A_546 = arith.addi %iota3A, %parallel_loop3A_545 : vector<16xi32>
      %parallel_loop3A_547 = arith.constant 15 : i32
      %parallel_loop3A_548 = vector.broadcast %parallel_loop3A_547 : i32 to vector<16xi32>
      %parallel_loop3A_549 = arith.andi %parallel_loop3A_546, %parallel_loop3A_548 : vector<16xi32>
      %parallel_loop3A_550 = arith.constant 256 : i32
      %parallel_loop3A_551 = arith.muli %parallel_loop3A_33, %parallel_loop3A_550 : i32
      %parallel_loop3A_552 = arith.constant 32768 : i32
      %parallel_loop3A_553 = arith.addi %parallel_loop3A_552, %parallel_loop3A_551 : i32
      %parallel_loop3A_554 = vector.broadcast %parallel_loop3A_553 : i32 to vector<16xi32>
      %parallel_loop3A_555 = arith.addi %parallel_loop3A_554, %mul3A_3 : vector<16xi32>
      %parallel_loop3A_556 = arith.addi %parallel_loop3A_555, %parallel_loop3A_549 : vector<16xi32>
      %parallel_loop3A_557 = tpu.vector_load_idx %arg12[%parallel_loop3A_556] : memref<65536xf32, #tpu.memory_space<vmem>>[vector<16xi32>], vector<16xf32>,
      %parallel_loop3A_558 = arith.addf %parallel_loop3A_543, %parallel_loop3A_557 : vector<16xf32>
      %parallel_loop3A_559 = arith.constant 3 : i32
      %parallel_loop3A_560 = vector.broadcast %parallel_loop3A_559 : i32 to vector<16xi32>
      %parallel_loop3A_561 = arith.addi %iota3A, %parallel_loop3A_560 : vector<16xi32>
      %parallel_loop3A_562 = arith.constant 15 : i32
      %parallel_loop3A_563 = vector.broadcast %parallel_loop3A_562 : i32 to vector<16xi32>
      %parallel_loop3A_564 = arith.andi %parallel_loop3A_561, %parallel_loop3A_563 : vector<16xi32>
      %parallel_loop3A_565 = arith.constant 256 : i32
      %parallel_loop3A_566 = arith.muli %parallel_loop3A_33, %parallel_loop3A_565 : i32
      %parallel_loop3A_567 = arith.constant 32768 : i32
      %parallel_loop3A_568 = arith.addi %parallel_loop3A_567, %parallel_loop3A_566 : i32
      %parallel_loop3A_569 = vector.broadcast %parallel_loop3A_568 : i32 to vector<16xi32>
      %parallel_loop3A_570 = arith.addi %parallel_loop3A_569, %mul3A_3 : vector<16xi32>
      %parallel_loop3A_571 = arith.addi %parallel_loop3A_570, %parallel_loop3A_564 : vector<16xi32>
      %parallel_loop3A_572 = tpu.vector_load_idx %arg12[%parallel_loop3A_571] : memref<65536xf32, #tpu.memory_space<vmem>>[vector<16xi32>], vector<16xf32>,
      %parallel_loop3A_573 = arith.addf %parallel_loop3A_558, %parallel_loop3A_572 : vector<16xf32>
      %parallel_loop3A_574 = arith.constant 4 : i32
      %parallel_loop3A_575 = vector.broadcast %parallel_loop3A_574 : i32 to vector<16xi32>
      %parallel_loop3A_576 = arith.addi %iota3A, %parallel_loop3A_575 : vector<16xi32>
      %parallel_loop3A_577 = arith.constant 15 : i32
      %parallel_loop3A_578 = vector.broadcast %parallel_loop3A_577 : i32 to vector<16xi32>
      %parallel_loop3A_579 = arith.andi %parallel_loop3A_576, %parallel_loop3A_578 : vector<16xi32>
      %parallel_loop3A_580 = arith.constant 256 : i32
      %parallel_loop3A_581 = arith.muli %parallel_loop3A_33, %parallel_loop3A_580 : i32
      %parallel_loop3A_582 = arith.constant 32768 : i32
      %parallel_loop3A_583 = arith.addi %parallel_loop3A_582, %parallel_loop3A_581 : i32
      %parallel_loop3A_584 = vector.broadcast %parallel_loop3A_583 : i32 to vector<16xi32>
      %parallel_loop3A_585 = arith.addi %parallel_loop3A_584, %mul3A_3 : vector<16xi32>
      %parallel_loop3A_586 = arith.addi %parallel_loop3A_585, %parallel_loop3A_579 : vector<16xi32>
      %parallel_loop3A_587 = tpu.vector_load_idx %arg12[%parallel_loop3A_586] : memref<65536xf32, #tpu.memory_space<vmem>>[vector<16xi32>], vector<16xf32>,
      %parallel_loop3A_588 = arith.addf %parallel_loop3A_573, %parallel_loop3A_587 : vector<16xf32>
      %parallel_loop3A_589 = arith.constant 5 : i32
      %parallel_loop3A_590 = vector.broadcast %parallel_loop3A_589 : i32 to vector<16xi32>
      %parallel_loop3A_591 = arith.addi %iota3A, %parallel_loop3A_590 : vector<16xi32>
      %parallel_loop3A_592 = arith.constant 15 : i32
      %parallel_loop3A_593 = vector.broadcast %parallel_loop3A_592 : i32 to vector<16xi32>
      %parallel_loop3A_594 = arith.andi %parallel_loop3A_591, %parallel_loop3A_593 : vector<16xi32>
      %parallel_loop3A_595 = arith.constant 256 : i32
      %parallel_loop3A_596 = arith.muli %parallel_loop3A_33, %parallel_loop3A_595 : i32
      %parallel_loop3A_597 = arith.constant 32768 : i32
      %parallel_loop3A_598 = arith.addi %parallel_loop3A_597, %parallel_loop3A_596 : i32
      %parallel_loop3A_599 = vector.broadcast %parallel_loop3A_598 : i32 to vector<16xi32>
      %parallel_loop3A_600 = arith.addi %parallel_loop3A_599, %mul3A_3 : vector<16xi32>
      %parallel_loop3A_601 = arith.addi %parallel_loop3A_600, %parallel_loop3A_594 : vector<16xi32>
      %parallel_loop3A_602 = tpu.vector_load_idx %arg12[%parallel_loop3A_601] : memref<65536xf32, #tpu.memory_space<vmem>>[vector<16xi32>], vector<16xf32>,
      %parallel_loop3A_603 = arith.addf %parallel_loop3A_588, %parallel_loop3A_602 : vector<16xf32>
      %parallel_loop3A_604 = arith.constant 6 : i32
      %parallel_loop3A_605 = vector.broadcast %parallel_loop3A_604 : i32 to vector<16xi32>
      %parallel_loop3A_606 = arith.addi %iota3A, %parallel_loop3A_605 : vector<16xi32>
      %parallel_loop3A_607 = arith.constant 15 : i32
      %parallel_loop3A_608 = vector.broadcast %parallel_loop3A_607 : i32 to vector<16xi32>
      %parallel_loop3A_609 = arith.andi %parallel_loop3A_606, %parallel_loop3A_608 : vector<16xi32>
      %parallel_loop3A_610 = arith.constant 256 : i32
      %parallel_loop3A_611 = arith.muli %parallel_loop3A_33, %parallel_loop3A_610 : i32
      %parallel_loop3A_612 = arith.constant 32768 : i32
      %parallel_loop3A_613 = arith.addi %parallel_loop3A_612, %parallel_loop3A_611 : i32
      %parallel_loop3A_614 = vector.broadcast %parallel_loop3A_613 : i32 to vector<16xi32>
      %parallel_loop3A_615 = arith.addi %parallel_loop3A_614, %mul3A_3 : vector<16xi32>
      %parallel_loop3A_616 = arith.addi %parallel_loop3A_615, %parallel_loop3A_609 : vector<16xi32>
      %parallel_loop3A_617 = tpu.vector_load_idx %arg12[%parallel_loop3A_616] : memref<65536xf32, #tpu.memory_space<vmem>>[vector<16xi32>], vector<16xf32>,
      %parallel_loop3A_618 = arith.addf %parallel_loop3A_603, %parallel_loop3A_617 : vector<16xf32>
      %parallel_loop3A_619 = arith.constant 7 : i32
      %parallel_loop3A_620 = vector.broadcast %parallel_loop3A_619 : i32 to vector<16xi32>
      %parallel_loop3A_621 = arith.addi %iota3A, %parallel_loop3A_620 : vector<16xi32>
      %parallel_loop3A_622 = arith.constant 15 : i32
      %parallel_loop3A_623 = vector.broadcast %parallel_loop3A_622 : i32 to vector<16xi32>
      %parallel_loop3A_624 = arith.andi %parallel_loop3A_621, %parallel_loop3A_623 : vector<16xi32>
      %parallel_loop3A_625 = arith.constant 256 : i32
      %parallel_loop3A_626 = arith.muli %parallel_loop3A_33, %parallel_loop3A_625 : i32
      %parallel_loop3A_627 = arith.constant 32768 : i32
      %parallel_loop3A_628 = arith.addi %parallel_loop3A_627, %parallel_loop3A_626 : i32
      %parallel_loop3A_629 = vector.broadcast %parallel_loop3A_628 : i32 to vector<16xi32>
      %parallel_loop3A_630 = arith.addi %parallel_loop3A_629, %mul3A_3 : vector<16xi32>
      %parallel_loop3A_631 = arith.addi %parallel_loop3A_630, %parallel_loop3A_624 : vector<16xi32>
      %parallel_loop3A_632 = tpu.vector_load_idx %arg12[%parallel_loop3A_631] : memref<65536xf32, #tpu.memory_space<vmem>>[vector<16xi32>], vector<16xf32>,
      %parallel_loop3A_633 = arith.addf %parallel_loop3A_618, %parallel_loop3A_632 : vector<16xf32>
      %parallel_loop3A_634 = arith.constant 8 : i32
      %parallel_loop3A_635 = vector.broadcast %parallel_loop3A_634 : i32 to vector<16xi32>
      %parallel_loop3A_636 = arith.addi %iota3A, %parallel_loop3A_635 : vector<16xi32>
      %parallel_loop3A_637 = arith.constant 15 : i32
      %parallel_loop3A_638 = vector.broadcast %parallel_loop3A_637 : i32 to vector<16xi32>
      %parallel_loop3A_639 = arith.andi %parallel_loop3A_636, %parallel_loop3A_638 : vector<16xi32>
      %parallel_loop3A_640 = arith.constant 256 : i32
      %parallel_loop3A_641 = arith.muli %parallel_loop3A_33, %parallel_loop3A_640 : i32
      %parallel_loop3A_642 = arith.constant 32768 : i32
      %parallel_loop3A_643 = arith.addi %parallel_loop3A_642, %parallel_loop3A_641 : i32
      %parallel_loop3A_644 = vector.broadcast %parallel_loop3A_643 : i32 to vector<16xi32>
      %parallel_loop3A_645 = arith.addi %parallel_loop3A_644, %mul3A_3 : vector<16xi32>
      %parallel_loop3A_646 = arith.addi %parallel_loop3A_645, %parallel_loop3A_639 : vector<16xi32>
      %parallel_loop3A_647 = tpu.vector_load_idx %arg12[%parallel_loop3A_646] : memref<65536xf32, #tpu.memory_space<vmem>>[vector<16xi32>], vector<16xf32>,
      %parallel_loop3A_648 = arith.addf %parallel_loop3A_633, %parallel_loop3A_647 : vector<16xf32>
      %parallel_loop3A_649 = arith.constant 9 : i32
      %parallel_loop3A_650 = vector.broadcast %parallel_loop3A_649 : i32 to vector<16xi32>
      %parallel_loop3A_651 = arith.addi %iota3A, %parallel_loop3A_650 : vector<16xi32>
      %parallel_loop3A_652 = arith.constant 15 : i32
      %parallel_loop3A_653 = vector.broadcast %parallel_loop3A_652 : i32 to vector<16xi32>
      %parallel_loop3A_654 = arith.andi %parallel_loop3A_651, %parallel_loop3A_653 : vector<16xi32>
      %parallel_loop3A_655 = arith.constant 256 : i32
      %parallel_loop3A_656 = arith.muli %parallel_loop3A_33, %parallel_loop3A_655 : i32
      %parallel_loop3A_657 = arith.constant 32768 : i32
      %parallel_loop3A_658 = arith.addi %parallel_loop3A_657, %parallel_loop3A_656 : i32
      %parallel_loop3A_659 = vector.broadcast %parallel_loop3A_658 : i32 to vector<16xi32>
      %parallel_loop3A_660 = arith.addi %parallel_loop3A_659, %mul3A_3 : vector<16xi32>
      %parallel_loop3A_661 = arith.addi %parallel_loop3A_660, %parallel_loop3A_654 : vector<16xi32>
      %parallel_loop3A_662 = tpu.vector_load_idx %arg12[%parallel_loop3A_661] : memref<65536xf32, #tpu.memory_space<vmem>>[vector<16xi32>], vector<16xf32>,
      %parallel_loop3A_663 = arith.addf %parallel_loop3A_648, %parallel_loop3A_662 : vector<16xf32>
      %parallel_loop3A_664 = arith.constant 10 : i32
      %parallel_loop3A_665 = vector.broadcast %parallel_loop3A_664 : i32 to vector<16xi32>
      %parallel_loop3A_666 = arith.addi %iota3A, %parallel_loop3A_665 : vector<16xi32>
      %parallel_loop3A_667 = arith.constant 15 : i32
      %parallel_loop3A_668 = vector.broadcast %parallel_loop3A_667 : i32 to vector<16xi32>
      %parallel_loop3A_669 = arith.andi %parallel_loop3A_666, %parallel_loop3A_668 : vector<16xi32>
      %parallel_loop3A_670 = arith.constant 256 : i32
      %parallel_loop3A_671 = arith.muli %parallel_loop3A_33, %parallel_loop3A_670 : i32
      %parallel_loop3A_672 = arith.constant 32768 : i32
      %parallel_loop3A_673 = arith.addi %parallel_loop3A_672, %parallel_loop3A_671 : i32
      %parallel_loop3A_674 = vector.broadcast %parallel_loop3A_673 : i32 to vector<16xi32>
      %parallel_loop3A_675 = arith.addi %parallel_loop3A_674, %mul3A_3 : vector<16xi32>
      %parallel_loop3A_676 = arith.addi %parallel_loop3A_675, %parallel_loop3A_669 : vector<16xi32>
      %parallel_loop3A_677 = tpu.vector_load_idx %arg12[%parallel_loop3A_676] : memref<65536xf32, #tpu.memory_space<vmem>>[vector<16xi32>], vector<16xf32>,
      %parallel_loop3A_678 = arith.addf %parallel_loop3A_663, %parallel_loop3A_677 : vector<16xf32>
      %parallel_loop3A_679 = arith.constant 11 : i32
      %parallel_loop3A_680 = vector.broadcast %parallel_loop3A_679 : i32 to vector<16xi32>
      %parallel_loop3A_681 = arith.addi %iota3A, %parallel_loop3A_680 : vector<16xi32>
      %parallel_loop3A_682 = arith.constant 15 : i32
      %parallel_loop3A_683 = vector.broadcast %parallel_loop3A_682 : i32 to vector<16xi32>
      %parallel_loop3A_684 = arith.andi %parallel_loop3A_681, %parallel_loop3A_683 : vector<16xi32>
      %parallel_loop3A_685 = arith.constant 256 : i32
      %parallel_loop3A_686 = arith.muli %parallel_loop3A_33, %parallel_loop3A_685 : i32
      %parallel_loop3A_687 = arith.constant 32768 : i32
      %parallel_loop3A_688 = arith.addi %parallel_loop3A_687, %parallel_loop3A_686 : i32
      %parallel_loop3A_689 = vector.broadcast %parallel_loop3A_688 : i32 to vector<16xi32>
      %parallel_loop3A_690 = arith.addi %parallel_loop3A_689, %mul3A_3 : vector<16xi32>
      %parallel_loop3A_691 = arith.addi %parallel_loop3A_690, %parallel_loop3A_684 : vector<16xi32>
      %parallel_loop3A_692 = tpu.vector_load_idx %arg12[%parallel_loop3A_691] : memref<65536xf32, #tpu.memory_space<vmem>>[vector<16xi32>], vector<16xf32>,
      %parallel_loop3A_693 = arith.addf %parallel_loop3A_678, %parallel_loop3A_692 : vector<16xf32>
      %parallel_loop3A_694 = arith.constant 12 : i32
      %parallel_loop3A_695 = vector.broadcast %parallel_loop3A_694 : i32 to vector<16xi32>
      %parallel_loop3A_696 = arith.addi %iota3A, %parallel_loop3A_695 : vector<16xi32>
      %parallel_loop3A_697 = arith.constant 15 : i32
      %parallel_loop3A_698 = vector.broadcast %parallel_loop3A_697 : i32 to vector<16xi32>
      %parallel_loop3A_699 = arith.andi %parallel_loop3A_696, %parallel_loop3A_698 : vector<16xi32>
      %parallel_loop3A_700 = arith.constant 256 : i32
      %parallel_loop3A_701 = arith.muli %parallel_loop3A_33, %parallel_loop3A_700 : i32
      %parallel_loop3A_702 = arith.constant 32768 : i32
      %parallel_loop3A_703 = arith.addi %parallel_loop3A_702, %parallel_loop3A_701 : i32
      %parallel_loop3A_704 = vector.broadcast %parallel_loop3A_703 : i32 to vector<16xi32>
      %parallel_loop3A_705 = arith.addi %parallel_loop3A_704, %mul3A_3 : vector<16xi32>
      %parallel_loop3A_706 = arith.addi %parallel_loop3A_705, %parallel_loop3A_699 : vector<16xi32>
      %parallel_loop3A_707 = tpu.vector_load_idx %arg12[%parallel_loop3A_706] : memref<65536xf32, #tpu.memory_space<vmem>>[vector<16xi32>], vector<16xf32>,
      %parallel_loop3A_708 = arith.addf %parallel_loop3A_693, %parallel_loop3A_707 : vector<16xf32>
      %parallel_loop3A_709 = arith.constant 13 : i32
      %parallel_loop3A_710 = vector.broadcast %parallel_loop3A_709 : i32 to vector<16xi32>
      %parallel_loop3A_711 = arith.addi %iota3A, %parallel_loop3A_710 : vector<16xi32>
      %parallel_loop3A_712 = arith.constant 15 : i32
      %parallel_loop3A_713 = vector.broadcast %parallel_loop3A_712 : i32 to vector<16xi32>
      %parallel_loop3A_714 = arith.andi %parallel_loop3A_711, %parallel_loop3A_713 : vector<16xi32>
      %parallel_loop3A_715 = arith.constant 256 : i32
      %parallel_loop3A_716 = arith.muli %parallel_loop3A_33, %parallel_loop3A_715 : i32
      %parallel_loop3A_717 = arith.constant 32768 : i32
      %parallel_loop3A_718 = arith.addi %parallel_loop3A_717, %parallel_loop3A_716 : i32
      %parallel_loop3A_719 = vector.broadcast %parallel_loop3A_718 : i32 to vector<16xi32>
      %parallel_loop3A_720 = arith.addi %parallel_loop3A_719, %mul3A_3 : vector<16xi32>
      %parallel_loop3A_721 = arith.addi %parallel_loop3A_720, %parallel_loop3A_714 : vector<16xi32>
      %parallel_loop3A_722 = tpu.vector_load_idx %arg12[%parallel_loop3A_721] : memref<65536xf32, #tpu.memory_space<vmem>>[vector<16xi32>], vector<16xf32>,
      %parallel_loop3A_723 = arith.addf %parallel_loop3A_708, %parallel_loop3A_722 : vector<16xf32>
      %parallel_loop3A_724 = arith.constant 14 : i32
      %parallel_loop3A_725 = vector.broadcast %parallel_loop3A_724 : i32 to vector<16xi32>
      %parallel_loop3A_726 = arith.addi %iota3A, %parallel_loop3A_725 : vector<16xi32>
      %parallel_loop3A_727 = arith.constant 15 : i32
      %parallel_loop3A_728 = vector.broadcast %parallel_loop3A_727 : i32 to vector<16xi32>
      %parallel_loop3A_729 = arith.andi %parallel_loop3A_726, %parallel_loop3A_728 : vector<16xi32>
      %parallel_loop3A_730 = arith.constant 256 : i32
      %parallel_loop3A_731 = arith.muli %parallel_loop3A_33, %parallel_loop3A_730 : i32
      %parallel_loop3A_732 = arith.constant 32768 : i32
      %parallel_loop3A_733 = arith.addi %parallel_loop3A_732, %parallel_loop3A_731 : i32
      %parallel_loop3A_734 = vector.broadcast %parallel_loop3A_733 : i32 to vector<16xi32>
      %parallel_loop3A_735 = arith.addi %parallel_loop3A_734, %mul3A_3 : vector<16xi32>
      %parallel_loop3A_736 = arith.addi %parallel_loop3A_735, %parallel_loop3A_729 : vector<16xi32>
      %parallel_loop3A_737 = tpu.vector_load_idx %arg12[%parallel_loop3A_736] : memref<65536xf32, #tpu.memory_space<vmem>>[vector<16xi32>], vector<16xf32>,
      %parallel_loop3A_738 = arith.addf %parallel_loop3A_723, %parallel_loop3A_737 : vector<16xf32>
      %parallel_loop3A_739 = arith.constant 15 : i32
      %parallel_loop3A_740 = vector.broadcast %parallel_loop3A_739 : i32 to vector<16xi32>
      %parallel_loop3A_741 = arith.addi %iota3A, %parallel_loop3A_740 : vector<16xi32>
      %parallel_loop3A_742 = arith.constant 15 : i32
      %parallel_loop3A_743 = vector.broadcast %parallel_loop3A_742 : i32 to vector<16xi32>
      %parallel_loop3A_744 = arith.andi %parallel_loop3A_741, %parallel_loop3A_743 : vector<16xi32>
      %parallel_loop3A_745 = arith.constant 256 : i32
      %parallel_loop3A_746 = arith.muli %parallel_loop3A_33, %parallel_loop3A_745 : i32
      %parallel_loop3A_747 = arith.constant 32768 : i32
      %parallel_loop3A_748 = arith.addi %parallel_loop3A_747, %parallel_loop3A_746 : i32
      %parallel_loop3A_749 = vector.broadcast %parallel_loop3A_748 : i32 to vector<16xi32>
      %parallel_loop3A_750 = arith.addi %parallel_loop3A_749, %mul3A_3 : vector<16xi32>
      %parallel_loop3A_751 = arith.addi %parallel_loop3A_750, %parallel_loop3A_744 : vector<16xi32>
      %parallel_loop3A_752 = tpu.vector_load_idx %arg12[%parallel_loop3A_751] : memref<65536xf32, #tpu.memory_space<vmem>>[vector<16xi32>], vector<16xf32>,
      %parallel_loop3A_753 = arith.addf %parallel_loop3A_738, %parallel_loop3A_752 : vector<16xf32>
      %parallel_loop3A_754 = arith.constant 0 : i32
      %parallel_loop3A_755 = vector.broadcast %parallel_loop3A_754 : i32 to vector<16xi32>
      %parallel_loop3A_756 = arith.addi %iota3A, %parallel_loop3A_755 : vector<16xi32>
      %parallel_loop3A_757 = arith.constant 15 : i32
      %parallel_loop3A_758 = vector.broadcast %parallel_loop3A_757 : i32 to vector<16xi32>
      %parallel_loop3A_759 = arith.andi %parallel_loop3A_756, %parallel_loop3A_758 : vector<16xi32>
      %parallel_loop3A_760 = arith.constant 256 : i32
      %parallel_loop3A_761 = arith.muli %parallel_loop3A_33, %parallel_loop3A_760 : i32
      %parallel_loop3A_762 = arith.constant 49152 : i32
      %parallel_loop3A_763 = arith.addi %parallel_loop3A_762, %parallel_loop3A_761 : i32
      %parallel_loop3A_764 = vector.broadcast %parallel_loop3A_763 : i32 to vector<16xi32>
      %parallel_loop3A_765 = arith.addi %parallel_loop3A_764, %mul3A_3 : vector<16xi32>
      %parallel_loop3A_766 = arith.addi %parallel_loop3A_765, %parallel_loop3A_759 : vector<16xi32>
      %parallel_loop3A_767 = tpu.vector_load_idx %arg12[%parallel_loop3A_766] : memref<65536xf32, #tpu.memory_space<vmem>>[vector<16xi32>], vector<16xf32>,
      %parallel_loop3A_768 = arith.addf %parallel_loop3A_753, %parallel_loop3A_767 : vector<16xf32>
      %parallel_loop3A_769 = arith.constant 1 : i32
      %parallel_loop3A_770 = vector.broadcast %parallel_loop3A_769 : i32 to vector<16xi32>
      %parallel_loop3A_771 = arith.addi %iota3A, %parallel_loop3A_770 : vector<16xi32>
      %parallel_loop3A_772 = arith.constant 15 : i32
      %parallel_loop3A_773 = vector.broadcast %parallel_loop3A_772 : i32 to vector<16xi32>
      %parallel_loop3A_774 = arith.andi %parallel_loop3A_771, %parallel_loop3A_773 : vector<16xi32>
      %parallel_loop3A_775 = arith.constant 256 : i32
      %parallel_loop3A_776 = arith.muli %parallel_loop3A_33, %parallel_loop3A_775 : i32
      %parallel_loop3A_777 = arith.constant 49152 : i32
      %parallel_loop3A_778 = arith.addi %parallel_loop3A_777, %parallel_loop3A_776 : i32
      %parallel_loop3A_779 = vector.broadcast %parallel_loop3A_778 : i32 to vector<16xi32>
      %parallel_loop3A_780 = arith.addi %parallel_loop3A_779, %mul3A_3 : vector<16xi32>
      %parallel_loop3A_781 = arith.addi %parallel_loop3A_780, %parallel_loop3A_774 : vector<16xi32>
      %parallel_loop3A_782 = tpu.vector_load_idx %arg12[%parallel_loop3A_781] : memref<65536xf32, #tpu.memory_space<vmem>>[vector<16xi32>], vector<16xf32>,
      %parallel_loop3A_783 = arith.addf %parallel_loop3A_768, %parallel_loop3A_782 : vector<16xf32>
      %parallel_loop3A_784 = arith.constant 2 : i32
      %parallel_loop3A_785 = vector.broadcast %parallel_loop3A_784 : i32 to vector<16xi32>
      %parallel_loop3A_786 = arith.addi %iota3A, %parallel_loop3A_785 : vector<16xi32>
      %parallel_loop3A_787 = arith.constant 15 : i32
      %parallel_loop3A_788 = vector.broadcast %parallel_loop3A_787 : i32 to vector<16xi32>
      %parallel_loop3A_789 = arith.andi %parallel_loop3A_786, %parallel_loop3A_788 : vector<16xi32>
      %parallel_loop3A_790 = arith.constant 256 : i32
      %parallel_loop3A_791 = arith.muli %parallel_loop3A_33, %parallel_loop3A_790 : i32
      %parallel_loop3A_792 = arith.constant 49152 : i32
      %parallel_loop3A_793 = arith.addi %parallel_loop3A_792, %parallel_loop3A_791 : i32
      %parallel_loop3A_794 = vector.broadcast %parallel_loop3A_793 : i32 to vector<16xi32>
      %parallel_loop3A_795 = arith.addi %parallel_loop3A_794, %mul3A_3 : vector<16xi32>
      %parallel_loop3A_796 = arith.addi %parallel_loop3A_795, %parallel_loop3A_789 : vector<16xi32>
      %parallel_loop3A_797 = tpu.vector_load_idx %arg12[%parallel_loop3A_796] : memref<65536xf32, #tpu.memory_space<vmem>>[vector<16xi32>], vector<16xf32>,
      %parallel_loop3A_798 = arith.addf %parallel_loop3A_783, %parallel_loop3A_797 : vector<16xf32>
      %parallel_loop3A_799 = arith.constant 3 : i32
      %parallel_loop3A_800 = vector.broadcast %parallel_loop3A_799 : i32 to vector<16xi32>
      %parallel_loop3A_801 = arith.addi %iota3A, %parallel_loop3A_800 : vector<16xi32>
      %parallel_loop3A_802 = arith.constant 15 : i32
      %parallel_loop3A_803 = vector.broadcast %parallel_loop3A_802 : i32 to vector<16xi32>
      %parallel_loop3A_804 = arith.andi %parallel_loop3A_801, %parallel_loop3A_803 : vector<16xi32>
      %parallel_loop3A_805 = arith.constant 256 : i32
      %parallel_loop3A_806 = arith.muli %parallel_loop3A_33, %parallel_loop3A_805 : i32
      %parallel_loop3A_807 = arith.constant 49152 : i32
      %parallel_loop3A_808 = arith.addi %parallel_loop3A_807, %parallel_loop3A_806 : i32
      %parallel_loop3A_809 = vector.broadcast %parallel_loop3A_808 : i32 to vector<16xi32>
      %parallel_loop3A_810 = arith.addi %parallel_loop3A_809, %mul3A_3 : vector<16xi32>
      %parallel_loop3A_811 = arith.addi %parallel_loop3A_810, %parallel_loop3A_804 : vector<16xi32>
      %parallel_loop3A_812 = tpu.vector_load_idx %arg12[%parallel_loop3A_811] : memref<65536xf32, #tpu.memory_space<vmem>>[vector<16xi32>], vector<16xf32>,
      %parallel_loop3A_813 = arith.addf %parallel_loop3A_798, %parallel_loop3A_812 : vector<16xf32>
      %parallel_loop3A_814 = arith.constant 4 : i32
      %parallel_loop3A_815 = vector.broadcast %parallel_loop3A_814 : i32 to vector<16xi32>
      %parallel_loop3A_816 = arith.addi %iota3A, %parallel_loop3A_815 : vector<16xi32>
      %parallel_loop3A_817 = arith.constant 15 : i32
      %parallel_loop3A_818 = vector.broadcast %parallel_loop3A_817 : i32 to vector<16xi32>
      %parallel_loop3A_819 = arith.andi %parallel_loop3A_816, %parallel_loop3A_818 : vector<16xi32>
      %parallel_loop3A_820 = arith.constant 256 : i32
      %parallel_loop3A_821 = arith.muli %parallel_loop3A_33, %parallel_loop3A_820 : i32
      %parallel_loop3A_822 = arith.constant 49152 : i32
      %parallel_loop3A_823 = arith.addi %parallel_loop3A_822, %parallel_loop3A_821 : i32
      %parallel_loop3A_824 = vector.broadcast %parallel_loop3A_823 : i32 to vector<16xi32>
      %parallel_loop3A_825 = arith.addi %parallel_loop3A_824, %mul3A_3 : vector<16xi32>
      %parallel_loop3A_826 = arith.addi %parallel_loop3A_825, %parallel_loop3A_819 : vector<16xi32>
      %parallel_loop3A_827 = tpu.vector_load_idx %arg12[%parallel_loop3A_826] : memref<65536xf32, #tpu.memory_space<vmem>>[vector<16xi32>], vector<16xf32>,
      %parallel_loop3A_828 = arith.addf %parallel_loop3A_813, %parallel_loop3A_827 : vector<16xf32>
      %parallel_loop3A_829 = arith.constant 5 : i32
      %parallel_loop3A_830 = vector.broadcast %parallel_loop3A_829 : i32 to vector<16xi32>
      %parallel_loop3A_831 = arith.addi %iota3A, %parallel_loop3A_830 : vector<16xi32>
      %parallel_loop3A_832 = arith.constant 15 : i32
      %parallel_loop3A_833 = vector.broadcast %parallel_loop3A_832 : i32 to vector<16xi32>
      %parallel_loop3A_834 = arith.andi %parallel_loop3A_831, %parallel_loop3A_833 : vector<16xi32>
      %parallel_loop3A_835 = arith.constant 256 : i32
      %parallel_loop3A_836 = arith.muli %parallel_loop3A_33, %parallel_loop3A_835 : i32
      %parallel_loop3A_837 = arith.constant 49152 : i32
      %parallel_loop3A_838 = arith.addi %parallel_loop3A_837, %parallel_loop3A_836 : i32
      %parallel_loop3A_839 = vector.broadcast %parallel_loop3A_838 : i32 to vector<16xi32>
      %parallel_loop3A_840 = arith.addi %parallel_loop3A_839, %mul3A_3 : vector<16xi32>
      %parallel_loop3A_841 = arith.addi %parallel_loop3A_840, %parallel_loop3A_834 : vector<16xi32>
      %parallel_loop3A_842 = tpu.vector_load_idx %arg12[%parallel_loop3A_841] : memref<65536xf32, #tpu.memory_space<vmem>>[vector<16xi32>], vector<16xf32>,
      %parallel_loop3A_843 = arith.addf %parallel_loop3A_828, %parallel_loop3A_842 : vector<16xf32>
      %parallel_loop3A_844 = arith.constant 6 : i32
      %parallel_loop3A_845 = vector.broadcast %parallel_loop3A_844 : i32 to vector<16xi32>
      %parallel_loop3A_846 = arith.addi %iota3A, %parallel_loop3A_845 : vector<16xi32>
      %parallel_loop3A_847 = arith.constant 15 : i32
      %parallel_loop3A_848 = vector.broadcast %parallel_loop3A_847 : i32 to vector<16xi32>
      %parallel_loop3A_849 = arith.andi %parallel_loop3A_846, %parallel_loop3A_848 : vector<16xi32>
      %parallel_loop3A_850 = arith.constant 256 : i32
      %parallel_loop3A_851 = arith.muli %parallel_loop3A_33, %parallel_loop3A_850 : i32
      %parallel_loop3A_852 = arith.constant 49152 : i32
      %parallel_loop3A_853 = arith.addi %parallel_loop3A_852, %parallel_loop3A_851 : i32
      %parallel_loop3A_854 = vector.broadcast %parallel_loop3A_853 : i32 to vector<16xi32>
      %parallel_loop3A_855 = arith.addi %parallel_loop3A_854, %mul3A_3 : vector<16xi32>
      %parallel_loop3A_856 = arith.addi %parallel_loop3A_855, %parallel_loop3A_849 : vector<16xi32>
      %parallel_loop3A_857 = tpu.vector_load_idx %arg12[%parallel_loop3A_856] : memref<65536xf32, #tpu.memory_space<vmem>>[vector<16xi32>], vector<16xf32>,
      %parallel_loop3A_858 = arith.addf %parallel_loop3A_843, %parallel_loop3A_857 : vector<16xf32>
      %parallel_loop3A_859 = arith.constant 7 : i32
      %parallel_loop3A_860 = vector.broadcast %parallel_loop3A_859 : i32 to vector<16xi32>
      %parallel_loop3A_861 = arith.addi %iota3A, %parallel_loop3A_860 : vector<16xi32>
      %parallel_loop3A_862 = arith.constant 15 : i32
      %parallel_loop3A_863 = vector.broadcast %parallel_loop3A_862 : i32 to vector<16xi32>
      %parallel_loop3A_864 = arith.andi %parallel_loop3A_861, %parallel_loop3A_863 : vector<16xi32>
      %parallel_loop3A_865 = arith.constant 256 : i32
      %parallel_loop3A_866 = arith.muli %parallel_loop3A_33, %parallel_loop3A_865 : i32
      %parallel_loop3A_867 = arith.constant 49152 : i32
      %parallel_loop3A_868 = arith.addi %parallel_loop3A_867, %parallel_loop3A_866 : i32
      %parallel_loop3A_869 = vector.broadcast %parallel_loop3A_868 : i32 to vector<16xi32>
      %parallel_loop3A_870 = arith.addi %parallel_loop3A_869, %mul3A_3 : vector<16xi32>
      %parallel_loop3A_871 = arith.addi %parallel_loop3A_870, %parallel_loop3A_864 : vector<16xi32>
      %parallel_loop3A_872 = tpu.vector_load_idx %arg12[%parallel_loop3A_871] : memref<65536xf32, #tpu.memory_space<vmem>>[vector<16xi32>], vector<16xf32>,
      %parallel_loop3A_873 = arith.addf %parallel_loop3A_858, %parallel_loop3A_872 : vector<16xf32>
      %parallel_loop3A_874 = arith.constant 8 : i32
      %parallel_loop3A_875 = vector.broadcast %parallel_loop3A_874 : i32 to vector<16xi32>
      %parallel_loop3A_876 = arith.addi %iota3A, %parallel_loop3A_875 : vector<16xi32>
      %parallel_loop3A_877 = arith.constant 15 : i32
      %parallel_loop3A_878 = vector.broadcast %parallel_loop3A_877 : i32 to vector<16xi32>
      %parallel_loop3A_879 = arith.andi %parallel_loop3A_876, %parallel_loop3A_878 : vector<16xi32>
      %parallel_loop3A_880 = arith.constant 256 : i32
      %parallel_loop3A_881 = arith.muli %parallel_loop3A_33, %parallel_loop3A_880 : i32
      %parallel_loop3A_882 = arith.constant 49152 : i32
      %parallel_loop3A_883 = arith.addi %parallel_loop3A_882, %parallel_loop3A_881 : i32
      %parallel_loop3A_884 = vector.broadcast %parallel_loop3A_883 : i32 to vector<16xi32>
      %parallel_loop3A_885 = arith.addi %parallel_loop3A_884, %mul3A_3 : vector<16xi32>
      %parallel_loop3A_886 = arith.addi %parallel_loop3A_885, %parallel_loop3A_879 : vector<16xi32>
      %parallel_loop3A_887 = tpu.vector_load_idx %arg12[%parallel_loop3A_886] : memref<65536xf32, #tpu.memory_space<vmem>>[vector<16xi32>], vector<16xf32>,
      %parallel_loop3A_888 = arith.addf %parallel_loop3A_873, %parallel_loop3A_887 : vector<16xf32>
      %parallel_loop3A_889 = arith.constant 9 : i32
      %parallel_loop3A_890 = vector.broadcast %parallel_loop3A_889 : i32 to vector<16xi32>
      %parallel_loop3A_891 = arith.addi %iota3A, %parallel_loop3A_890 : vector<16xi32>
      %parallel_loop3A_892 = arith.constant 15 : i32
      %parallel_loop3A_893 = vector.broadcast %parallel_loop3A_892 : i32 to vector<16xi32>
      %parallel_loop3A_894 = arith.andi %parallel_loop3A_891, %parallel_loop3A_893 : vector<16xi32>
      %parallel_loop3A_895 = arith.constant 256 : i32
      %parallel_loop3A_896 = arith.muli %parallel_loop3A_33, %parallel_loop3A_895 : i32
      %parallel_loop3A_897 = arith.constant 49152 : i32
      %parallel_loop3A_898 = arith.addi %parallel_loop3A_897, %parallel_loop3A_896 : i32
      %parallel_loop3A_899 = vector.broadcast %parallel_loop3A_898 : i32 to vector<16xi32>
      %parallel_loop3A_900 = arith.addi %parallel_loop3A_899, %mul3A_3 : vector<16xi32>
      %parallel_loop3A_901 = arith.addi %parallel_loop3A_900, %parallel_loop3A_894 : vector<16xi32>
      %parallel_loop3A_902 = tpu.vector_load_idx %arg12[%parallel_loop3A_901] : memref<65536xf32, #tpu.memory_space<vmem>>[vector<16xi32>], vector<16xf32>,
      %parallel_loop3A_903 = arith.addf %parallel_loop3A_888, %parallel_loop3A_902 : vector<16xf32>
      %parallel_loop3A_904 = arith.constant 10 : i32
      %parallel_loop3A_905 = vector.broadcast %parallel_loop3A_904 : i32 to vector<16xi32>
      %parallel_loop3A_906 = arith.addi %iota3A, %parallel_loop3A_905 : vector<16xi32>
      %parallel_loop3A_907 = arith.constant 15 : i32
      %parallel_loop3A_908 = vector.broadcast %parallel_loop3A_907 : i32 to vector<16xi32>
      %parallel_loop3A_909 = arith.andi %parallel_loop3A_906, %parallel_loop3A_908 : vector<16xi32>
      %parallel_loop3A_910 = arith.constant 256 : i32
      %parallel_loop3A_911 = arith.muli %parallel_loop3A_33, %parallel_loop3A_910 : i32
      %parallel_loop3A_912 = arith.constant 49152 : i32
      %parallel_loop3A_913 = arith.addi %parallel_loop3A_912, %parallel_loop3A_911 : i32
      %parallel_loop3A_914 = vector.broadcast %parallel_loop3A_913 : i32 to vector<16xi32>
      %parallel_loop3A_915 = arith.addi %parallel_loop3A_914, %mul3A_3 : vector<16xi32>
      %parallel_loop3A_916 = arith.addi %parallel_loop3A_915, %parallel_loop3A_909 : vector<16xi32>
      %parallel_loop3A_917 = tpu.vector_load_idx %arg12[%parallel_loop3A_916] : memref<65536xf32, #tpu.memory_space<vmem>>[vector<16xi32>], vector<16xf32>,
      %parallel_loop3A_918 = arith.addf %parallel_loop3A_903, %parallel_loop3A_917 : vector<16xf32>
      %parallel_loop3A_919 = arith.constant 11 : i32
      %parallel_loop3A_920 = vector.broadcast %parallel_loop3A_919 : i32 to vector<16xi32>
      %parallel_loop3A_921 = arith.addi %iota3A, %parallel_loop3A_920 : vector<16xi32>
      %parallel_loop3A_922 = arith.constant 15 : i32
      %parallel_loop3A_923 = vector.broadcast %parallel_loop3A_922 : i32 to vector<16xi32>
      %parallel_loop3A_924 = arith.andi %parallel_loop3A_921, %parallel_loop3A_923 : vector<16xi32>
      %parallel_loop3A_925 = arith.constant 256 : i32
      %parallel_loop3A_926 = arith.muli %parallel_loop3A_33, %parallel_loop3A_925 : i32
      %parallel_loop3A_927 = arith.constant 49152 : i32
      %parallel_loop3A_928 = arith.addi %parallel_loop3A_927, %parallel_loop3A_926 : i32
      %parallel_loop3A_929 = vector.broadcast %parallel_loop3A_928 : i32 to vector<16xi32>
      %parallel_loop3A_930 = arith.addi %parallel_loop3A_929, %mul3A_3 : vector<16xi32>
      %parallel_loop3A_931 = arith.addi %parallel_loop3A_930, %parallel_loop3A_924 : vector<16xi32>
      %parallel_loop3A_932 = tpu.vector_load_idx %arg12[%parallel_loop3A_931] : memref<65536xf32, #tpu.memory_space<vmem>>[vector<16xi32>], vector<16xf32>,
      %parallel_loop3A_933 = arith.addf %parallel_loop3A_918, %parallel_loop3A_932 : vector<16xf32>
      %parallel_loop3A_934 = arith.constant 12 : i32
      %parallel_loop3A_935 = vector.broadcast %parallel_loop3A_934 : i32 to vector<16xi32>
      %parallel_loop3A_936 = arith.addi %iota3A, %parallel_loop3A_935 : vector<16xi32>
      %parallel_loop3A_937 = arith.constant 15 : i32
      %parallel_loop3A_938 = vector.broadcast %parallel_loop3A_937 : i32 to vector<16xi32>
      %parallel_loop3A_939 = arith.andi %parallel_loop3A_936, %parallel_loop3A_938 : vector<16xi32>
      %parallel_loop3A_940 = arith.constant 256 : i32
      %parallel_loop3A_941 = arith.muli %parallel_loop3A_33, %parallel_loop3A_940 : i32
      %parallel_loop3A_942 = arith.constant 49152 : i32
      %parallel_loop3A_943 = arith.addi %parallel_loop3A_942, %parallel_loop3A_941 : i32
      %parallel_loop3A_944 = vector.broadcast %parallel_loop3A_943 : i32 to vector<16xi32>
      %parallel_loop3A_945 = arith.addi %parallel_loop3A_944, %mul3A_3 : vector<16xi32>
      %parallel_loop3A_946 = arith.addi %parallel_loop3A_945, %parallel_loop3A_939 : vector<16xi32>
      %parallel_loop3A_947 = tpu.vector_load_idx %arg12[%parallel_loop3A_946] : memref<65536xf32, #tpu.memory_space<vmem>>[vector<16xi32>], vector<16xf32>,
      %parallel_loop3A_948 = arith.addf %parallel_loop3A_933, %parallel_loop3A_947 : vector<16xf32>
      %parallel_loop3A_949 = arith.constant 13 : i32
      %parallel_loop3A_950 = vector.broadcast %parallel_loop3A_949 : i32 to vector<16xi32>
      %parallel_loop3A_951 = arith.addi %iota3A, %parallel_loop3A_950 : vector<16xi32>
      %parallel_loop3A_952 = arith.constant 15 : i32
      %parallel_loop3A_953 = vector.broadcast %parallel_loop3A_952 : i32 to vector<16xi32>
      %parallel_loop3A_954 = arith.andi %parallel_loop3A_951, %parallel_loop3A_953 : vector<16xi32>
      %parallel_loop3A_955 = arith.constant 256 : i32
      %parallel_loop3A_956 = arith.muli %parallel_loop3A_33, %parallel_loop3A_955 : i32
      %parallel_loop3A_957 = arith.constant 49152 : i32
      %parallel_loop3A_958 = arith.addi %parallel_loop3A_957, %parallel_loop3A_956 : i32
      %parallel_loop3A_959 = vector.broadcast %parallel_loop3A_958 : i32 to vector<16xi32>
      %parallel_loop3A_960 = arith.addi %parallel_loop3A_959, %mul3A_3 : vector<16xi32>
      %parallel_loop3A_961 = arith.addi %parallel_loop3A_960, %parallel_loop3A_954 : vector<16xi32>
      %parallel_loop3A_962 = tpu.vector_load_idx %arg12[%parallel_loop3A_961] : memref<65536xf32, #tpu.memory_space<vmem>>[vector<16xi32>], vector<16xf32>,
      %parallel_loop3A_963 = arith.addf %parallel_loop3A_948, %parallel_loop3A_962 : vector<16xf32>
      %parallel_loop3A_964 = arith.constant 14 : i32
      %parallel_loop3A_965 = vector.broadcast %parallel_loop3A_964 : i32 to vector<16xi32>
      %parallel_loop3A_966 = arith.addi %iota3A, %parallel_loop3A_965 : vector<16xi32>
      %parallel_loop3A_967 = arith.constant 15 : i32
      %parallel_loop3A_968 = vector.broadcast %parallel_loop3A_967 : i32 to vector<16xi32>
      %parallel_loop3A_969 = arith.andi %parallel_loop3A_966, %parallel_loop3A_968 : vector<16xi32>
      %parallel_loop3A_970 = arith.constant 256 : i32
      %parallel_loop3A_971 = arith.muli %parallel_loop3A_33, %parallel_loop3A_970 : i32
      %parallel_loop3A_972 = arith.constant 49152 : i32
      %parallel_loop3A_973 = arith.addi %parallel_loop3A_972, %parallel_loop3A_971 : i32
      %parallel_loop3A_974 = vector.broadcast %parallel_loop3A_973 : i32 to vector<16xi32>
      %parallel_loop3A_975 = arith.addi %parallel_loop3A_974, %mul3A_3 : vector<16xi32>
      %parallel_loop3A_976 = arith.addi %parallel_loop3A_975, %parallel_loop3A_969 : vector<16xi32>
      %parallel_loop3A_977 = tpu.vector_load_idx %arg12[%parallel_loop3A_976] : memref<65536xf32, #tpu.memory_space<vmem>>[vector<16xi32>], vector<16xf32>,
      %parallel_loop3A_978 = arith.addf %parallel_loop3A_963, %parallel_loop3A_977 : vector<16xf32>
      %parallel_loop3A_979 = arith.constant 15 : i32
      %parallel_loop3A_980 = vector.broadcast %parallel_loop3A_979 : i32 to vector<16xi32>
      %parallel_loop3A_981 = arith.addi %iota3A, %parallel_loop3A_980 : vector<16xi32>
      %parallel_loop3A_982 = arith.constant 15 : i32
      %parallel_loop3A_983 = vector.broadcast %parallel_loop3A_982 : i32 to vector<16xi32>
      %parallel_loop3A_984 = arith.andi %parallel_loop3A_981, %parallel_loop3A_983 : vector<16xi32>
      %parallel_loop3A_985 = arith.constant 256 : i32
      %parallel_loop3A_986 = arith.muli %parallel_loop3A_33, %parallel_loop3A_985 : i32
      %parallel_loop3A_987 = arith.constant 49152 : i32
      %parallel_loop3A_988 = arith.addi %parallel_loop3A_987, %parallel_loop3A_986 : i32
      %parallel_loop3A_989 = vector.broadcast %parallel_loop3A_988 : i32 to vector<16xi32>
      %parallel_loop3A_990 = arith.addi %parallel_loop3A_989, %mul3A_3 : vector<16xi32>
      %parallel_loop3A_991 = arith.addi %parallel_loop3A_990, %parallel_loop3A_984 : vector<16xi32>
      %parallel_loop3A_992 = tpu.vector_load_idx %arg12[%parallel_loop3A_991] : memref<65536xf32, #tpu.memory_space<vmem>>[vector<16xi32>], vector<16xf32>,
      %parallel_loop3A_993 = arith.addf %parallel_loop3A_978, %parallel_loop3A_992 : vector<16xf32>
      %parallel_loop3A_994 = arith.constant 16 : i32
      %parallel_loop3A_995 = arith.muli %parallel_loop3A_33, %parallel_loop3A_994 : i32
      %parallel_loop3A_996 = arith.index_cast %parallel_loop3A_995 : i32 to index
      %parallel_loop3A_997 = tpu.vector_load %arg13[%parallel_loop3A_996] {strides = array<i32>} : memref<1024xf32, #tpu.memory_space<vmem>>, vector<16xf32>,
      tpu.vector_store %arg13[%parallel_loop3A_996], %parallel_loop3A_993 {strides = array<i32>} : memref<1024xf32, #tpu.memory_space<vmem>>, vector<16xf32>,
    } {sc.loop_unroll_factor = 2 : i64, sc.parallel_access}
    "tpu.region"() ({
      %run_scoped3A = tpu.sem_alloc : memref<!tpu.dma_semaphore, #tpu.memory_space<semaphore_mem>>
      %dma_start3A_33 = arith.constant 0 : i32
      %dma_start3A_34 = tpu.memref_slice %arg5[%add3A, %dma_start3A_33] : memref<32x1024xf32, #tpu.memory_space<hbm>> -> memref<1x1024xf32, #tpu.memory_space<hbm>>
      %dma_start3A_35 = tpu.memref_squeeze %dma_start3A_34 : memref<1x1024xf32, #tpu.memory_space<hbm>> -> memref<1024xf32, #tpu.memory_space<hbm>>
      %dma_start3A_36 = arith.constant 0 : i32
      %dma_start3A_37 = tpu.memref_slice %arg5[%add3A, %dma_start3A_36] : memref<32x1024xf32, #tpu.memory_space<hbm>> -> memref<1x1024xf32, #tpu.memory_space<hbm>>
      %dma_start3A_38 = tpu.memref_squeeze %dma_start3A_37 : memref<1x1024xf32, #tpu.memory_space<hbm>> -> memref<1024xf32, #tpu.memory_space<hbm>>
      tpu.enqueue_dma source(%arg13 : memref<1024xf32, #tpu.memory_space<vmem>>) target(%dma_start3A_38 : memref<1024xf32, #tpu.memory_space<hbm>>) target_semaphore(%run_scoped3A : memref<!tpu.dma_semaphore, #tpu.memory_space<semaphore_mem>>)
      %dma_wait3A = arith.constant 0 : i32
      %dma_wait3A_39 = tpu.memref_slice %arg5[%add3A, %dma_wait3A] : memref<32x1024xf32, #tpu.memory_space<hbm>> -> memref<1x1024xf32, #tpu.memory_space<hbm>>
      %dma_wait3A_40 = tpu.memref_squeeze %dma_wait3A_39 : memref<1x1024xf32, #tpu.memory_space<hbm>> -> memref<1024xf32, #tpu.memory_space<hbm>>
      %dma_wait3A_41 = arith.constant 0 : i32
      %dma_wait3A_42 = tpu.memref_slice %arg5[%add3A, %dma_wait3A_41] : memref<32x1024xf32, #tpu.memory_space<hbm>> -> memref<1x1024xf32, #tpu.memory_space<hbm>>
      %dma_wait3A_43 = tpu.memref_squeeze %dma_wait3A_42 : memref<1x1024xf32, #tpu.memory_space<hbm>> -> memref<1024xf32, #tpu.memory_space<hbm>>
      tpu.wait_dma2 semaphore(%run_scoped3A : memref<!tpu.dma_semaphore, #tpu.memory_space<semaphore_mem>>) src(%arg13 : memref<1024xf32, #tpu.memory_space<vmem>>) dst(%dma_wait3A_43 : memref<1024xf32, #tpu.memory_space<hbm>>)
      tpu.yield
    }) : () -> ()
    return
  }
}

</mosaic_0001>

<sc_bundles>
// kernel: kernel.3.cloned.1.call-start
scs
__scs_entry_jumppad:
0x0: {  	(pc) =	sbr.rel $0x88, $3  }
0x1: {  	(tag) =	ssettag $0x0;
	lr =	simm.s32 $0x1  }
0x2: {  	[smem:$0x3F9E] =	sst lr;
	_ =	strace $0xD0000000  }
0x3: {  	_ = 	snop  }
0x4: {  	_ = 	snop  }
0x5: {  	_ = 	snop  }
0x6: {  	_ = 	snop  }
0x7: {  	_ = 	snop  }
__scs_overlays_trampoline_lowered:
0x8: {  	[smem:$0x3FAD] =	sst s0  }
0x9: {  	[smem:$0x3FAE] =	sst s1  }
0xa: {  	[smem:$0x3FAF] =	sst s2  }
0xb: {  	[smem:$0x3FB0] =	sst s3  }
0xc: {  	[smem:$0x3FB1] =	sst s4  }
0xd: {  	[smem:$0x3FB2] =	sst s5  }
0xe: {  	[smem:$0x3FB3] =	sst s6  }
0xf: {  	[smem:$0x3FB4] =	sst s7  }
0x10: {  	[smem:$0x3FB5] =	sst s8  }
0x11: {  	[smem:$0x3FB6] =	sst s9;
	s0 =	simm.s32 @!p0 $0x0  }
0x12: {  	s1 =	sld [smem:$0x3F9C];
	s0 =	simm.s32 @p0 $0x1  }
0x13: {  	[smem:$0x3FB7] =	sst s0;
	s0 =	simm.s32 @!p1 $0x0  }
0x14: {  	s2 =	sld [smem:$0x3F9B];
	s0 =	simm.s32 @p1 $0x1  }
0x15: {  	[smem:$0x3FB8] =	sst s0;
	s0 =	simm.s32 @!p2 $0x0  }
0x16: {  	s3 =	sld [smem:$0x3FDB];
	s0 =	simm.s32 @p2 $0x1  }
0x17: {  	s4 =	simm.s32 $0x1BF5;
	[smem:$0x3FBA] =	sst s0  }
0x18: {  	s0 =	sld [smem:$0x3F9D];
	_ =	swait.ge [sflag:s4], $0x0  }
0x19: {  	s7 =	sld [smem:$0x3F9E]  }
0x1a: {  	s8 =	sadd.s32 $0xFFFFE003, lr  }
0x1b: {  	s9 =	sadd.s32 $0xFFFFFEF7, lr;
	s5 =	simm.s32 $0xFFFFFFFF;
	p2 =	slt.u32 s8, $0xFFFFF086  }
0x1c: {  	p1 =	slt.u32 s9, $0xF7A;
	s5 =	simm.s32 @!p2 $0x0  }
0x1d: {  	s5 =	simm.s32 @p1 $0x1;
	p0 =	seq.s32 s7, s2  }
0x1e: {  	s7 =	smul.u32 @!p0 $0xF7A, s2;
	p2 =	seq.s32 @!p0 s5, $0x0  }
0x1f: {  	s9 =	smul.u32 $0xF7A, s1;
	s8 =	simm.s32 @!p0 $0x1BF5;
	p2 =	por !p2, p0  }
0x20: {  	[sflag:s8] =	ssyncset.s32 @!p0 $0xFFFFF086;
	s6 =	sadd.s32 @!p0 s3, s7;
	s7 =	simm.s32 @!p0 $0x108  }
0x21: {  	s3 =	sadd.s32 s3, s9;
	s6 =	sadd.s32 @!p0 $0x88, s6;
	s7 =	simm.s32 @p2 $0x1082  }
0x22: {  	[simem:s7], [sflag:s8] =	dma.local @!p0 [hbm:s6], $0xF7A  }
0x23: {  	s9 =	sor.u32 $0xD0000000, s2;
	s6 =	simm.s32 $0x108;
	_ =	swait.ge @!p0 [sflag:s8], $0x0  }
0x24: {  	s3 =	sadd.s32 $0x88, s3;
	s6 =	simm.s32 @!p1 $0x1082;
	[sflag:s4] =	ssyncset.s32 $0xFFFFF086  }
0x25: {  	[simem:s6], [sflag:s4] =	dma.local [hbm:s3], $0xF7A  }
0x26: {  	[smem:$0x3F9E] =	sst s1;
	(tag) =	ssettag s2;
	_ =	strace s9  }
0x27: {  	s1 =	sld [smem:$0x3FAE]  }
0x28: {  	s2 =	sld [smem:$0x3FAF]  }
0x29: {  	s4 =	sld [smem:$0x3FB1]  }
0x2a: {  	p0 =	seq.s32 s5, $0x0;
	s5 =	sld [smem:$0x3FB2]  }
0x2b: {  	s6 =	sld [smem:$0x3FB3]  }
0x2c: {  	s7 =	sld [smem:$0x3FB4]  }
0x2d: {  	s3 =	simm.s32 $0x108;
	s8 =	sld [smem:$0x3FB5]  }
0x2e: {  	s3 =	simm.s32 @!p0 $0x1082;
	s9 =	sld [smem:$0x3FB6]  }
0x2f: {  	lr =	sadd.s32 s0, s3;
	s0 =	sld [smem:$0x3FAD]  }
0x30: {  	s3 =	sld [smem:$0x3FB0]  }
0x31: {  	[smem:$0x3FB9] =	sst s10  }
0x32: {  	s10 =	sld [smem:$0x3FB7];
	_ =	sdelay $0x3  }
0x33: {  	p0 =	seq.s32 s10, $0x1;
	s10 =	sld [smem:$0x3FB9];
	_ =	sdelay $0x3  }
0x34: {  	[smem:$0x3FB9] =	sst s10  }
0x35: {  	s10 =	sld [smem:$0x3FB8];
	_ =	sdelay $0x3  }
0x36: {  	p1 =	seq.s32 s10, $0x1;
	s10 =	sld [smem:$0x3FB9];
	_ =	sdelay $0x3  }
0x37: {  	[smem:$0x3FB9] =	sst s10  }
0x38: {  	s10 =	sld [smem:$0x3FBA]  }
0x39: {  	_ = 	snop;
	(pc) =	sbr.ind lr, $3  }
0x3a: {  	_ = 	snop  }
0x3b: {  	_ = 	snop  }
0x3c: {  	p2 =	seq.s32 s10, $0x1;
	s10 =	sld [smem:$0x3FB9]  }
0x3d: {  	_ =	shalt  }
0x3e: {  	_ =	shalt  }
0x3f: {  	_ =	shalt  }
0x40: {  	_ =	shalt  }
0x41: {  	_ =	shalt  }
0x42: {  	_ =	shalt  }
0x43: {  	_ =	shalt  }
0x44: {  	_ =	shalt  }
0x45: {  	_ =	shalt  }
0x46: {  	_ =	shalt  }
0x47: {  	_ =	shalt  }
0x48: {  	_ =	shalt  }
0x49: {  	_ =	shalt  }
0x4a: {  	_ =	shalt  }
0x4b: {  	_ =	shalt  }
0x4c: {  	_ =	shalt  }
0x4d: {  	_ =	shalt  }
0x4e: {  	_ =	shalt  }
0x4f: {  	_ =	shalt  }
0x50: {  	_ =	shalt  }
0x51: {  	_ =	shalt  }
0x52: {  	_ =	shalt  }
0x53: {  	_ =	shalt  }
0x54: {  	_ =	shalt  }
0x55: {  	_ =	shalt  }
0x56: {  	_ =	shalt  }
0x57: {  	_ =	shalt  }
0x58: {  	_ =	shalt  }
0x59: {  	_ =	shalt  }
0x5a: {  	_ =	shalt  }
0x5b: {  	_ =	shalt  }
0x5c: {  	_ =	shalt  }
0x5d: {  	_ =	shalt  }
0x5e: {  	_ =	shalt  }
0x5f: {  	_ =	shalt  }
0x60: {  	_ =	shalt  }
0x61: {  	_ =	shalt  }
0x62: {  	_ =	shalt  }
0x63: {  	_ =	shalt  }
0x64: {  	_ =	shalt  }
0x65: {  	_ =	shalt  }
0x66: {  	_ =	shalt  }
0x67: {  	_ =	shalt  }
0x68: {  	_ =	shalt  }
0x69: {  	_ =	shalt  }
0x6a: {  	_ =	shalt  }
0x6b: {  	_ =	shalt  }
0x6c: {  	_ =	shalt  }
0x6d: {  	_ =	shalt  }
0x6e: {  	_ =	shalt  }
0x6f: {  	_ =	shalt  }
0x70: {  	_ =	shalt  }
0x71: {  	_ =	shalt  }
0x72: {  	_ =	shalt  }
0x73: {  	_ =	shalt  }
0x74: {  	_ =	shalt  }
0x75: {  	_ =	shalt  }
0x76: {  	_ =	shalt  }
0x77: {  	_ =	shalt  }
0x78: {  	_ =	shalt  }
0x79: {  	_ =	shalt  }
0x7a: {  	_ =	shalt  }
0x7b: {  	_ =	shalt  }
0x7c: {  	_ =	shalt  }
0x7d: {  	_ =	shalt  }
0x7e: {  	_ =	shalt  }
0x7f: {  	_ =	shalt  }
0x80: {  	_ =	shalt  }
0x81: {  	_ =	shalt  }
0x82: {  	_ =	shalt  }
0x83: {  	_ =	shalt  }
0x84: {  	_ =	shalt  }
0x85: {  	_ =	shalt  }
0x86: {  	_ =	shalt  }
0x87: {  	_ =	shalt  }
.Lfunc_end0:
.L_simem_size_0:
called_computation_lowered:
.L_overlay_start_0:
0x88: {  	s2 =	sld [smem:$0x3FD9]  }
0x89: {  	s3 =	sld [smem:$0x3FFE];
	_ =	sdelay $0x1  }
0x8a: {  	s1 =	srdreg.scid  }
0x8b: {  	s0 =	sand.u32 $0x1, s1  }
0x8c: {  	s17 =	sshll.u32 s0, $0xA;
	s2 =	sadd.s32 s3, s2  }
0x8d: {  	s2 =	sadd.s32 s2, s17  }
0x8e: {  	[smem:$0x3FC5] =	sst s2  }
0x8f: {  	_ = 	snop  }
0x90: {  	s2 =	sld [smem:$0x3FC8]  }
0x91: {  	s18 =	sld [smem:$0x3FC7];
	(tm) =	ssettm $0x1  }
0x92: {  	s4 =	sld [smem:$0x3FFB];
	_ =	sdelay $0x3  }
0x93: {  	_ =	strace s4  }
0x94: {  	s4 =	sld [smem:$0x3FFC];
	_ =	sdelay $0x3  }
0x95: {  	_ =	strace s4  }
0x96: {  	s4 =	sld [smem:$0x3FFD];
	_ =	sdelay $0x3  }
0x97: {  	_ =	strace s4  }
0x98: {  	_ =	strace $0x8FFFFFFF  }
0x99: {  	s19 =	sld [smem:$0x3FDB];
	_ =	sdelay $0x1  }
0x9a: {  	s5 =	simm.s32 $_scs_section_size  }
0x9b: {  	s6 =	simm.s32 $_size__tile_overlayer_lowered;
	s7 =	simm.s32 $_tile_overlayer_lowered  }
0x9c: {  	s22 =	simm.s32 $0x1BFF;
	s21 =	sshll.u32 s7, $0x1;
	s4 =	sadd.s32 s5, s19  }
0x9d: {  	s8 =	simm.s32 $0x0;
	s20 =	sshll.u32 s6, $0x1;
	s6 =	sadd.s32 s21, s4  }
0x9e: {  	[timem:s8], [sflag:s22] =	dma.local [hbm:s6], s20  }
0x9f: {  	_ =	swait.ge [sflag:s22], s20  }
0xa0: {  	s5 =	ssub.s32 $0x0, s20;
	[sflag:s22] =	ssyncset.done $0x0  }
0xa1: {  	[sflag:s22] =	ssyncadd.s32 s5;
	_ =	sdelay $0x1  }
0xa2: {  	s23 =	simm.s32 $0x1B8B  }
0xa3: {  	_ =	swait.ge [sflag:s23], $0x1  }
0xa4: {  	[sflag:s23] =	ssyncset.done $0x0  }
0xa5: {  	s25 =	simm.s32 $0x1B8E;
	s24 =	sld [smem:$0x3FFE];
	[sflag:s23] =	ssyncadd.s32 $0xFFFFFFFF  }
0xa6: {  	s26 =	simm.s32 $execute0_lowered;
	[smem:$0x3FD2] =	sst s25  }
0xa7: {  	s6 =	sshll.u32 s26, $0x1;
	_ =	strace $0x80000046;
	[dreg:$0x1] =	wrdreg $0xFFFFFFFF  }
0xa8: {  	s28 =	simm.s32 $_size_execute0_lowered;
	s4 =	sadd.s32 s4, s6;
	[dreg:$0x0] =	wrdreg $0x0  }
0xa9: {  	s6 =	sshll.u32 s28, $0x1;
	[dreg:$0x2] =	wrdreg s4  }
0xaa: {  	[dreg:$0x3] =	wrdreg s6  }
0xab: {  	[dreg:$0x4] =	wrdreg $0xC0  }
0xac: {  	_ =	task [dreg:s8], $0x5FFFF  }
0xad: {  	[dreg:$0x1] =	wrdreg $0xFFFFFFFF  }
0xae: {  	[dreg:$0x0] =	wrdreg $0x60  }
0xaf: {  	[dreg:$0x2] =	wrdreg s24  }
0xb0: {  	[dreg:$0x3] =	wrdreg s2  }
0xb1: {  	[dreg:$0x4] =	wrdreg s18  }
0xb2: {  	[dreg:$0x5] =	wrdreg $0x9  }
0xb3: {  	_ =	task.clear_ibuf [dreg:s8], $0x6FFFF;
	_ =	strace $0x90000046  }
0xb4: {  	s29 =	simm.s32 $0x9;
	_ =	strace $0x80000048  }
0xb5: {  	_ =	swait.ge [sflag:s29], $0x1  }
0xb6: {  	[sflag:s29] =	ssyncadd.s32 $0xFFFFFFFF  }
0xb7: {  	_ =	strace $0x90000048  }
0xb8: {  	_ =	sfence  }
0xb9: {  	s30 =	sld [smem:$0x0];
	_ =	sdelay $0x2  }
0xba: {  	s31 =	sshll.u32 s1, $0xD;
	s1 =	sshrl.u32 s1, $0x2  }
0xbb: {  	s3 =	sand.u32 $0x4000, s31;
	s1 =	sadd.s32 s1, s30  }
0xbc: {  	s0 =	sor.u32 s3, s0;
	s1 =	sshll.u32 s1, $0x11  }
0xbd: {  	s0 =	sor.u32 s1, s0  }
0xbe: {  	s0 =	sadd.s32 $0x8F2B, s0  }
0xbf: {  	[sflag:s0] =	ssyncadd.remote.s32 $0x1  }
0xc0: {  	_ =	sfence.sel $0xFFFF  }
0xc1: {  	[dreg:$0x0] =	wrdreg $0xFFFFFFFF;
	(pc) =	sbr.abs _section_cstart, $3  }
0xc2: {  	[dreg:$0x1] =	wrdreg $0xFFFFFFFF  }
0xc3: {  	_ =	task.clear_ibuf [dreg:s8], $0x2FFFF;
	_ =	strace $0x9FFFFFFF  }
0xc4: {  	(tm) =	ssettm $0x7FFFFFFF  }
0xc5: {  	_ =	shalt  }
tec
execute0_lowered:
.L_overlay_start_1:
0x0: {  	(tag) =	ssettag $0x1  }
0x1: {  	v0 =	vimm.s32 $0xBCAB9A89  }
0x2: {  	v1 =	vimm.s32 $0xF0EFDECD;
	v2 =	vimm.s32 $0x34231201;
	v3 =	vimm.s32 $0x78675645  }
0x3: {  	v4 =	vimm.s32 $0xBDAC9B8A;
	v5 =	vimm.s32 $0xF1E0DFCE;
	vm0 =	vcmask $0x1F10  }
0x4: {  	v22 =	vimm.f32 $0.0e+00;
	v6 =	vimm.s32 $0x36251403;
	v7 =	vimm.s32 $0x7A695847  }
0x5: {  	v9 =	vimm.s32 $0xB0AF9E8D;
	v12 =	vimm.s32 $0x7C6B5A49;
	v50 =	vimm.s32 $0xF5E4D3C2  }
0x6: {  	v51 =	vimm.s32 $0x39281706;
	v54 =	vimm.s32 $0xB2A1908F;
	v56 =	vimm.s32 $0x7E6D5C4B  }
0x7: {  	v57 =	vimm.s32 $0xB3A29180;
	v58 =	vimm.s32 $0xF7E6D5C4;
	v60 =	vimm.s32 $0xB5A49382  }
0x8: {  	v61 =	vimm.s32 $0xF9E8D7C6;
	v15 =	vimm.s32 $0x71605F4E;
	v18 =	vimm.s32 $0x302F1E0D  }
0x9: {  	v19 =	vimm.s32 $0x74635241;
	v20 =	vimm.s32 $0xB9A89786;
	v21 =	vimm.s32 $0xFDECDBCA  }
0xa: {  	v0 =	vunpack.c.0.s8.s32 v0;
	v1 =	vunpack.c.0.s8.s32 v1;
	v2 =	vunpack.c.0.s8.s32 v2  }
0xb: {  	v3 =	vunpack.c.0.s8.s32 v3;
	v4 =	vunpack.c.0.s8.s32 v4;
	v5 =	vunpack.c.0.s8.s32 v5  }
0xc: {  	v9 =	vunpack.c.0.s8.s32 v9;
	v12 =	vunpack.c.0.s8.s32 v12;
	v53 =	vunpack.c.0.s8.s32 v50  }
0xd: {  	v15 =	vunpack.c.0.s8.s32 v15;
	v18 =	vunpack.c.0.s8.s32 v18;
	v0 =	vsel vm0, v1, v0  }
0xe: {  	v1 =	vsel vm0, v3, v2;
	v2 =	vimm.s32 $0x35241302;
	v3 =	vimm.s32 $0x79685746  }
0xf: {  	v0 =	vcombine.low v1, v0;
	v1 =	vsel vm0, v5, v4;
	v2 =	vunpack.c.0.s8.s32 v2  }
0x10: {  	v4 =	vimm.s32 $0xBEAD9C8B;
	v3 =	vunpack.c.0.s8.s32 v3;
	v5 =	vimm.s32 $0xF2E1D0CF  }
0x11: {  	v19 =	vunpack.c.0.s8.s32 v19;
	v4 =	vunpack.c.0.s8.s32 v4;
	v5 =	vunpack.c.0.s8.s32 v5  }
0x12: {  	v2 =	vsel vm0, v3, v2;
	v3 =	vunpack.c.0.s8.s32 v6;
	v6 =	vunpack.c.0.s8.s32 v7  }
0x13: {  	v7 =	vimm.s32 $0xF3E2D1C0;
	v4 =	vsel vm0, v5, v4;
	v5 =	vimm.s32 $0xBFAE9D8C  }
0x14: {  	v7 =	vunpack.c.0.s8.s32 v7;
	v8 =	vunpack.c.0.s8.s32 v5;
	v5 =	vimm.s32 $0x37261504  }
0x15: {  	v3 =	vsel vm0, v6, v3;
	v6 =	vimm.s32 $0x7B6A5948;
	v10 =	vunpack.c.0.s8.s32 v5  }
0x16: {  	v11 =	vunpack.c.0.s8.s32 v6;
	v5 =	vimm.s32 $0xF4E3D2C1;
	v6 =	vimm.s32 $0x38271605  }
0x17: {  	v23 =	vand.u32 $0xFF, v0;
	v13 =	vunpack.c.0.s8.s32 v5;
	v14 =	vunpack.c.0.s8.s32 v6  }
0x18: {  	v6 =	vcombine.low v2, v1;
	v1 =	vsel vm0, v7, v8;
	v7 =	vimm.s32 $0xB1A09F8E  }
0x19: {  	v5 =	vcombine.low v3, v4;
	v2 =	vsel vm0, v11, v10;
	v52 =	vunpack.c.0.s8.s32 v7  }
0x1a: {  	v7 =	vimm.s32 $0x7D6C5B4A;
	v10 =	vunpack.c.0.s8.s32 v57;
	v11 =	vunpack.c.0.s8.s32 v58  }
0x1b: {  	v3 =	vsel vm0, v13, v9;
	v4 =	vsel vm0, v12, v14;
	v9 =	vunpack.c.0.s8.s32 v51  }
0x1c: {  	v12 =	vimm.s32 $0xF6E5D4C3;
	v13 =	vunpack.c.0.s8.s32 v7;
	v14 =	vunpack.c.0.s8.s32 v54  }
0x1d: {  	v7 =	vcombine.low v2, v1;
	v46 =	vand.u32 $0xFF, v6;
	v48 =	vand.u32 $0xFF, v5  }
0x1e: {  	v12 =	vunpack.c.0.s8.s32 v12;
	v55 =	vcombine.low v4, v3;
	v4 =	vimm.s32 $0x3A291807  }
0x1f: {  	v2 =	vsel vm0, v13, v9;
	v4 =	vunpack.c.0.s8.s32 v4;
	v9 =	vunpack.c.0.s8.s32 v56  }
0x20: {  	v1 =	vsel vm0, v53, v52;
	v13 =	vimm.s32 $0x7F6E5D4C;
	v50 =	vand.u32 $0xFF, v7  }
0x21: {  	v3 =	vsel vm0, v12, v14;
	v12 =	vimm.s32 $0x3B2A1908;
	v4 =	vsel vm0, v9, v4  }
0x22: {  	v59 =	vunpack.c.0.s8.s32 v12;
	v12 =	vunpack.c.0.s8.s32 v13;
	v13 =	vcombine.low v2, v1  }
0x23: {  	v1 =	vsel vm0, v11, v10;
	v10 =	vunpack.c.0.s8.s32 v60;
	v11 =	vunpack.c.0.s8.s32 v61  }
0x24: {  	v14 =	vcombine.low v4, v3;
	v3 =	vimm.s32 $0xB4A39281;
	v2 =	vsel vm0, v12, v59  }
0x25: {  	v4 =	vimm.s32 $0xF8E7D6C5;
	v12 =	vimm.s32 $0x3D2C1B0A;
	v9 =	vcombine.low v2, v1  }
0x26: {  	v1 =	vunpack.c.0.s8.s32 v3;
	v2 =	vunpack.c.0.s8.s32 v4;
	v3 =	vimm.s32 $0x3C2B1A09  }
0x27: {  	v4 =	vimm.s32 $0x706F5E4D;
	v12 =	vunpack.c.0.s8.s32 v12;
	v53 =	vand.u32 $0xFF, v14  }
0x28: {  	v3 =	vunpack.c.0.s8.s32 v3;
	v4 =	vunpack.c.0.s8.s32 v4;
	v2 =	vsel vm0, v2, v1  }
0x29: {  	v1 =	vimm.s32 $0xB6A59483;
	v62 =	vsel vm0, v15, v12;
	v12 =	vimm.s32 $0x3E2D1C0B  }
0x2a: {  	v15 =	vimm.s32 $0x7261504F;
	v54 =	vand.u32 $0xFF, v9;
	v3 =	vsel vm0, v4, v3  }
0x2b: {  	v4 =	vsel vm0, v11, v10;
	v63 =	vunpack.c.0.s8.s32 v1;
	v1 =	vimm.s32 $0xFAE9D8C7  }
0x2c: {  	v12 =	vunpack.c.0.s8.s32 v12;
	v15 =	vunpack.c.0.s8.s32 v15;
	v16 =	vunpack.c.0.s8.s32 v1  }
0x2d: {  	v1 =	vlaneseq.u32;
	v17 =	vcombine.low v3, v2;
	v10 =	vcombine.low v62, v4  }
0x2e: {  	v4 =	vimm.s32 $0xB7A69584;
	v3 =	vsel vm0, v15, v12;
	v12 =	vimm.s32 $0x73625140  }
0x2f: {  	v15 =	vimm.s32 $0xB8A79685;
	v2 =	vsel vm0, v16, v63;
	v12 =	vunpack.c.0.s8.s32 v12  }
0x30: {  	v16 =	vimm.s32 $0xFCEBDAC9;
	v11 =	vcombine.low v3, v2;
	v3 =	vimm.s32 $0xFBEAD9C8  }
0x31: {  	s1 =	rddreg [dreg:$0x0];
	s6 =	stileid.u32;
	v2 =	vunpack.c.0.s8.s32 v4;
	v4 =	vimm.s32 $0x3F2E1D0C;
	v3 =	vunpack.c.0.s8.s32 v3  }
0x32: {  	s0 =	srdreg.scid;
	s2 =	rddreg [dreg:$0x1];
	v15 =	vunpack.c.0.s8.s32 v15;
	v16 =	vunpack.c.0.s8.s32 v16;
	v4 =	vunpack.c.0.s8.s32 v4  }
0x33: {  	s4 =	simm.s32 $0x0;
	s18 =	simm.s32 $0x7680;
	s19 =	simm.s32 $0x9E00;
	v62 =	vand.u32 $0xFF, v13;
	v2 =	vsel vm0, v3, v2;
	v3 =	vunpack.c.0.s8.s32 v20  }
0x34: {  	s20 =	simm.s32 $0xC580;
	s22 =	simm.s32 $0xED00;
	[smem:$0x7FF] =	sst s4;
	v20 =	vunpack.c.0.s8.s32 v21;
	v4 =	vsel vm0, v12, v4;
	v12 =	vsel vm0, v16, v15  }
0x35: {  	s3 =	rddreg [dreg:$0x2];
	s25 =	simm.s32 $0x400;
	_ =	strace $0x80000047;
	[tilespmem:$0x1FF50] =	vst v46;
	v15 =	vsel vm0, v19, v18;
	v19 =	vimm.s32 $0x3221100F;
	v18 =	vcombine.low v4, v2  }
0x36: {  	s21 =	simm.s32 $0x1;
	s23 =	simm.s32 $0x2;
	s26 =	simm.s32 $0x1ED00;
	[tilespmem:$0x1FF60] =	vst v48;
	v12 =	vcombine.low v15, v12;
	v2 =	vimm.s32 $0x31201F0E;
	v4 =	vimm.s32 $0xBAA99887  }
0x37: {  	s28 =	simm.s32 $0x3;
	s0 =	sand.u32 $0x1, s0;
	s5 =	sshll.u32 s6, $0x1;
	[tilespmem:$0x1FF70] =	vst v50;
	v19 =	vunpack.c.0.s8.s32 v19;
	v15 =	vsel vm0, v20, v3;
	v3 =	vimm.s32 $0x75645342  }
0x38: {  	s29 =	simm.s32 $0x0;
	s6 =	sshll.u32 s6, $0x8;
	s5 =	sor.u32 s0, s5;
	[tilespmem:$0x1FFA0] =	vst v53;
	v16 =	vunpack.c.0.s8.s32 v2;
	v2 =	vimm.s32 $0xFEEDDCCB;
	v20 =	vimm.s32 $0x76655443  }
0x39: {  	s0 =	ssub.s32 $0x2, s0;
	s6 =	sand.u32 $0xC00, s6;
	s13 =	smul.u32 $0x30D40, s5;
	[tilespmem:$0x1FFB0] =	vst v54;
	v4 =	vunpack.c.0.s8.s32 v4;
	v21 =	vunpack.c.0.s8.s32 v2;
	v20 =	vunpack.c.0.s8.s32 v20  }
0x3a: {  	s7 =	sshrl.u32 s0, $0x1;
	s14 =	sadd.s32 s6, s1;
	s5 =	sshll.u32 s5, $0x4;
	[tilespmem:$0x1FF90] =	vst v62;
	v63 =	vand.u32 $0xFF, v55;
	v14 =	vand.u32 $0xFF, v17;
	v3 =	vunpack.c.0.s8.s32 v3  }
0x3b: {  	s0 =	ssub.s32 s0, s7;
	s5 =	sand.u32 $0x70, s5;
	s8 =	sshrl.u32 s13, $0x3;
	[tilespmem:$0x1FF80] =	vst v63;
	v55 =	vand.u32 $0xFF, v11;
	v21 =	vsel vm0, v21, v4;
	v19 =	vsel vm0, v20, v19  }
0x3c: {  	s12 =	sadd.s32 $0x4E20, s13;
	s13 =	sadd.s32 $0x7530, s13;
	s5 =	sadd.s32 s5, s14;
	[tilespmem:$0x1FFC0] =	vst v55;
	v57 =	vand.u32 $0xFF, v18;
	v16 =	vsel vm0, v3, v16;
	v5 =	vcombine.low v19, v21  }
0x3d: {  	s15 =	smax.u32 s0, $0x1;
	s6 =	sadd.s32 s1, s8;
	s7 =	sadd.s32 s2, s8;
	v2 =	vor.u32 $0x4000, v1;
	v58 =	vand.u32 $0xFF, v12;
	[tilespmem:$0x1FFD0] =	vst v57;
	v0 =	vcombine.low v16, v15  }
0x3e: {  	s11 =	sadd.s32 $0x4E2, s8;
	s8 =	sadd.s32 s3, s8;
	s14 =	sadd.s32 $0xC3600, s5;
	[tilespmem:$0x1FFE0] =	vst v58;
	v3 =	vor.u32 $0x8000, v1;
	v4 =	vor.u32 $0xC000, v1;
	v15 =	vand.u32 $0xFF, v5  }
0x3f: {  	s9 =	sadd.s32 s1, s11;
	s10 =	sadd.s32 s2, s11;
	s11 =	sadd.s32 s3, s11;
	v20 =	vmul.u32 $0x11, v1;
	v16 =	vand.u32 $0xFF, v10;
	v19 =	vmovc v23;
	v18 =	vand.u32 $0xFF, v0;
	[tilespmem:$0x1FFF0] =	vst v15  }
.LBB2_1:
0x40: {  	[tilespmem:s4], [sflag:$0x1] =	stream.linear.gather [hbm4b:s6+s4], $0x2710, $0x38;
	[tilespmem:$0x1F100] =	vst v63  }
0x41: {  	s0 =	simm.s32 $0x2780  }
0x42: {  	[tilespmem:s0], [sflag:$0x1] =	stream.linear.gather [hbm4b:s7+s4], $0x2710, $0x38;
	[tilespmem:$0x1F100] =	vst v63  }
0x43: {  	s31 =	simm.s32 $0x4F00  }
0x44: {  	[tilespmem:s31], [sflag:$0x1] =	stream.linear.gather [hbm4b:s8+s4], $0x2710, $0x38;
	[tilespmem:$0x1F100] =	vst v63  }
0x45: {  	_ = 	snop  }
0x46: {  	[tilespmem:s18], [sflag:$0x2] =	stream.linear.gather [hbm4b:s9+s4], $0x2710, $0x38;
	[tilespmem:$0x1F100] =	vst v63  }
0x47: {  	_ = 	snop  }
0x48: {  	[tilespmem:s19], [sflag:$0x2] =	stream.linear.gather [hbm4b:s10+s4], $0x2710, $0x38;
	[tilespmem:$0x1F100] =	vst v63  }
0x49: {  	s0 =	simm.s32 $0xED40  }
0x4a: {  	[tilespmem:s20], [sflag:$0x2] =	stream.linear.gather [hbm4b:s11+s4], $0x2710, $0x38;
	[tilespmem:$0x1F100] =	vst v63  }
0x4b: {  	[tilespmem:s0+$0xFFFFFFC0] =	vst v22  }
0x4c: {  	[tilespmem:s0+$0x30] =	vst v22  }
0x4d: {  	[tilespmem:s0+$0x20] =	vst v22  }
0x4e: {  	[tilespmem:s0+$0x10] =	vst v22  }
0x4f: {  	[tilespmem:s0+$0x0] =	vst v22  }
0x50: {  	[tilespmem:s0+$0xFFFFFFF0] =	vst v22  }
0x51: {  	s5 =	simm.s32 $0x0;
	[tilespmem:s0+$0xFFFFFFE0] =	vst v22  }
.LBB2_2:
0x52: {  	s5 =	sadd.s32 $0x8, s5;
	[tilespmem:s0+$0xFFFFFFD0] =	vst v22;
	s0 =	sadd.s32 $0x80, s0  }
0x53: {  	[tilespmem:s0+$0xFFFFFFC0] =	vst v22;
	p0 =	slt.u32 s5, $0xFF8  }
0x54: {  	[tilespmem:s0+$0x30] =	vst v22  }
.Ltmp0:
0x55: {  	[tilespmem:s0+$0x20] =	vst v22;
	(pc) =	sbr.rel @p0 .LBB2_2-.Ltmp0, $4  }
0x56: {  	[tilespmem:s0+$0x10] =	vst v22  }
0x57: {  	[tilespmem:s0+$0x0] =	vst v22  }
0x58: {  	[tilespmem:s0+$0xFFFFFFF0] =	vst v22  }
0x59: {  	[tilespmem:s0+$0xFFFFFFE0] =	vst v22  }
0x5a: {  	[tilespmem:s0+$0xFFFFFFD0] =	vst v22;
	s30 =	simm.s32 $0x0  }
.LBB2_4:
0x5b: {  	_ =	swait.ge [sflag:s21], $0x2710  }
0x5c: {  	[sflag:s21] =	ssyncset.done $0x0  }
0x5d: {  	[sflag:s21] =	ssyncadd.s32 $0xFFFFD8F0  }
0x5e: {  	_ =	swait.ge [sflag:s21], $0x2710  }
0x5f: {  	[sflag:s21] =	ssyncset.done $0x0  }
0x60: {  	[sflag:s21] =	ssyncadd.s32 $0xFFFFD8F0  }
0x61: {  	_ =	swait.ge [sflag:s21], $0x2710  }
0x62: {  	[sflag:s21] =	ssyncset.done $0x0  }
0x63: {  	s0 =	simm.s32 $0x4F80;
	[sflag:s21] =	ssyncadd.s32 $0xFFFFD8F0  }
0x64: {  	v0 =	vld [tilespmem:s0+$0x70]  }
0x65: {  	v5 =	vld [tilespmem:s0+$0xFFFFFF80]  }
0x66: {  	s5 =	simm.s32 $0x80;
	v6 =	vld [tilespmem:s0+$0xFFFFFF90]  }
0x67: {  	s31 =	simm.s32 $0x2800;
	v7 =	vld [tilespmem:s5+$0x70]  }
0x68: {  	v8 =	vld [tilespmem:s31+$0x70]  }
0x69: {  	v9 =	vld [tilespmem:s0+$0xFFFFFFA0]  }
0x6a: {  	v10 =	vld [tilespmem:s0+$0xFFFFFFB0]  }
0x6b: {  	v11 =	vld [tilespmem:s0+$0xFFFFFFC0]  }
0x6c: {  	v12 =	vld [tilespmem:s0+$0xFFFFFFD0]  }
0x6d: {  	v21 =	vld [tilespmem:s0+$0xFFFFFFE0]  }
0x6e: {  	v56 =	vld [tilespmem:s0+$0xFFFFFFF0]  }
0x6f: {  	v22 =	vld [tilespmem:s0+$0x20]  }
0x70: {  	v23 =	vld [tilespmem:s0+$0x30]  }
0x71: {  	v24 =	vld [tilespmem:s0+$0x40]  }
0x72: {  	v25 =	vld [tilespmem:s0+$0x50]  }
0x73: {  	v26 =	vld [tilespmem:s0+$0x60]  }
0x74: {  	v27 =	vld [tilespmem:s31+$0xFFFFFF80]  }
0x75: {  	v28 =	vld [tilespmem:s5+$0xFFFFFF90]  }
0x76: {  	v29 =	vld [tilespmem:s31+$0xFFFFFF90]  }
0x77: {  	v30 =	vld [tilespmem:s5+$0xFFFFFFA0]  }
0x78: {  	v31 =	vld [tilespmem:s31+$0xFFFFFFA0]  }
0x79: {  	v32 =	vld [tilespmem:s5+$0xFFFFFFB0]  }
0x7a: {  	v33 =	vld [tilespmem:s31+$0xFFFFFFB0]  }
0x7b: {  	v34 =	vld [tilespmem:s5+$0xFFFFFFC0]  }
0x7c: {  	v35 =	vld [tilespmem:s31+$0xFFFFFFC0]  }
0x7d: {  	v36 =	vld [tilespmem:s5+$0xFFFFFFD0]  }
0x7e: {  	v37 =	vld [tilespmem:s31+$0xFFFFFFD0]  }
0x7f: {  	v38 =	vld [tilespmem:s5+$0xFFFFFFE0]  }
0x80: {  	v39 =	vld [tilespmem:s31+$0xFFFFFFE0]  }
0x81: {  	v40 =	vld [tilespmem:s5+$0xFFFFFFF0]  }
0x82: {  	v41 =	vld [tilespmem:s31+$0xFFFFFFF0]  }
0x83: {  	v42 =	vld [tilespmem:s5+$0x0]  }
0x84: {  	v43 =	vld [tilespmem:s31+$0x0]  }
0x85: {  	v44 =	vld [tilespmem:s5+$0x10]  }
0x86: {  	v45 =	vld [tilespmem:s5+$0x20]  }
0x87: {  	v47 =	vld [tilespmem:s31+$0x50]  }
0x88: {  	v49 =	vld [tilespmem:s5+$0x60]  }
0x89: {  	v51 =	vld [tilespmem:s31+$0x60]  }
0x8a: {  	v0 =	vshll.u32 v0, $0x4;
	v28 =	vmul.f32 v29, v28;
	v29 =	vld [tilespmem:s31+$0x10]  }
0x8b: {  	v59 =	vmul.f32 v31, v30;
	v30 =	vld [tilespmem:s5+$0x30];
	v0 =	vadd.s32 v4, v0  }
0x8c: {  	v31 =	vld [tilespmem:s31+$0x30]  }
0x8d: {  	v6 =	vshll.u32 v6, $0x4;
	v60 =	vmul.f32 v33, v32;
	v32 =	vld [tilespmem:s31+$0x40]  }
0x8e: {  	v7 =	vmul.f32 v8, v7;
	v33 =	vld [tilespmem:s5+$0x50];
	v12 =	vshll.u32 v12, $0x4;
	v6 =	vadd.s32 v2, v6  }
0x8f: {  	v9 =	vshll.u32 v9, $0x4;
	v61 =	vadd.s32 v2, v12;
	v12 =	vshll.u32 v21, $0x4;
	v21 =	vld [tilespmem:s5+$0xFFFFFF80]  }
0x90: {  	v9 =	vadd.s32 v3, v9;
	[tilespmem:v0+s22+$0x0] =	vst.idx.add.f32.msk $0xffff, v7  }
0x91: {  	v10 =	vshll.u32 v10, $0x4;
	v0 =	vld [tilespmem:s0+$0x0]  }
0x92: {  	v10 =	vadd.s32 v4, v10;
	v7 =	vld [tilespmem:s0+$0x10]  }
0x93: {  	v5 =	vshll.u32 v5, $0x4;
	v12 =	vadd.s32 v3, v12;
	[tilespmem:v6+s22+$0x0] =	vst.idx.add.f32.msk $0xffff, v28  }
0x94: {  	v11 =	vshll.u32 v11, $0x4;
	v5 =	vor.u32 v1, v5;
	v6 =	vld [tilespmem:s31+$0x20]  }
0x95: {  	v34 =	vmul.f32 v35, v34;
	v11 =	vor.u32 v1, v11;
	[tilespmem:v9+s22+$0x0] =	vst.idx.add.f32.msk $0xffff, v59  }
0x96: {  	v8 =	vshll.u32 v56, $0x4;
	v36 =	vmul.f32 v37, v36;
	v38 =	vmul.f32 v39, v38;
	v9 =	vld [tilespmem:s5+$0x40]  }
0x97: {  	v52 =	vshll.u32 v22, $0x4;
	v8 =	vadd.s32 v4, v8;
	[tilespmem:v10+s22+$0x0] =	vst.idx.add.f32.msk $0xffff, v60;
	v21 =	vmul.f32 v27, v21  }
0x98: {  	v56 =	vadd.s32 v3, v52;
	[tilespmem:v12+s22+$0x0] =	vst.idx.add.f32.msk $0xffff, v38;
	v12 =	vshll.u32 v24, $0x4;
	v0 =	vshll.u32 v0, $0x4  }
0x99: {  	[tilespmem:v5+s22+$0x0] =	vst.idx.add.f32.msk $0xffff, v21;
	v5 =	vor.u32 v1, v12;
	v12 =	vshll.u32 v25, $0x4;
	v0 =	vor.u32 v1, v0  }
0x9a: {  	v22 =	vmul.f32 v41, v40;
	[tilespmem:v11+s22+$0x0] =	vst.idx.add.f32.msk $0xffff, v34;
	v60 =	vadd.s32 v2, v12;
	v7 =	vshll.u32 v7, $0x4  }
0x9b: {  	[tilespmem:v61+s22+$0x0] =	vst.idx.add.f32.msk $0xffff, v36;
	v59 =	vshll.u32 v23, $0x4;
	v6 =	vmul.f32 v6, v45;
	v7 =	vadd.s32 v2, v7  }
0x9c: {  	v23 =	vmul.f32 v43, v42;
	[tilespmem:v8+s22+$0x0] =	vst.idx.add.f32.msk $0xffff, v22;
	v11 =	vadd.s32 v4, v59  }
0x9d: {  	v12 =	vshll.u32 v26, $0x4;
	[tilespmem:v56+s22+$0x0] =	vst.idx.add.f32.msk $0xffff, v6;
	v6 =	vmul.f32 v47, v33  }
0x9e: {  	v21 =	vmul.f32 v29, v44;
	[tilespmem:v0+s22+$0x0] =	vst.idx.add.f32.msk $0xffff, v23;
	v0 =	vadd.s32 v3, v12  }
0x9f: {  	[tilespmem:v60+s22+$0x0] =	vst.idx.add.f32.msk $0xffff, v6;
	v12 =	vmul.f32 v31, v30  }
0xa0: {  	[tilespmem:v7+s22+$0x0] =	vst.idx.add.f32.msk $0xffff, v21;
	v7 =	vmul.f32 v32, v9  }
0xa1: {  	v61 =	vmul.f32 v51, v49;
	[tilespmem:v11+s22+$0x0] =	vst.idx.add.f32.msk $0xffff, v12  }
0xa2: {  	[tilespmem:v5+s22+$0x0] =	vst.idx.add.f32.msk $0xffff, v7  }
0xa3: {  	s16 =	simm.s32 $0x5080;
	s0 =	simm.s32 $0x0;
	[tilespmem:v0+s22+$0x0] =	vst.idx.add.f32.msk $0xffff, v61  }
.LBB2_5:
0xa4: {  	v0 =	vld [tilespmem:s16+$0x70];
	s0 =	sadd.s32 $0x10, s0  }
0xa5: {  	v5 =	vld [tilespmem:s16+$0xFFFFFF80];
	p0 =	slt.u32 s0, $0x260  }
0xa6: {  	s5 =	sadd.s32 $0x100, s5;
	v6 =	vld [tilespmem:s16+$0xFFFFFF90]  }
0xa7: {  	s31 =	sadd.s32 $0x100, s31;
	v7 =	vld [tilespmem:s5+$0x70]  }
0xa8: {  	v8 =	vld [tilespmem:s31+$0x70]  }
0xa9: {  	v9 =	vld [tilespmem:s16+$0xFFFFFFA0];
	v0 =	vshll.u32 v0, $0x4  }
0xaa: {  	v5 =	vshll.u32 v5, $0x4;
	v10 =	vld [tilespmem:s16+$0xFFFFFFB0];
	v11 =	vadd.s32 v4, v0  }
0xab: {  	v0 =	vor.u32 v1, v5;
	v5 =	vshll.u32 v6, $0x4;
	v6 =	vld [tilespmem:s16+$0xFFFFFFC0]  }
0xac: {  	v5 =	vadd.s32 v2, v5;
	v12 =	vld [tilespmem:s16+$0xFFFFFFD0]  }
0xad: {  	v21 =	vld [tilespmem:s16+$0xFFFFFFE0];
	v7 =	vmul.f32 v8, v7  }
0xae: {  	v8 =	vshll.u32 v9, $0x4;
	v9 =	vld [tilespmem:s16+$0xFFFFFFF0]  }
0xaf: {  	v8 =	vadd.s32 v3, v8;
	v10 =	vshll.u32 v10, $0x4;
	[tilespmem:v11+s22+$0x0] =	vst.idx.add.f32.msk $0xffff, v7  }
0xb0: {  	v7 =	vadd.s32 v4, v10;
	v6 =	vshll.u32 v6, $0x4;
	v10 =	vld [tilespmem:s16+$0x0]  }
0xb1: {  	v6 =	vor.u32 v1, v6;
	v11 =	vshll.u32 v12, $0x4;
	v12 =	vld [tilespmem:s16+$0x10]  }
0xb2: {  	v11 =	vadd.s32 v2, v11;
	v21 =	vshll.u32 v21, $0x4;
	v22 =	vld [tilespmem:s16+$0x20]  }
0xb3: {  	v21 =	vadd.s32 v3, v21;
	v9 =	vshll.u32 v9, $0x4;
	v23 =	vld [tilespmem:s16+$0x30]  }
0xb4: {  	v9 =	vadd.s32 v4, v9;
	v24 =	vld [tilespmem:s16+$0x40]  }
0xb5: {  	v10 =	vshll.u32 v10, $0x4;
	v25 =	vld [tilespmem:s16+$0x50]  }
0xb6: {  	v10 =	vor.u32 v1, v10;
	v12 =	vshll.u32 v12, $0x4;
	v26 =	vld [tilespmem:s16+$0x60]  }
0xb7: {  	v27 =	vld [tilespmem:s31+$0xFFFFFF80];
	v12 =	vadd.s32 v2, v12;
	v22 =	vshll.u32 v22, $0x4  }
0xb8: {  	v28 =	vld [tilespmem:s5+$0xFFFFFF90];
	v22 =	vadd.s32 v3, v22;
	v23 =	vshll.u32 v23, $0x4  }
0xb9: {  	v29 =	vld [tilespmem:s31+$0xFFFFFF90];
	v23 =	vadd.s32 v4, v23;
	v24 =	vshll.u32 v24, $0x4  }
0xba: {  	v30 =	vld [tilespmem:s5+$0xFFFFFFA0];
	v24 =	vor.u32 v1, v24;
	v25 =	vshll.u32 v25, $0x4  }
0xbb: {  	v31 =	vld [tilespmem:s31+$0xFFFFFFA0];
	v25 =	vadd.s32 v2, v25;
	v26 =	vshll.u32 v26, $0x4  }
0xbc: {  	v32 =	vld [tilespmem:s5+$0xFFFFFFB0];
	v26 =	vadd.s32 v3, v26  }
0xbd: {  	v33 =	vld [tilespmem:s31+$0xFFFFFFB0]  }
0xbe: {  	v28 =	vmul.f32 v29, v28;
	v29 =	vld [tilespmem:s5+$0xFFFFFFC0]  }
0xbf: {  	v34 =	vld [tilespmem:s31+$0xFFFFFFC0]  }
0xc0: {  	v30 =	vmul.f32 v31, v30;
	v31 =	vld [tilespmem:s5+$0xFFFFFFD0]  }
0xc1: {  	v35 =	vld [tilespmem:s31+$0xFFFFFFD0]  }
0xc2: {  	v32 =	vmul.f32 v33, v32;
	v33 =	vld [tilespmem:s5+$0xFFFFFFE0]  }
0xc3: {  	v36 =	vld [tilespmem:s31+$0xFFFFFFE0]  }
0xc4: {  	v29 =	vmul.f32 v34, v29;
	v34 =	vld [tilespmem:s5+$0xFFFFFFF0]  }
0xc5: {  	v37 =	vld [tilespmem:s31+$0xFFFFFFF0]  }
0xc6: {  	v31 =	vmul.f32 v35, v31;
	v35 =	vld [tilespmem:s5+$0x0]  }
0xc7: {  	v38 =	vld [tilespmem:s31+$0x0]  }
0xc8: {  	v33 =	vmul.f32 v36, v33;
	v36 =	vld [tilespmem:s5+$0x10]  }
0xc9: {  	v39 =	vld [tilespmem:s31+$0x10]  }
0xca: {  	v34 =	vmul.f32 v37, v34;
	v37 =	vld [tilespmem:s5+$0x20]  }
0xcb: {  	v40 =	vld [tilespmem:s31+$0x20]  }
0xcc: {  	v35 =	vmul.f32 v38, v35;
	v38 =	vld [tilespmem:s5+$0x30]  }
0xcd: {  	v41 =	vld [tilespmem:s31+$0x30]  }
0xce: {  	v36 =	vmul.f32 v39, v36;
	v39 =	vld [tilespmem:s5+$0x40]  }
0xcf: {  	v42 =	vld [tilespmem:s31+$0x40]  }
0xd0: {  	v37 =	vmul.f32 v40, v37;
	v40 =	vld [tilespmem:s5+$0x50]  }
0xd1: {  	v43 =	vld [tilespmem:s31+$0x50]  }
0xd2: {  	v38 =	vmul.f32 v41, v38;
	v41 =	vld [tilespmem:s5+$0x60]  }
0xd3: {  	v44 =	vld [tilespmem:s31+$0x60]  }
0xd4: {  	v45 =	vld [tilespmem:s5+$0xFFFFFF80];
	v39 =	vmul.f32 v42, v39  }
0xd5: {  	[tilespmem:v5+s22+$0x0] =	vst.idx.add.f32.msk $0xffff, v28  }
0xd6: {  	[tilespmem:v8+s22+$0x0] =	vst.idx.add.f32.msk $0xffff, v30;
	v5 =	vmul.f32 v43, v40  }
0xd7: {  	[tilespmem:v7+s22+$0x0] =	vst.idx.add.f32.msk $0xffff, v32  }
0xd8: {  	[tilespmem:v6+s22+$0x0] =	vst.idx.add.f32.msk $0xffff, v29;
	v6 =	vmul.f32 v44, v41  }
0xd9: {  	v7 =	vmul.f32 v27, v45;
	[tilespmem:v11+s22+$0x0] =	vst.idx.add.f32.msk $0xffff, v31  }
0xda: {  	[tilespmem:v21+s22+$0x0] =	vst.idx.add.f32.msk $0xffff, v33  }
0xdb: {  	[tilespmem:v0+s22+$0x0] =	vst.idx.add.f32.msk $0xffff, v7  }
0xdc: {  	[tilespmem:v9+s22+$0x0] =	vst.idx.add.f32.msk $0xffff, v34  }
0xdd: {  	[tilespmem:v10+s22+$0x0] =	vst.idx.add.f32.msk $0xffff, v35  }
0xde: {  	[tilespmem:v12+s22+$0x0] =	vst.idx.add.f32.msk $0xffff, v36  }
.Ltmp1:
0xdf: {  	[tilespmem:v22+s22+$0x0] =	vst.idx.add.f32.msk $0xffff, v37;
	(pc) =	sbr.rel @p0 .LBB2_5-.Ltmp1, $4  }
0xe0: {  	[tilespmem:v23+s22+$0x0] =	vst.idx.add.f32.msk $0xffff, v38  }
0xe1: {  	[tilespmem:v24+s22+$0x0] =	vst.idx.add.f32.msk $0xffff, v39  }
0xe2: {  	[tilespmem:v25+s22+$0x0] =	vst.idx.add.f32.msk $0xffff, v5  }
0xe3: {  	s16 =	sadd.s32 $0x100, s16;
	[tilespmem:v26+s22+$0x0] =	vst.idx.add.f32.msk $0xffff, v6  }
0xe4: {  	v0 =	vld [tilespmem:$0x7600];
	_ =	sdelay $0x2  }
0xe5: {  	v5 =	vld [tilespmem:$0x2700]  }
0xe6: {  	v6 =	vld [tilespmem:$0x4E80]  }
0xe7: {  	v0 =	vshll.u32 v0, $0x4  }
0xe8: {  	p0 =	seq.s32 s30, $0x9;
	v0 =	vor.u32 v1, v0  }
0xe9: {  	s0 =	smul.u32 @!p0 $0x4E20, s30;
	_ =	sdelay $0x1  }
0xea: {  	s0 =	sadd.s32 @!p0 s0, s12;
	v5 =	vmul.f32 v6, v5  }
0xeb: {  	s0 =	sshrl.u32 @!p0 s0, $0x3  }
0xec: {  	s16 =	simm.s32 @!p0 $0x0;
	s5 =	sadd.s32 @!p0 s1, s0;
	[tilespmem:v0+s22+$0x0] =	vst.idx.add.f32.msk $0xffff, v5  }
0xed: {  	[tilespmem:s16], [sflag:$0x1] =	stream.linear.gather @!p0 [hbm4b:s5+s16], $0x2710, $0x38;
	[tilespmem:$0x1F100] =	vst v63  }
0xee: {  	s17 =	simm.s32 @!p0 $0x2780;
	s5 =	sadd.s32 @!p0 s2, s0  }
0xef: {  	[tilespmem:s17], [sflag:$0x1] =	stream.linear.gather @!p0 [hbm4b:s5+s16], $0x2710, $0x38;
	[tilespmem:$0x1F100] =	vst v63  }
0xf0: {  	s0 =	sadd.s32 @!p0 s3, s0;
	s5 =	simm.s32 @!p0 $0x4F00  }
0xf1: {  	[tilespmem:s5], [sflag:$0x1] =	stream.linear.gather @!p0 [hbm4b:s0+s16], $0x2710, $0x38;
	[tilespmem:$0x1F100] =	vst v63  }
0xf2: {  	_ =	swait.ge [sflag:s23], $0x2710  }
0xf3: {  	[sflag:s23] =	ssyncset.done $0x0  }
0xf4: {  	[sflag:s23] =	ssyncadd.s32 $0xFFFFD8F0  }
0xf5: {  	_ =	swait.ge [sflag:s23], $0x2710  }
0xf6: {  	[sflag:s23] =	ssyncset.done $0x0  }
0xf7: {  	[sflag:s23] =	ssyncadd.s32 $0xFFFFD8F0  }
0xf8: {  	_ =	swait.ge [sflag:s23], $0x2710  }
0xf9: {  	[sflag:s23] =	ssyncset.done $0x0  }
0xfa: {  	s24 =	simm.s32 $0xC600;
	[sflag:s23] =	ssyncadd.s32 $0xFFFFD8F0  }
0xfb: {  	v0 =	vld [tilespmem:s24+$0x70]  }
0xfc: {  	v5 =	vld [tilespmem:s24+$0xFFFFFF80]  }
0xfd: {  	s5 =	simm.s32 $0x7700;
	v6 =	vld [tilespmem:s24+$0xFFFFFF90]  }
0xfe: {  	s31 =	simm.s32 $0x9E80;
	v7 =	vld [tilespmem:s5+$0x70]  }
0xff: {  	v8 =	vld [tilespmem:s31+$0x70]  }
0x100: {  	v9 =	vld [tilespmem:s24+$0xFFFFFFA0]  }
0x101: {  	v10 =	vld [tilespmem:s24+$0xFFFFFFB0]  }
0x102: {  	v11 =	vld [tilespmem:s24+$0xFFFFFFC0]  }
0x103: {  	v12 =	vld [tilespmem:s24+$0xFFFFFFD0]  }
0x104: {  	v21 =	vld [tilespmem:s24+$0xFFFFFFE0]  }
0x105: {  	v56 =	vld [tilespmem:s24+$0xFFFFFFF0]  }
0x106: {  	v22 =	vld [tilespmem:s24+$0x20]  }
0x107: {  	v23 =	vld [tilespmem:s24+$0x30]  }
0x108: {  	v24 =	vld [tilespmem:s24+$0x40]  }
0x109: {  	v25 =	vld [tilespmem:s24+$0x50]  }
0x10a: {  	v26 =	vld [tilespmem:s24+$0x60]  }
0x10b: {  	v27 =	vld [tilespmem:s31+$0xFFFFFF80]  }
0x10c: {  	v28 =	vld [tilespmem:s5+$0xFFFFFF90]  }
0x10d: {  	v29 =	vld [tilespmem:s31+$0xFFFFFF90]  }
0x10e: {  	v30 =	vld [tilespmem:s5+$0xFFFFFFA0]  }
0x10f: {  	v31 =	vld [tilespmem:s31+$0xFFFFFFA0]  }
0x110: {  	v32 =	vld [tilespmem:s5+$0xFFFFFFB0]  }
0x111: {  	v33 =	vld [tilespmem:s31+$0xFFFFFFB0]  }
0x112: {  	v34 =	vld [tilespmem:s5+$0xFFFFFFC0]  }
0x113: {  	v35 =	vld [tilespmem:s31+$0xFFFFFFC0]  }
0x114: {  	v36 =	vld [tilespmem:s5+$0xFFFFFFD0]  }
0x115: {  	v37 =	vld [tilespmem:s31+$0xFFFFFFD0]  }
0x116: {  	v38 =	vld [tilespmem:s5+$0xFFFFFFE0]  }
0x117: {  	v39 =	vld [tilespmem:s31+$0xFFFFFFE0]  }
0x118: {  	v40 =	vld [tilespmem:s5+$0xFFFFFFF0]  }
0x119: {  	v41 =	vld [tilespmem:s31+$0xFFFFFFF0]  }
0x11a: {  	v42 =	vld [tilespmem:s5+$0x0]  }
0x11b: {  	v43 =	vld [tilespmem:s31+$0x0]  }
0x11c: {  	v44 =	vld [tilespmem:s5+$0x10]  }
0x11d: {  	v45 =	vld [tilespmem:s5+$0x20]  }
0x11e: {  	v47 =	vld [tilespmem:s31+$0x50]  }
0x11f: {  	v49 =	vld [tilespmem:s5+$0x60]  }
0x120: {  	v51 =	vld [tilespmem:s31+$0x60]  }
0x121: {  	v0 =	vshll.u32 v0, $0x4;
	v28 =	vmul.f32 v29, v28;
	v29 =	vld [tilespmem:s31+$0x10]  }
0x122: {  	v59 =	vmul.f32 v31, v30;
	v30 =	vld [tilespmem:s5+$0x30];
	v0 =	vadd.s32 v4, v0  }
0x123: {  	v31 =	vld [tilespmem:s31+$0x30]  }
0x124: {  	v6 =	vshll.u32 v6, $0x4;
	v60 =	vmul.f32 v33, v32;
	v32 =	vld [tilespmem:s31+$0x40]  }
0x125: {  	v7 =	vmul.f32 v8, v7;
	v33 =	vld [tilespmem:s5+$0x50];
	v12 =	vshll.u32 v12, $0x4;
	v6 =	vadd.s32 v2, v6  }
0x126: {  	v9 =	vshll.u32 v9, $0x4;
	v61 =	vadd.s32 v2, v12;
	v12 =	vshll.u32 v21, $0x4;
	v21 =	vld [tilespmem:s5+$0xFFFFFF80]  }
0x127: {  	v9 =	vadd.s32 v3, v9;
	[tilespmem:v0+s22+$0x0] =	vst.idx.add.f32.msk $0xffff, v7  }
0x128: {  	v10 =	vshll.u32 v10, $0x4;
	v0 =	vld [tilespmem:s24+$0x0]  }
0x129: {  	v10 =	vadd.s32 v4, v10;
	v7 =	vld [tilespmem:s24+$0x10]  }
0x12a: {  	v5 =	vshll.u32 v5, $0x4;
	v12 =	vadd.s32 v3, v12;
	[tilespmem:v6+s22+$0x0] =	vst.idx.add.f32.msk $0xffff, v28  }
0x12b: {  	v11 =	vshll.u32 v11, $0x4;
	v5 =	vor.u32 v1, v5;
	v6 =	vld [tilespmem:s31+$0x20]  }
0x12c: {  	v34 =	vmul.f32 v35, v34;
	v11 =	vor.u32 v1, v11;
	[tilespmem:v9+s22+$0x0] =	vst.idx.add.f32.msk $0xffff, v59  }
0x12d: {  	v8 =	vshll.u32 v56, $0x4;
	v36 =	vmul.f32 v37, v36;
	v38 =	vmul.f32 v39, v38;
	v9 =	vld [tilespmem:s5+$0x40]  }
0x12e: {  	v52 =	vshll.u32 v22, $0x4;
	v8 =	vadd.s32 v4, v8;
	[tilespmem:v10+s22+$0x0] =	vst.idx.add.f32.msk $0xffff, v60;
	v21 =	vmul.f32 v27, v21  }
0x12f: {  	v56 =	vadd.s32 v3, v52;
	[tilespmem:v12+s22+$0x0] =	vst.idx.add.f32.msk $0xffff, v38;
	v12 =	vshll.u32 v24, $0x4;
	v0 =	vshll.u32 v0, $0x4  }
0x130: {  	[tilespmem:v5+s22+$0x0] =	vst.idx.add.f32.msk $0xffff, v21;
	v5 =	vor.u32 v1, v12;
	v12 =	vshll.u32 v25, $0x4;
	v0 =	vor.u32 v1, v0  }
0x131: {  	v22 =	vmul.f32 v41, v40;
	[tilespmem:v11+s22+$0x0] =	vst.idx.add.f32.msk $0xffff, v34;
	v60 =	vadd.s32 v2, v12;
	v7 =	vshll.u32 v7, $0x4  }
0x132: {  	[tilespmem:v61+s22+$0x0] =	vst.idx.add.f32.msk $0xffff, v36;
	v59 =	vshll.u32 v23, $0x4;
	v6 =	vmul.f32 v6, v45;
	v7 =	vadd.s32 v2, v7  }
0x133: {  	v23 =	vmul.f32 v43, v42;
	[tilespmem:v8+s22+$0x0] =	vst.idx.add.f32.msk $0xffff, v22;
	v11 =	vadd.s32 v4, v59  }
0x134: {  	v12 =	vshll.u32 v26, $0x4;
	[tilespmem:v56+s22+$0x0] =	vst.idx.add.f32.msk $0xffff, v6;
	v6 =	vmul.f32 v47, v33  }
0x135: {  	v21 =	vmul.f32 v29, v44;
	[tilespmem:v0+s22+$0x0] =	vst.idx.add.f32.msk $0xffff, v23;
	v0 =	vadd.s32 v3, v12  }
0x136: {  	[tilespmem:v60+s22+$0x0] =	vst.idx.add.f32.msk $0xffff, v6;
	v12 =	vmul.f32 v31, v30  }
0x137: {  	[tilespmem:v7+s22+$0x0] =	vst.idx.add.f32.msk $0xffff, v21;
	v7 =	vmul.f32 v32, v9  }
0x138: {  	v61 =	vmul.f32 v51, v49;
	[tilespmem:v11+s22+$0x0] =	vst.idx.add.f32.msk $0xffff, v12  }
0x139: {  	[tilespmem:v5+s22+$0x0] =	vst.idx.add.f32.msk $0xffff, v7  }
0x13a: {  	s0 =	simm.s32 $0x0;
	s16 =	simm.s32 $0xC700;
	[tilespmem:v0+s22+$0x0] =	vst.idx.add.f32.msk $0xffff, v61  }
.LBB2_7:
0x13b: {  	v0 =	vld [tilespmem:s16+$0x70];
	s0 =	sadd.s32 $0x10, s0  }
0x13c: {  	v5 =	vld [tilespmem:s16+$0xFFFFFF80];
	p1 =	slt.u32 s0, $0x260  }
0x13d: {  	s5 =	sadd.s32 $0x100, s5;
	v6 =	vld [tilespmem:s16+$0xFFFFFF90]  }
0x13e: {  	s31 =	sadd.s32 $0x100, s31;
	v7 =	vld [tilespmem:s5+$0x70]  }
0x13f: {  	v8 =	vld [tilespmem:s31+$0x70]  }
0x140: {  	v9 =	vld [tilespmem:s16+$0xFFFFFFA0];
	v0 =	vshll.u32 v0, $0x4  }
0x141: {  	v5 =	vshll.u32 v5, $0x4;
	v10 =	vld [tilespmem:s16+$0xFFFFFFB0];
	v11 =	vadd.s32 v4, v0  }
0x142: {  	v0 =	vor.u32 v1, v5;
	v5 =	vshll.u32 v6, $0x4;
	v6 =	vld [tilespmem:s16+$0xFFFFFFC0]  }
0x143: {  	v5 =	vadd.s32 v2, v5;
	v12 =	vld [tilespmem:s16+$0xFFFFFFD0]  }
0x144: {  	v21 =	vld [tilespmem:s16+$0xFFFFFFE0];
	v7 =	vmul.f32 v8, v7  }
0x145: {  	v8 =	vshll.u32 v9, $0x4;
	v9 =	vld [tilespmem:s16+$0xFFFFFFF0]  }
0x146: {  	v8 =	vadd.s32 v3, v8;
	v10 =	vshll.u32 v10, $0x4;
	[tilespmem:v11+s22+$0x0] =	vst.idx.add.f32.msk $0xffff, v7  }
0x147: {  	v7 =	vadd.s32 v4, v10;
	v6 =	vshll.u32 v6, $0x4;
	v10 =	vld [tilespmem:s16+$0x0]  }
0x148: {  	v6 =	vor.u32 v1, v6;
	v11 =	vshll.u32 v12, $0x4;
	v12 =	vld [tilespmem:s16+$0x10]  }
0x149: {  	v11 =	vadd.s32 v2, v11;
	v21 =	vshll.u32 v21, $0x4;
	v22 =	vld [tilespmem:s16+$0x20]  }
0x14a: {  	v21 =	vadd.s32 v3, v21;
	v9 =	vshll.u32 v9, $0x4;
	v23 =	vld [tilespmem:s16+$0x30]  }
0x14b: {  	v9 =	vadd.s32 v4, v9;
	v24 =	vld [tilespmem:s16+$0x40]  }
0x14c: {  	v10 =	vshll.u32 v10, $0x4;
	v25 =	vld [tilespmem:s16+$0x50]  }
0x14d: {  	v10 =	vor.u32 v1, v10;
	v12 =	vshll.u32 v12, $0x4;
	v26 =	vld [tilespmem:s16+$0x60]  }
0x14e: {  	v27 =	vld [tilespmem:s31+$0xFFFFFF80];
	v12 =	vadd.s32 v2, v12;
	v22 =	vshll.u32 v22, $0x4  }
0x14f: {  	v28 =	vld [tilespmem:s5+$0xFFFFFF90];
	v22 =	vadd.s32 v3, v22;
	v23 =	vshll.u32 v23, $0x4  }
0x150: {  	v29 =	vld [tilespmem:s31+$0xFFFFFF90];
	v23 =	vadd.s32 v4, v23;
	v24 =	vshll.u32 v24, $0x4  }
0x151: {  	v30 =	vld [tilespmem:s5+$0xFFFFFFA0];
	v24 =	vor.u32 v1, v24;
	v25 =	vshll.u32 v25, $0x4  }
0x152: {  	v31 =	vld [tilespmem:s31+$0xFFFFFFA0];
	v25 =	vadd.s32 v2, v25;
	v26 =	vshll.u32 v26, $0x4  }
0x153: {  	v32 =	vld [tilespmem:s5+$0xFFFFFFB0];
	v26 =	vadd.s32 v3, v26  }
0x154: {  	v33 =	vld [tilespmem:s31+$0xFFFFFFB0]  }
0x155: {  	v28 =	vmul.f32 v29, v28;
	v29 =	vld [tilespmem:s5+$0xFFFFFFC0]  }
0x156: {  	v34 =	vld [tilespmem:s31+$0xFFFFFFC0]  }
0x157: {  	v30 =	vmul.f32 v31, v30;
	v31 =	vld [tilespmem:s5+$0xFFFFFFD0]  }
0x158: {  	v35 =	vld [tilespmem:s31+$0xFFFFFFD0]  }
0x159: {  	v32 =	vmul.f32 v33, v32;
	v33 =	vld [tilespmem:s5+$0xFFFFFFE0]  }
0x15a: {  	v36 =	vld [tilespmem:s31+$0xFFFFFFE0]  }
0x15b: {  	v29 =	vmul.f32 v34, v29;
	v34 =	vld [tilespmem:s5+$0xFFFFFFF0]  }
0x15c: {  	v37 =	vld [tilespmem:s31+$0xFFFFFFF0]  }
0x15d: {  	v31 =	vmul.f32 v35, v31;
	v35 =	vld [tilespmem:s5+$0x0]  }
0x15e: {  	v38 =	vld [tilespmem:s31+$0x0]  }
0x15f: {  	v33 =	vmul.f32 v36, v33;
	v36 =	vld [tilespmem:s5+$0x10]  }
0x160: {  	v39 =	vld [tilespmem:s31+$0x10]  }
0x161: {  	v34 =	vmul.f32 v37, v34;
	v37 =	vld [tilespmem:s5+$0x20]  }
0x162: {  	v40 =	vld [tilespmem:s31+$0x20]  }
0x163: {  	v35 =	vmul.f32 v38, v35;
	v38 =	vld [tilespmem:s5+$0x30]  }
0x164: {  	v41 =	vld [tilespmem:s31+$0x30]  }
0x165: {  	v36 =	vmul.f32 v39, v36;
	v39 =	vld [tilespmem:s5+$0x40]  }
0x166: {  	v42 =	vld [tilespmem:s31+$0x40]  }
0x167: {  	v37 =	vmul.f32 v40, v37;
	v40 =	vld [tilespmem:s5+$0x50]  }
0x168: {  	v43 =	vld [tilespmem:s31+$0x50]  }
0x169: {  	v38 =	vmul.f32 v41, v38;
	v41 =	vld [tilespmem:s5+$0x60]  }
0x16a: {  	v44 =	vld [tilespmem:s31+$0x60]  }
0x16b: {  	v45 =	vld [tilespmem:s5+$0xFFFFFF80];
	v39 =	vmul.f32 v42, v39  }
0x16c: {  	[tilespmem:v5+s22+$0x0] =	vst.idx.add.f32.msk $0xffff, v28  }
0x16d: {  	[tilespmem:v8+s22+$0x0] =	vst.idx.add.f32.msk $0xffff, v30;
	v5 =	vmul.f32 v43, v40  }
0x16e: {  	[tilespmem:v7+s22+$0x0] =	vst.idx.add.f32.msk $0xffff, v32  }
0x16f: {  	[tilespmem:v6+s22+$0x0] =	vst.idx.add.f32.msk $0xffff, v29;
	v6 =	vmul.f32 v44, v41  }
0x170: {  	v7 =	vmul.f32 v27, v45;
	[tilespmem:v11+s22+$0x0] =	vst.idx.add.f32.msk $0xffff, v31  }
0x171: {  	[tilespmem:v21+s22+$0x0] =	vst.idx.add.f32.msk $0xffff, v33  }
0x172: {  	[tilespmem:v0+s22+$0x0] =	vst.idx.add.f32.msk $0xffff, v7  }
0x173: {  	[tilespmem:v9+s22+$0x0] =	vst.idx.add.f32.msk $0xffff, v34  }
0x174: {  	[tilespmem:v10+s22+$0x0] =	vst.idx.add.f32.msk $0xffff, v35  }
0x175: {  	[tilespmem:v12+s22+$0x0] =	vst.idx.add.f32.msk $0xffff, v36  }
.Ltmp2:
0x176: {  	[tilespmem:v22+s22+$0x0] =	vst.idx.add.f32.msk $0xffff, v37;
	(pc) =	sbr.rel @p1 .LBB2_7-.Ltmp2, $4  }
0x177: {  	[tilespmem:v23+s22+$0x0] =	vst.idx.add.f32.msk $0xffff, v38  }
0x178: {  	[tilespmem:v24+s22+$0x0] =	vst.idx.add.f32.msk $0xffff, v39  }
0x179: {  	[tilespmem:v25+s22+$0x0] =	vst.idx.add.f32.msk $0xffff, v5  }
0x17a: {  	s16 =	sadd.s32 $0x100, s16;
	[tilespmem:v26+s22+$0x0] =	vst.idx.add.f32.msk $0xffff, v6  }
0x17b: {  	v0 =	vld [tilespmem:$0xEC80];
	_ =	sdelay $0x2  }
0x17c: {  	v5 =	vld [tilespmem:$0x9D80]  }
0x17d: {  	v6 =	vld [tilespmem:$0xC500]  }
0x17e: {  	v0 =	vshll.u32 v0, $0x4  }
0x17f: {  	v0 =	vor.u32 v1, v0  }
.Ltmp3:
0x180: {  	_ = 	snop;
	(pc) =	sbr.rel @p0 .LBB2_9-.Ltmp3, $3  }
0x181: {  	_ = 	snop  }
0x182: {  	v5 =	vmul.f32 v6, v5;
	_ =	sdelay $0x1  }
0x183: {  	[tilespmem:v0+s22+$0x0] =	vst.idx.add.f32.msk $0xffff, v5  }
0x184: {  	s0 =	smul.u32 $0x4E20, s30;
	_ =	sdelay $0x1  }
0x185: {  	s0 =	sadd.s32 s0, s13  }
0x186: {  	s0 =	sshrl.u32 s0, $0x3  }
0x187: {  	s5 =	sadd.s32 s1, s0  }
0x188: {  	[tilespmem:s18], [sflag:$0x2] =	stream.linear.gather [hbm4b:s5+s4], $0x2710, $0x38;
	[tilespmem:$0x1F100] =	vst v63  }
.Ltmp4:
0x189: {  	_ = 	snop;
	(pc) =	sbr.rel .LBB2_4-.Ltmp4, $4  }
0x18a: {  	s31 =	sadd.s32 s2, s0  }
0x18b: {  	[tilespmem:s19], [sflag:$0x2] =	stream.linear.gather [hbm4b:s31+s4], $0x2710, $0x38;
	[tilespmem:$0x1F100] =	vst v63  }
0x18c: {  	s30 =	sadd.s32 $0x1, s30;
	s0 =	sadd.s32 s3, s0  }
0x18d: {  	[tilespmem:s20], [sflag:$0x2] =	stream.linear.gather [hbm4b:s0+s4], $0x2710, $0x38;
	[tilespmem:$0x1F100] =	vst v63  }
.LBB2_9:
0x18e: {  	s0 =	simm.s32 $0x0  }
0x18f: {  	s5 =	simm.s32 $0x100;
	v0 =	vor.u32 s0, v20  }
0x190: {  	v5 =	vor.u32 s5, v20  }
0x191: {  	v6 =	vor.u32 s0, v19  }
0x192: {  	v7 =	vor.u32 s5, v19  }
0x193: {  	v8 =	vor.u32 s0, v46  }
0x194: {  	v9 =	vor.u32 s0, v48;
	v23 =	vld.idx.msk [tilespmem:v0+s22+$0x0], $0xffff  }
0x195: {  	v0 =	vor.u32 s5, v46;
	v21 =	vld.idx.msk [tilespmem:v5+s22+$0x0], $0xffff  }
0x196: {  	v27 =	vld.idx.msk [tilespmem:v6+s22+$0x0], $0xffff;
	v5 =	vor.u32 s5, v48  }
0x197: {  	v6 =	vor.u32 s0, v50;
	v22 =	vld.idx.msk [tilespmem:v7+s22+$0x0], $0xffff  }
0x198: {  	v29 =	vld.idx.msk [tilespmem:v8+s22+$0x0], $0xffff;
	v7 =	vor.u32 s5, v50  }
0x199: {  	v8 =	vor.u32 s0, v63;
	v31 =	vld.idx.msk [tilespmem:v9+s22+$0x0], $0xffff  }
0x19a: {  	v9 =	vor.u32 s0, v62;
	v24 =	vld.idx.msk [tilespmem:v0+s22+$0x0], $0xffff  }
0x19b: {  	v0 =	vor.u32 s5, v63;
	v25 =	vld.idx.msk [tilespmem:v5+s22+$0x0], $0xffff  }
0x19c: {  	v32 =	vld.idx.msk [tilespmem:v6+s22+$0x0], $0xffff;
	v5 =	vor.u32 s5, v62  }
0x19d: {  	v6 =	vor.u32 s0, v53;
	v26 =	vld.idx.msk [tilespmem:v7+s22+$0x0], $0xffff  }
0x19e: {  	v34 =	vld.idx.msk [tilespmem:v8+s22+$0x0], $0xffff;
	v7 =	vor.u32 s5, v53  }
0x19f: {  	v8 =	vor.u32 s0, v54;
	v35 =	vld.idx.msk [tilespmem:v9+s22+$0x0], $0xffff  }
0x1a0: {  	v9 =	vor.u32 s0, v14;
	v28 =	vld.idx.msk [tilespmem:v0+s22+$0x0], $0xffff  }
0x1a1: {  	v0 =	vor.u32 s5, v54;
	v30 =	vld.idx.msk [tilespmem:v5+s22+$0x0], $0xffff  }
0x1a2: {  	v37 =	vld.idx.msk [tilespmem:v6+s22+$0x0], $0xffff;
	v5 =	vor.u32 s5, v14  }
0x1a3: {  	v6 =	vor.u32 s0, v16;
	v33 =	vld.idx.msk [tilespmem:v7+s22+$0x0], $0xffff  }
0x1a4: {  	v39 =	vld.idx.msk [tilespmem:v8+s22+$0x0], $0xffff;
	v7 =	vor.u32 s5, v16  }
0x1a5: {  	v8 =	vor.u32 s0, v55;
	v41 =	vld.idx.msk [tilespmem:v9+s22+$0x0], $0xffff  }
0x1a6: {  	v9 =	vor.u32 s0, v57;
	v36 =	vld.idx.msk [tilespmem:v0+s22+$0x0], $0xffff  }
0x1a7: {  	v38 =	vld.idx.msk [tilespmem:v5+s22+$0x0], $0xffff  }
0x1a8: {  	v0 =	vor.u32 s5, v55;
	v43 =	vld.idx.msk [tilespmem:v6+s22+$0x0], $0xffff  }
0x1a9: {  	v5 =	vor.u32 s5, v57;
	v40 =	vld.idx.msk [tilespmem:v7+s22+$0x0], $0xffff  }
0x1aa: {  	v6 =	vor.u32 s0, v58;
	v45 =	vld.idx.msk [tilespmem:v8+s22+$0x0], $0xffff  }
0x1ab: {  	v48 =	vld.idx.msk [tilespmem:v9+s22+$0x0], $0xffff;
	v9 =	vor.u32 s0, v15;
	_ =	sdelay $0x1  }
0x1ac: {  	v7 =	vor.u32 s5, v58;
	v42 =	vld.idx.msk [tilespmem:v0+s22+$0x0], $0xffff  }
0x1ad: {  	v8 =	vor.u32 s0, v18;
	v44 =	vld.idx.msk [tilespmem:v5+s22+$0x0], $0xffff  }
0x1ae: {  	v0 =	vor.u32 s5, v18;
	v49 =	vld.idx.msk [tilespmem:v6+s22+$0x0], $0xffff  }
0x1af: {  	s24 =	simm.s32 $0x4000;
	v5 =	vor.u32 s5, v15;
	v53 =	vld.idx.msk [tilespmem:v9+s22+$0x0], $0xffff  }
0x1b0: {  	v6 =	vor.u32 s24, v20;
	v9 =	vld [tilespmem:$0x1FF50]  }
0x1b1: {  	v46 =	vld.idx.msk [tilespmem:v7+s22+$0x0], $0xffff  }
0x1b2: {  	s16 =	simm.s32 $0x4100;
	v51 =	vld.idx.msk [tilespmem:v8+s22+$0x0], $0xffff  }
0x1b3: {  	v7 =	vor.u32 s16, v20;
	v47 =	vld.idx.msk [tilespmem:v0+s22+$0x0], $0xffff  }
0x1b4: {  	v0 =	vor.u32 s16, v19;
	v50 =	vld.idx.msk [tilespmem:v5+s22+$0x0], $0xffff  }
0x1b5: {  	v9 =	vor.u32 s24, v9;
	v55 =	vld.idx.msk [tilespmem:v6+s22+$0x0], $0xffff  }
0x1b6: {  	v5 =	vld [tilespmem:$0x1FF50]  }
0x1b7: {  	v6 =	vld [tilespmem:$0x1FF60]  }
0x1b8: {  	v8 =	vor.u32 s24, v19;
	v52 =	vld.idx.msk [tilespmem:v7+s22+$0x0], $0xffff  }
0x1b9: {  	v54 =	vld.idx.msk [tilespmem:v0+s22+$0x0], $0xffff  }
0x1ba: {  	v59 =	vld.idx.msk [tilespmem:v9+s22+$0x0], $0xffff  }
0x1bb: {  	v5 =	vor.u32 s16, v5;
	v0 =	vld [tilespmem:$0x1FF70]  }
0x1bc: {  	v6 =	vor.u32 s24, v6;
	v9 =	vld [tilespmem:$0x1FF80]  }
0x1bd: {  	v57 =	vld.idx.msk [tilespmem:v8+s22+$0x0], $0xffff  }
0x1be: {  	v7 =	vld [tilespmem:$0x1FF60]  }
0x1bf: {  	v8 =	vld [tilespmem:$0x1FF70]  }
0x1c0: {  	v0 =	vor.u32 s16, v0;
	v56 =	vld.idx.msk [tilespmem:v5+s22+$0x0], $0xffff  }
0x1c1: {  	v9 =	vor.u32 s24, v9;
	v61 =	vld.idx.msk [tilespmem:v6+s22+$0x0], $0xffff  }
0x1c2: {  	v5 =	vld [tilespmem:$0x1FF80]  }
0x1c3: {  	v7 =	vor.u32 s16, v7;
	v6 =	vld [tilespmem:$0x1FF90];
	_ =	sdelay $0x1  }
0x1c4: {  	v60 =	vld.idx.msk [tilespmem:v0+s22+$0x0], $0xffff  }
0x1c5: {  	v8 =	vor.u32 s24, v8;
	v0 =	vld.idx.msk [tilespmem:v9+s22+$0x0], $0xffff  }
0x1c6: {  	v5 =	vor.u32 s16, v5  }
0x1c7: {  	v58 =	vld.idx.msk [tilespmem:v7+s22+$0x0], $0xffff;
	v6 =	vor.u32 s24, v6  }
0x1c8: {  	v7 =	vld [tilespmem:$0x1FF90];
	_ =	sdelay $0x1  }
0x1c9: {  	v15 =	vld.idx.msk [tilespmem:v8+s22+$0x0], $0xffff;
	[tilespmem:$0x1FA00] =	vst v0  }
0x1ca: {  	v17 =	vld.idx.msk [tilespmem:v5+s22+$0x0], $0xffff  }
0x1cb: {  	v5 =	vld.idx.msk [tilespmem:v6+s22+$0x0], $0xffff  }
0x1cc: {  	v7 =	vor.u32 s16, v7  }
0x1cd: {  	v8 =	vld [tilespmem:$0x1FFA0];
	_ =	sdelay $0x2  }
0x1ce: {  	[tilespmem:$0x1FA20] =	vst v5  }
0x1cf: {  	v7 =	vld.idx.msk [tilespmem:v7+s22+$0x0], $0xffff  }
0x1d0: {  	v8 =	vor.u32 s24, v8  }
0x1d1: {  	v0 =	vld [tilespmem:$0x1FFA0];
	_ =	sdelay $0x2  }
0x1d2: {  	[tilespmem:$0x1FA10] =	vst v7  }
0x1d3: {  	v7 =	vld.idx.msk [tilespmem:v8+s22+$0x0], $0xffff  }
0x1d4: {  	v0 =	vor.u32 s16, v0  }
0x1d5: {  	v9 =	vld [tilespmem:$0x1FFB0];
	_ =	sdelay $0x2  }
0x1d6: {  	[tilespmem:$0x1FA40] =	vst v7  }
0x1d7: {  	v0 =	vld.idx.msk [tilespmem:v0+s22+$0x0], $0xffff  }
0x1d8: {  	v9 =	vor.u32 s24, v9  }
0x1d9: {  	v5 =	vld [tilespmem:$0x1FFB0];
	_ =	sdelay $0x2  }
0x1da: {  	[tilespmem:$0x1FA30] =	vst v0  }
0x1db: {  	v0 =	vld.idx.msk [tilespmem:v9+s22+$0x0], $0xffff  }
0x1dc: {  	v5 =	vor.u32 s16, v5;
	_ =	sdelay $0x3  }
0x1dd: {  	[tilespmem:$0x1FA60] =	vst v0  }
0x1de: {  	v5 =	vld.idx.msk [tilespmem:v5+s22+$0x0], $0xffff  }
0x1df: {  	v6 =	vor.u32 s24, v14;
	_ =	sdelay $0x3  }
0x1e0: {  	[tilespmem:$0x1FA50] =	vst v5  }
0x1e1: {  	v5 =	vld.idx.msk [tilespmem:v6+s22+$0x0], $0xffff  }
0x1e2: {  	v7 =	vor.u32 s16, v14;
	_ =	sdelay $0x3  }
0x1e3: {  	[tilespmem:$0x1FA80] =	vst v5  }
0x1e4: {  	v7 =	vld.idx.msk [tilespmem:v7+s22+$0x0], $0xffff  }
0x1e5: {  	v8 =	vor.u32 s24, v16;
	_ =	sdelay $0x3  }
0x1e6: {  	[tilespmem:$0x1FA70] =	vst v7  }
0x1e7: {  	v7 =	vld.idx.msk [tilespmem:v8+s22+$0x0], $0xffff  }
0x1e8: {  	v0 =	vor.u32 s16, v16  }
0x1e9: {  	v9 =	vld [tilespmem:$0x1FFC0];
	_ =	sdelay $0x2  }
0x1ea: {  	[tilespmem:$0x1FAA0] =	vst v7  }
0x1eb: {  	v0 =	vld.idx.msk [tilespmem:v0+s22+$0x0], $0xffff  }
0x1ec: {  	v9 =	vor.u32 s24, v9  }
0x1ed: {  	v5 =	vld [tilespmem:$0x1FFC0];
	_ =	sdelay $0x2  }
0x1ee: {  	[tilespmem:$0x1FA90] =	vst v0  }
0x1ef: {  	v0 =	vld.idx.msk [tilespmem:v9+s22+$0x0], $0xffff  }
0x1f0: {  	v5 =	vor.u32 s16, v5  }
0x1f1: {  	v6 =	vld [tilespmem:$0x1FFD0];
	_ =	sdelay $0x2  }
0x1f2: {  	[tilespmem:$0x1FAC0] =	vst v0  }
0x1f3: {  	v5 =	vld.idx.msk [tilespmem:v5+s22+$0x0], $0xffff  }
0x1f4: {  	v6 =	vor.u32 s24, v6  }
0x1f5: {  	v7 =	vld [tilespmem:$0x1FFD0];
	_ =	sdelay $0x2  }
0x1f6: {  	[tilespmem:$0x1FAB0] =	vst v5  }
0x1f7: {  	v5 =	vld.idx.msk [tilespmem:v6+s22+$0x0], $0xffff  }
0x1f8: {  	v7 =	vor.u32 s16, v7  }
0x1f9: {  	v8 =	vld [tilespmem:$0x1FFE0];
	_ =	sdelay $0x2  }
0x1fa: {  	[tilespmem:$0x1FAE0] =	vst v5  }
0x1fb: {  	v7 =	vld.idx.msk [tilespmem:v7+s22+$0x0], $0xffff  }
0x1fc: {  	v8 =	vor.u32 s24, v8  }
0x1fd: {  	v0 =	vld [tilespmem:$0x1FFE0];
	_ =	sdelay $0x2  }
0x1fe: {  	[tilespmem:$0x1FAD0] =	vst v7  }
0x1ff: {  	v7 =	vld.idx.msk [tilespmem:v8+s22+$0x0], $0xffff  }
0x200: {  	v0 =	vor.u32 s16, v0;
	_ =	sdelay $0x3  }
0x201: {  	[tilespmem:$0x1FB00] =	vst v7  }
0x202: {  	v0 =	vld.idx.msk [tilespmem:v0+s22+$0x0], $0xffff  }
0x203: {  	v9 =	vor.u32 s24, v18;
	_ =	sdelay $0x3  }
0x204: {  	[tilespmem:$0x1FAF0] =	vst v0  }
0x205: {  	v8 =	vld.idx.msk [tilespmem:v9+s22+$0x0], $0xffff  }
0x206: {  	v5 =	vor.u32 s16, v18  }
0x207: {  	v6 =	vld [tilespmem:$0x1FFF0];
	_ =	sdelay $0x2  }
0x208: {  	[tilespmem:$0x1FB20] =	vst v8  }
0x209: {  	v5 =	vld.idx.msk [tilespmem:v5+s22+$0x0], $0xffff  }
0x20a: {  	v6 =	vor.u32 s24, v6  }
0x20b: {  	v7 =	vld [tilespmem:$0x1FFF0];
	_ =	sdelay $0x2  }
0x20c: {  	[tilespmem:$0x1FB10] =	vst v5  }
0x20d: {  	v6 =	vld.idx.msk [tilespmem:v6+s22+$0x0], $0xffff  }
0x20e: {  	v7 =	vor.u32 s16, v7;
	_ =	sdelay $0x3  }
0x20f: {  	[tilespmem:$0x1FB40] =	vst v6  }
0x210: {  	s17 =	simm.s32 $0x8000;
	v7 =	vld.idx.msk [tilespmem:v7+s22+$0x0], $0xffff  }
0x211: {  	v0 =	vor.u32 s17, v20;
	_ =	sdelay $0x3  }
0x212: {  	[tilespmem:$0x1FB30] =	vst v7  }
0x213: {  	s24 =	simm.s32 $0x8100;
	v0 =	vld.idx.msk [tilespmem:v0+s22+$0x0], $0xffff  }
0x214: {  	v8 =	vor.u32 s24, v20;
	_ =	sdelay $0x3  }
0x215: {  	[tilespmem:$0x1FB60] =	vst v0  }
0x216: {  	v8 =	vld.idx.msk [tilespmem:v8+s22+$0x0], $0xffff  }
0x217: {  	v5 =	vor.u32 s17, v19;
	_ =	sdelay $0x3  }
0x218: {  	[tilespmem:$0x1FB50] =	vst v8  }
0x219: {  	v5 =	vld.idx.msk [tilespmem:v5+s22+$0x0], $0xffff  }
0x21a: {  	v6 =	vor.u32 s24, v19  }
0x21b: {  	v7 =	vld [tilespmem:$0x1FF50];
	_ =	sdelay $0x2  }
0x21c: {  	[tilespmem:$0x1FB80] =	vst v5  }
0x21d: {  	v6 =	vld.idx.msk [tilespmem:v6+s22+$0x0], $0xffff  }
0x21e: {  	v7 =	vor.u32 s17, v7  }
0x21f: {  	v0 =	vld [tilespmem:$0x1FF50];
	_ =	sdelay $0x2  }
0x220: {  	[tilespmem:$0x1FB70] =	vst v6  }
0x221: {  	v7 =	vld.idx.msk [tilespmem:v7+s22+$0x0], $0xffff  }
0x222: {  	v0 =	vor.u32 s24, v0  }
0x223: {  	v8 =	vld [tilespmem:$0x1FF60];
	_ =	sdelay $0x2  }
0x224: {  	[tilespmem:$0x1FBA0] =	vst v7  }
0x225: {  	v0 =	vld.idx.msk [tilespmem:v0+s22+$0x0], $0xffff  }
0x226: {  	v8 =	vor.u32 s17, v8  }
0x227: {  	v5 =	vld [tilespmem:$0x1FF60];
	_ =	sdelay $0x2  }
0x228: {  	[tilespmem:$0x1FB90] =	vst v0  }
0x229: {  	v8 =	vld.idx.msk [tilespmem:v8+s22+$0x0], $0xffff  }
0x22a: {  	v5 =	vor.u32 s24, v5  }
0x22b: {  	v6 =	vld [tilespmem:$0x1FF70];
	_ =	sdelay $0x2  }
0x22c: {  	[tilespmem:$0x1FBC0] =	vst v8  }
0x22d: {  	v5 =	vld.idx.msk [tilespmem:v5+s22+$0x0], $0xffff  }
0x22e: {  	v6 =	vor.u32 s17, v6  }
0x22f: {  	v7 =	vld [tilespmem:$0x1FF70];
	_ =	sdelay $0x2  }
0x230: {  	[tilespmem:$0x1FBB0] =	vst v5  }
0x231: {  	v6 =	vld.idx.msk [tilespmem:v6+s22+$0x0], $0xffff  }
0x232: {  	v7 =	vor.u32 s24, v7  }
0x233: {  	v0 =	vld [tilespmem:$0x1FF80];
	_ =	sdelay $0x2  }
0x234: {  	[tilespmem:$0x1FBE0] =	vst v6  }
0x235: {  	v7 =	vld.idx.msk [tilespmem:v7+s22+$0x0], $0xffff  }
0x236: {  	v0 =	vor.u32 s17, v0  }
0x237: {  	v8 =	vld [tilespmem:$0x1FF80];
	_ =	sdelay $0x2  }
0x238: {  	[tilespmem:$0x1FBD0] =	vst v7  }
0x239: {  	v0 =	vld.idx.msk [tilespmem:v0+s22+$0x0], $0xffff  }
0x23a: {  	v8 =	vor.u32 s24, v8  }
0x23b: {  	v5 =	vld [tilespmem:$0x1FF90];
	_ =	sdelay $0x2  }
0x23c: {  	[tilespmem:$0x1FC00] =	vst v0  }
0x23d: {  	v8 =	vld.idx.msk [tilespmem:v8+s22+$0x0], $0xffff  }
0x23e: {  	v5 =	vor.u32 s17, v5  }
0x23f: {  	v6 =	vld [tilespmem:$0x1FF90];
	_ =	sdelay $0x2  }
0x240: {  	[tilespmem:$0x1FBF0] =	vst v8  }
0x241: {  	v5 =	vld.idx.msk [tilespmem:v5+s22+$0x0], $0xffff  }
0x242: {  	v6 =	vor.u32 s24, v6  }
0x243: {  	v7 =	vld [tilespmem:$0x1FFA0];
	_ =	sdelay $0x2  }
0x244: {  	[tilespmem:$0x1FC20] =	vst v5  }
0x245: {  	v6 =	vld.idx.msk [tilespmem:v6+s22+$0x0], $0xffff  }
0x246: {  	v7 =	vor.u32 s17, v7  }
0x247: {  	v0 =	vld [tilespmem:$0x1FFA0];
	_ =	sdelay $0x2  }
0x248: {  	[tilespmem:$0x1FC10] =	vst v6  }
0x249: {  	v7 =	vld.idx.msk [tilespmem:v7+s22+$0x0], $0xffff  }
0x24a: {  	v0 =	vor.u32 s24, v0  }
0x24b: {  	v8 =	vld [tilespmem:$0x1FFB0];
	_ =	sdelay $0x2  }
0x24c: {  	[tilespmem:$0x1FC40] =	vst v7  }
0x24d: {  	v0 =	vld.idx.msk [tilespmem:v0+s22+$0x0], $0xffff  }
0x24e: {  	v8 =	vor.u32 s17, v8  }
0x24f: {  	v5 =	vld [tilespmem:$0x1FFB0];
	_ =	sdelay $0x2  }
0x250: {  	[tilespmem:$0x1FC30] =	vst v0  }
0x251: {  	v8 =	vld.idx.msk [tilespmem:v8+s22+$0x0], $0xffff  }
0x252: {  	v5 =	vor.u32 s24, v5;
	_ =	sdelay $0x3  }
0x253: {  	[tilespmem:$0x1FC60] =	vst v8  }
0x254: {  	v5 =	vld.idx.msk [tilespmem:v5+s22+$0x0], $0xffff  }
0x255: {  	v6 =	vor.u32 s17, v14;
	_ =	sdelay $0x3  }
0x256: {  	[tilespmem:$0x1FC50] =	vst v5  }
0x257: {  	v6 =	vld.idx.msk [tilespmem:v6+s22+$0x0], $0xffff  }
0x258: {  	v7 =	vor.u32 s24, v14;
	_ =	sdelay $0x3  }
0x259: {  	[tilespmem:$0x1FC80] =	vst v6  }
0x25a: {  	v7 =	vld.idx.msk [tilespmem:v7+s22+$0x0], $0xffff  }
0x25b: {  	v0 =	vor.u32 s17, v16;
	_ =	sdelay $0x3  }
0x25c: {  	[tilespmem:$0x1FC70] =	vst v7  }
0x25d: {  	v0 =	vld.idx.msk [tilespmem:v0+s22+$0x0], $0xffff  }
0x25e: {  	v8 =	vor.u32 s24, v16  }
0x25f: {  	v5 =	vld [tilespmem:$0x1FFC0];
	_ =	sdelay $0x2  }
0x260: {  	[tilespmem:$0x1FCA0] =	vst v0  }
0x261: {  	v8 =	vld.idx.msk [tilespmem:v8+s22+$0x0], $0xffff  }
0x262: {  	v5 =	vor.u32 s17, v5  }
0x263: {  	v6 =	vld [tilespmem:$0x1FFC0];
	_ =	sdelay $0x2  }
0x264: {  	[tilespmem:$0x1FC90] =	vst v8  }
0x265: {  	v5 =	vld.idx.msk [tilespmem:v5+s22+$0x0], $0xffff  }
0x266: {  	v6 =	vor.u32 s24, v6  }
0x267: {  	v7 =	vld [tilespmem:$0x1FFD0];
	_ =	sdelay $0x2  }
0x268: {  	[tilespmem:$0x1FCC0] =	vst v5  }
0x269: {  	v6 =	vld.idx.msk [tilespmem:v6+s22+$0x0], $0xffff  }
0x26a: {  	v7 =	vor.u32 s17, v7  }
0x26b: {  	v0 =	vld [tilespmem:$0x1FFD0];
	_ =	sdelay $0x2  }
0x26c: {  	[tilespmem:$0x1FCB0] =	vst v6  }
0x26d: {  	v7 =	vld.idx.msk [tilespmem:v7+s22+$0x0], $0xffff  }
0x26e: {  	v0 =	vor.u32 s24, v0  }
0x26f: {  	v8 =	vld [tilespmem:$0x1FFE0];
	_ =	sdelay $0x2  }
0x270: {  	[tilespmem:$0x1FCE0] =	vst v7  }
0x271: {  	v0 =	vld.idx.msk [tilespmem:v0+s22+$0x0], $0xffff  }
0x272: {  	v8 =	vor.u32 s17, v8  }
0x273: {  	v5 =	vld [tilespmem:$0x1FFE0];
	_ =	sdelay $0x2  }
0x274: {  	[tilespmem:$0x1FCD0] =	vst v0  }
0x275: {  	v8 =	vld.idx.msk [tilespmem:v8+s22+$0x0], $0xffff  }
0x276: {  	v5 =	vor.u32 s24, v5;
	_ =	sdelay $0x3  }
0x277: {  	[tilespmem:$0x1FD00] =	vst v8  }
0x278: {  	v5 =	vld.idx.msk [tilespmem:v5+s22+$0x0], $0xffff  }
0x279: {  	v6 =	vor.u32 s17, v18;
	_ =	sdelay $0x3  }
0x27a: {  	[tilespmem:$0x1FCF0] =	vst v5  }
0x27b: {  	v6 =	vld.idx.msk [tilespmem:v6+s22+$0x0], $0xffff  }
0x27c: {  	v7 =	vor.u32 s24, v18  }
0x27d: {  	v0 =	vld [tilespmem:$0x1FFF0];
	_ =	sdelay $0x2  }
0x27e: {  	[tilespmem:$0x1FD20] =	vst v6  }
0x27f: {  	v7 =	vld.idx.msk [tilespmem:v7+s22+$0x0], $0xffff  }
0x280: {  	v0 =	vor.u32 s17, v0  }
0x281: {  	v8 =	vld [tilespmem:$0x1FFF0];
	_ =	sdelay $0x2  }
0x282: {  	[tilespmem:$0x1FD10] =	vst v7  }
0x283: {  	v0 =	vld.idx.msk [tilespmem:v0+s22+$0x0], $0xffff  }
0x284: {  	v8 =	vor.u32 s24, v8;
	_ =	sdelay $0x3  }
0x285: {  	[tilespmem:$0x1FD40] =	vst v0  }
0x286: {  	s16 =	simm.s32 $0xC000;
	v8 =	vld.idx.msk [tilespmem:v8+s22+$0x0], $0xffff  }
0x287: {  	v5 =	vor.u32 s16, v20;
	_ =	sdelay $0x3  }
0x288: {  	[tilespmem:$0x1FD30] =	vst v8  }
0x289: {  	s17 =	simm.s32 $0xC100;
	v5 =	vld.idx.msk [tilespmem:v5+s22+$0x0], $0xffff  }
0x28a: {  	v6 =	vor.u32 s17, v20;
	_ =	sdelay $0x3  }
0x28b: {  	[tilespmem:$0x1FD60] =	vst v5  }
0x28c: {  	v6 =	vld.idx.msk [tilespmem:v6+s22+$0x0], $0xffff  }
0x28d: {  	v7 =	vor.u32 s16, v19;
	_ =	sdelay $0x3  }
0x28e: {  	[tilespmem:$0x1FD50] =	vst v6  }
0x28f: {  	v7 =	vld.idx.msk [tilespmem:v7+s22+$0x0], $0xffff  }
0x290: {  	v0 =	vor.u32 s17, v19  }
0x291: {  	v8 =	vld [tilespmem:$0x1FF50];
	_ =	sdelay $0x2  }
0x292: {  	[tilespmem:$0x1FD80] =	vst v7  }
0x293: {  	v0 =	vld.idx.msk [tilespmem:v0+s22+$0x0], $0xffff  }
0x294: {  	v8 =	vor.u32 s16, v8  }
0x295: {  	v5 =	vld [tilespmem:$0x1FF50];
	_ =	sdelay $0x2  }
0x296: {  	[tilespmem:$0x1FD70] =	vst v0  }
0x297: {  	v8 =	vld.idx.msk [tilespmem:v8+s22+$0x0], $0xffff  }
0x298: {  	v5 =	vor.u32 s17, v5  }
0x299: {  	v6 =	vld [tilespmem:$0x1FF60];
	_ =	sdelay $0x2  }
0x29a: {  	[tilespmem:$0x1FDA0] =	vst v8  }
0x29b: {  	v5 =	vld.idx.msk [tilespmem:v5+s22+$0x0], $0xffff  }
0x29c: {  	v6 =	vor.u32 s16, v6  }
0x29d: {  	v7 =	vld [tilespmem:$0x1FF60];
	_ =	sdelay $0x2  }
0x29e: {  	[tilespmem:$0x1FD90] =	vst v5  }
0x29f: {  	v6 =	vld.idx.msk [tilespmem:v6+s22+$0x0], $0xffff  }
0x2a0: {  	v7 =	vor.u32 s17, v7  }
0x2a1: {  	v0 =	vld [tilespmem:$0x1FF70];
	_ =	sdelay $0x2  }
0x2a2: {  	[tilespmem:$0x1FDC0] =	vst v6  }
0x2a3: {  	v7 =	vld.idx.msk [tilespmem:v7+s22+$0x0], $0xffff  }
0x2a4: {  	v0 =	vor.u32 s16, v0  }
0x2a5: {  	v8 =	vld [tilespmem:$0x1FF70];
	_ =	sdelay $0x2  }
0x2a6: {  	[tilespmem:$0x1FDB0] =	vst v7  }
0x2a7: {  	v0 =	vld.idx.msk [tilespmem:v0+s22+$0x0], $0xffff  }
0x2a8: {  	v8 =	vor.u32 s17, v8  }
0x2a9: {  	v5 =	vld [tilespmem:$0x1FF80];
	_ =	sdelay $0x2  }
0x2aa: {  	[tilespmem:$0x1FDE0] =	vst v0  }
0x2ab: {  	v8 =	vld.idx.msk [tilespmem:v8+s22+$0x0], $0xffff  }
0x2ac: {  	v5 =	vor.u32 s16, v5  }
0x2ad: {  	v6 =	vld [tilespmem:$0x1FF80];
	_ =	sdelay $0x2  }
0x2ae: {  	[tilespmem:$0x1FDD0] =	vst v8  }
0x2af: {  	v5 =	vld.idx.msk [tilespmem:v5+s22+$0x0], $0xffff  }
0x2b0: {  	v6 =	vor.u32 s17, v6  }
0x2b1: {  	v7 =	vld [tilespmem:$0x1FF90];
	_ =	sdelay $0x2  }
0x2b2: {  	[tilespmem:$0x1FE00] =	vst v5  }
0x2b3: {  	v6 =	vld.idx.msk [tilespmem:v6+s22+$0x0], $0xffff  }
0x2b4: {  	v7 =	vor.u32 s16, v7  }
0x2b5: {  	v0 =	vld [tilespmem:$0x1FF90];
	_ =	sdelay $0x2  }
0x2b6: {  	[tilespmem:$0x1FDF0] =	vst v6  }
0x2b7: {  	v7 =	vld.idx.msk [tilespmem:v7+s22+$0x0], $0xffff  }
0x2b8: {  	v0 =	vor.u32 s17, v0  }
0x2b9: {  	v8 =	vld [tilespmem:$0x1FFA0];
	_ =	sdelay $0x2  }
0x2ba: {  	[tilespmem:$0x1FE20] =	vst v7  }
0x2bb: {  	v0 =	vld.idx.msk [tilespmem:v0+s22+$0x0], $0xffff  }
0x2bc: {  	v8 =	vor.u32 s16, v8  }
0x2bd: {  	v5 =	vld [tilespmem:$0x1FFA0];
	_ =	sdelay $0x2  }
0x2be: {  	[tilespmem:$0x1FE10] =	vst v0  }
0x2bf: {  	v8 =	vld.idx.msk [tilespmem:v8+s22+$0x0], $0xffff  }
0x2c0: {  	v5 =	vor.u32 s17, v5  }
0x2c1: {  	v6 =	vld [tilespmem:$0x1FFB0];
	_ =	sdelay $0x2  }
0x2c2: {  	[tilespmem:$0x1FE40] =	vst v8  }
0x2c3: {  	v5 =	vld.idx.msk [tilespmem:v5+s22+$0x0], $0xffff  }
0x2c4: {  	v6 =	vor.u32 s16, v6  }
0x2c5: {  	v7 =	vld [tilespmem:$0x1FFB0];
	_ =	sdelay $0x2  }
0x2c6: {  	[tilespmem:$0x1FE30] =	vst v5  }
0x2c7: {  	v6 =	vld.idx.msk [tilespmem:v6+s22+$0x0], $0xffff  }
0x2c8: {  	v7 =	vor.u32 s17, v7;
	_ =	sdelay $0x3  }
0x2c9: {  	[tilespmem:$0x1FE60] =	vst v6  }
0x2ca: {  	v7 =	vld.idx.msk [tilespmem:v7+s22+$0x0], $0xffff  }
0x2cb: {  	v0 =	vor.u32 s16, v14;
	_ =	sdelay $0x3  }
0x2cc: {  	[tilespmem:$0x1FE50] =	vst v7  }
0x2cd: {  	v0 =	vld.idx.msk [tilespmem:v0+s22+$0x0], $0xffff  }
0x2ce: {  	v8 =	vor.u32 s17, v14;
	_ =	sdelay $0x3  }
0x2cf: {  	[tilespmem:$0x1FE80] =	vst v0  }
0x2d0: {  	v8 =	vld.idx.msk [tilespmem:v8+s22+$0x0], $0xffff  }
0x2d1: {  	v5 =	vor.u32 s16, v16;
	_ =	sdelay $0x3  }
0x2d2: {  	[tilespmem:$0x1FE70] =	vst v8  }
0x2d3: {  	v5 =	vld.idx.msk [tilespmem:v5+s22+$0x0], $0xffff  }
0x2d4: {  	v6 =	vor.u32 s17, v16  }
0x2d5: {  	v7 =	vld [tilespmem:$0x1FFC0];
	_ =	sdelay $0x2  }
0x2d6: {  	[tilespmem:$0x1FEA0] =	vst v5  }
0x2d7: {  	v6 =	vld.idx.msk [tilespmem:v6+s22+$0x0], $0xffff  }
0x2d8: {  	v7 =	vor.u32 s16, v7  }
0x2d9: {  	v0 =	vld [tilespmem:$0x1FFC0];
	_ =	sdelay $0x2  }
0x2da: {  	[tilespmem:$0x1FE90] =	vst v6  }
0x2db: {  	v7 =	vld.idx.msk [tilespmem:v7+s22+$0x0], $0xffff  }
0x2dc: {  	v0 =	vor.u32 s17, v0  }
0x2dd: {  	v8 =	vld [tilespmem:$0x1FFD0];
	_ =	sdelay $0x2  }
0x2de: {  	[tilespmem:$0x1FEC0] =	vst v7  }
0x2df: {  	v0 =	vld.idx.msk [tilespmem:v0+s22+$0x0], $0xffff  }
0x2e0: {  	v8 =	vor.u32 s16, v8  }
0x2e1: {  	v5 =	vld [tilespmem:$0x1FFD0];
	_ =	sdelay $0x2  }
0x2e2: {  	[tilespmem:$0x1FEB0] =	vst v0  }
0x2e3: {  	v8 =	vld.idx.msk [tilespmem:v8+s22+$0x0], $0xffff  }
0x2e4: {  	v5 =	vor.u32 s17, v5  }
0x2e5: {  	v6 =	vld [tilespmem:$0x1FFE0];
	_ =	sdelay $0x2  }
0x2e6: {  	[tilespmem:$0x1FEE0] =	vst v8  }
0x2e7: {  	v5 =	vld.idx.msk [tilespmem:v5+s22+$0x0], $0xffff  }
0x2e8: {  	v6 =	vor.u32 s16, v6  }
0x2e9: {  	v7 =	vld [tilespmem:$0x1FFE0];
	_ =	sdelay $0x2  }
0x2ea: {  	[tilespmem:$0x1FED0] =	vst v5  }
0x2eb: {  	v6 =	vld.idx.msk [tilespmem:v6+s22+$0x0], $0xffff  }
0x2ec: {  	v7 =	vor.u32 s17, v7;
	_ =	sdelay $0x2  }
0x2ed: {  	v13 =	vld [tilespmem:$0x1FF60]  }
0x2ee: {  	v5 =	vld [tilespmem:$0x1FFF0];
	[tilespmem:$0x1FF00] =	vst v6  }
0x2ef: {  	v7 =	vld.idx.msk [tilespmem:v7+s22+$0x0], $0xffff  }
0x2f0: {  	v0 =	vor.u32 s16, v18;
	_ =	sdelay $0x2  }
0x2f1: {  	v5 =	vor.u32 s16, v5;
	s16 =	simm.s32 $0x300  }
0x2f2: {  	v9 =	vadd.f32 $0.0e+00, v21;
	v21 =	vor.u32 s16, v13;
	v13 =	vld [tilespmem:$0x1FF70];
	[tilespmem:$0x1FEF0] =	vst v7  }
0x2f3: {  	v0 =	vld.idx.msk [tilespmem:v0+s22+$0x0], $0xffff  }
0x2f4: {  	v8 =	vor.u32 s17, v18;
	_ =	sdelay $0x2  }
0x2f5: {  	s24 =	simm.s32 $0x200  }
0x2f6: {  	v9 =	vadd.f32 v22, v9;
	v22 =	vor.u32 s24, v13;
	v13 =	vld [tilespmem:$0x1FF70];
	[tilespmem:$0x1FF20] =	vst v0  }
0x2f7: {  	v8 =	vld.idx.msk [tilespmem:v8+s22+$0x0], $0xffff;
	_ =	sdelay $0x1  }
0x2f8: {  	v6 =	vld [tilespmem:$0x1FFF0]  }
0x2f9: {  	v10 =	vadd.f32 $0.0e+00, v23;
	_ =	sdelay $0x1  }
0x2fa: {  	v10 =	vadd.f32 v27, v10;
	v23 =	vor.u32 s16, v13;
	v13 =	vld [tilespmem:$0x1FF80];
	[tilespmem:$0x1FF10] =	vst v8  }
0x2fb: {  	v5 =	vld.idx.msk [tilespmem:v5+s22+$0x0], $0xffff  }
0x2fc: {  	v10 =	vadd.f32 v29, v10;
	v6 =	vor.u32 s17, v6;
	_ =	sdelay $0x1  }
0x2fd: {  	v10 =	vadd.f32 v31, v10;
	_ =	sdelay $0x1  }
0x2fe: {  	v10 =	vadd.f32 v32, v10;
	v32 =	vor.u32 s24, v13;
	v13 =	vld [tilespmem:$0x1FF80];
	[tilespmem:$0x1FF40] =	vst v5  }
0x2ff: {  	v6 =	vld.idx.msk [tilespmem:v6+s22+$0x0], $0xffff  }
0x300: {  	v7 =	vor.u32 s24, v20;
	_ =	sdelay $0x1  }
0x301: {  	v8 =	vor.u32 s24, v19  }
0x302: {  	v10 =	vadd.f32 v34, v10;
	v34 =	vor.u32 s16, v13;
	v13 =	vld [tilespmem:$0x1FF90]  }
0x303: {  	[tilespmem:$0x1FF30] =	vst v6  }
0x304: {  	v0 =	vor.u32 s16, v20;
	v7 =	vld.idx.msk [tilespmem:v7+s22+$0x0], $0xffff  }
0x305: {  	v5 =	vor.u32 s16, v19  }
0x306: {  	v8 =	vld.idx.msk [tilespmem:v8+s22+$0x0], $0xffff  }
0x307: {  	v10 =	vadd.f32 v35, v10;
	v35 =	vor.u32 s24, v13;
	v13 =	vld [tilespmem:$0x1FF90];
	_ =	sdelay $0x1  }
0x308: {  	v0 =	vld.idx.msk [tilespmem:v0+s22+$0x0], $0xffff;
	v7 =	vadd.f32 $0.0e+00, v7  }
0x309: {  	v5 =	vld.idx.msk [tilespmem:v5+s22+$0x0], $0xffff  }
0x30a: {  	v7 =	vadd.f32 v8, v7;
	v8 =	vld.idx.msk [tilespmem:v22+s22+$0x0], $0xffff  }
0x30b: {  	v22 =	vor.u32 s16, v13;
	v13 =	vld [tilespmem:$0x1FFA0];
	_ =	sdelay $0x1  }
0x30c: {  	v0 =	vadd.f32 $0.0e+00, v0  }
0x30d: {  	v11 =	vld [tilespmem:$0x1FF50]  }
0x30e: {  	v0 =	vadd.f32 v5, v0;
	v5 =	vld.idx.msk [tilespmem:v23+s22+$0x0], $0xffff  }
0x30f: {  	v23 =	vor.u32 s24, v13;
	v13 =	vld [tilespmem:$0x1FFA0]  }
0x310: {  	v6 =	vld [tilespmem:$0x1FF50]  }
0x311: {  	v12 =	vld [tilespmem:$0x1FF60];
	_ =	sdelay $0x1  }
0x312: {  	v11 =	vor.u32 s16, v11  }
0x313: {  	v10 =	vadd.f32 v37, v10;
	v37 =	vor.u32 s16, v13;
	v13 =	vld [tilespmem:$0x1FFB0]  }
0x314: {  	v6 =	vor.u32 s24, v6  }
0x315: {  	v12 =	vor.u32 s24, v12;
	_ =	sdelay $0x1  }
0x316: {  	v11 =	vld.idx.msk [tilespmem:v11+s22+$0x0], $0xffff  }
0x317: {  	v10 =	vadd.f32 v39, v10;
	v39 =	vor.u32 s24, v13;
	v13 =	vld [tilespmem:$0x1FFB0]  }
0x318: {  	v6 =	vld.idx.msk [tilespmem:v6+s22+$0x0], $0xffff  }
0x319: {  	v12 =	vld.idx.msk [tilespmem:v12+s22+$0x0], $0xffff  }
0x31a: {  	v9 =	vadd.f32 v24, v9;
	v21 =	vld.idx.msk [tilespmem:v21+s22+$0x0], $0xffff;
	_ =	sdelay $0x1  }
0x31b: {  	v10 =	vadd.f32 v41, v10;
	v9 =	vadd.f32 v25, v9;
	v41 =	vor.u32 s16, v13;
	v13 =	vld [tilespmem:$0x1FFC0]  }
0x31c: {  	v0 =	vadd.f32 v11, v0;
	v6 =	vadd.f32 v6, v7  }
0x31d: {  	v9 =	vadd.f32 v26, v9;
	v7 =	vld.idx.msk [tilespmem:v32+s22+$0x0], $0xffff  }
0x31e: {  	v0 =	vadd.f32 v21, v0;
	v21 =	vld.idx.msk [tilespmem:v22+s22+$0x0], $0xffff;
	v6 =	vadd.f32 v12, v6  }
0x31f: {  	v22 =	vor.u32 s24, v14;
	v12 =	vld.idx.msk [tilespmem:v35+s22+$0x0], $0xffff  }
0x320: {  	v9 =	vadd.f32 v28, v9;
	v6 =	vadd.f32 v8, v6;
	v28 =	vor.u32 s24, v13;
	v13 =	vld [tilespmem:$0x1FFC0];
	_ =	sdelay $0x1  }
0x321: {  	v11 =	vld.idx.msk [tilespmem:v34+s22+$0x0], $0xffff;
	v6 =	vadd.f32 v7, v6  }
0x322: {  	v8 =	vld.idx.msk [tilespmem:v23+s22+$0x0], $0xffff  }
0x323: {  	v23 =	vor.u32 s16, v14;
	v6 =	vadd.f32 v12, v6;
	v12 =	vld.idx.msk [tilespmem:v22+s22+$0x0], $0xffff  }
0x324: {  	v0 =	vadd.f32 v5, v0;
	v22 =	vor.u32 s16, v13;
	v13 =	vld [tilespmem:$0x1FFD0];
	_ =	sdelay $0x1  }
0x325: {  	v0 =	vadd.f32 v11, v0;
	_ =	sdelay $0x1  }
0x326: {  	v0 =	vadd.f32 v21, v0;
	v21 =	vld.idx.msk [tilespmem:v23+s22+$0x0], $0xffff  }
0x327: {  	v23 =	vor.u32 s24, v13;
	v13 =	vld [tilespmem:$0x1FFD0];
	_ =	sdelay $0x2  }
0x328: {  	v9 =	vadd.f32 v30, v9;
	_ =	sdelay $0x1  }
0x329: {  	v9 =	vadd.f32 v33, v9;
	v29 =	vor.u32 s16, v13;
	v13 =	vld [tilespmem:$0x1FFE0];
	_ =	sdelay $0x1  }
0x32a: {  	v9 =	vadd.f32 v36, v9  }
0x32b: {  	v10 =	vadd.f32 v43, v10  }
0x32c: {  	v9 =	vadd.f32 v38, v9  }
0x32d: {  	v10 =	vadd.f32 v45, v10;
	v30 =	vor.u32 s24, v13;
	v13 =	vld [tilespmem:$0x1FFE0]  }
0x32e: {  	v9 =	vadd.f32 v40, v9  }
0x32f: {  	v10 =	vadd.f32 v48, v10  }
0x330: {  	v9 =	vadd.f32 v42, v9  }
0x331: {  	v10 =	vadd.f32 v49, v10  }
0x332: {  	v9 =	vadd.f32 v44, v9;
	v31 =	vor.u32 s16, v13;
	v13 =	vld [tilespmem:$0x1FFF0]  }
0x333: {  	v10 =	vadd.f32 v51, v10  }
0x334: {  	v9 =	vadd.f32 v46, v9  }
0x335: {  	v10 =	vadd.f32 v53, v10  }
0x336: {  	v9 =	vadd.f32 v47, v9  }
0x337: {  	v10 =	vadd.f32 v55, v10;
	v32 =	vor.u32 s24, v13;
	v13 =	vld [tilespmem:$0x1FFF0]  }
0x338: {  	v9 =	vadd.f32 v50, v9  }
0x339: {  	v10 =	vadd.f32 v57, v10  }
0x33a: {  	v9 =	vadd.f32 v52, v9  }
0x33b: {  	v10 =	vadd.f32 v59, v10  }
0x33c: {  	v9 =	vadd.f32 v54, v9;
	v33 =	vor.u32 s16, v13;
	v13 =	vld [tilespmem:$0x1FA00]  }
0x33d: {  	v10 =	vadd.f32 v61, v10  }
0x33e: {  	v9 =	vadd.f32 v56, v9  }
0x33f: {  	v10 =	vadd.f32 v15, v10  }
0x340: {  	v9 =	vadd.f32 v58, v9  }
0x341: {  	v10 =	vadd.f32 v13, v10;
	v13 =	vld [tilespmem:$0x1FA10]  }
0x342: {  	v9 =	vadd.f32 v60, v9;
	_ =	sdelay $0x1  }
0x343: {  	v9 =	vadd.f32 v17, v9;
	_ =	sdelay $0x1  }
0x344: {  	v9 =	vadd.f32 v13, v9;
	v13 =	vld [tilespmem:$0x1FA20];
	_ =	sdelay $0x4  }
0x345: {  	v10 =	vadd.f32 v13, v10;
	v13 =	vld [tilespmem:$0x1FA30];
	_ =	sdelay $0x4  }
0x346: {  	v9 =	vadd.f32 v13, v9;
	v13 =	vld [tilespmem:$0x1FA40];
	_ =	sdelay $0x4  }
0x347: {  	v10 =	vadd.f32 v13, v10;
	v13 =	vld [tilespmem:$0x1FA50];
	_ =	sdelay $0x4  }
0x348: {  	v9 =	vadd.f32 v13, v9;
	v13 =	vld [tilespmem:$0x1FA60];
	_ =	sdelay $0x4  }
0x349: {  	v10 =	vadd.f32 v13, v10;
	v13 =	vld [tilespmem:$0x1FA70];
	_ =	sdelay $0x4  }
0x34a: {  	v9 =	vadd.f32 v13, v9;
	v13 =	vld [tilespmem:$0x1FA80];
	_ =	sdelay $0x4  }
0x34b: {  	v10 =	vadd.f32 v13, v10;
	v13 =	vld [tilespmem:$0x1FA90];
	_ =	sdelay $0x4  }
0x34c: {  	v9 =	vadd.f32 v13, v9;
	v13 =	vld [tilespmem:$0x1FAA0];
	_ =	sdelay $0x4  }
0x34d: {  	v10 =	vadd.f32 v13, v10;
	v13 =	vld [tilespmem:$0x1FAB0];
	_ =	sdelay $0x4  }
0x34e: {  	v9 =	vadd.f32 v13, v9;
	v13 =	vld [tilespmem:$0x1FAC0];
	_ =	sdelay $0x4  }
0x34f: {  	v10 =	vadd.f32 v13, v10;
	v13 =	vld [tilespmem:$0x1FAD0];
	_ =	sdelay $0x4  }
0x350: {  	v9 =	vadd.f32 v13, v9;
	v13 =	vld [tilespmem:$0x1FAE0];
	_ =	sdelay $0x4  }
0x351: {  	v10 =	vadd.f32 v13, v10;
	v13 =	vld [tilespmem:$0x1FAF0];
	_ =	sdelay $0x4  }
0x352: {  	v9 =	vadd.f32 v13, v9;
	v13 =	vld [tilespmem:$0x1FB00];
	_ =	sdelay $0x4  }
0x353: {  	v10 =	vadd.f32 v13, v10;
	v13 =	vld [tilespmem:$0x1FB10];
	_ =	sdelay $0x4  }
0x354: {  	v9 =	vadd.f32 v13, v9;
	v13 =	vld [tilespmem:$0x1FB20];
	_ =	sdelay $0x4  }
0x355: {  	v10 =	vadd.f32 v13, v10;
	v13 =	vld [tilespmem:$0x1FB30];
	_ =	sdelay $0x4  }
0x356: {  	v9 =	vadd.f32 v13, v9;
	v13 =	vld [tilespmem:$0x1FB40];
	_ =	sdelay $0x4  }
0x357: {  	v10 =	vadd.f32 v13, v10;
	v13 =	vld [tilespmem:$0x1FB50];
	_ =	sdelay $0x4  }
0x358: {  	v9 =	vadd.f32 v13, v9;
	v13 =	vld [tilespmem:$0x1FB60];
	_ =	sdelay $0x4  }
0x359: {  	v10 =	vadd.f32 v13, v10;
	v13 =	vld [tilespmem:$0x1FB70];
	_ =	sdelay $0x4  }
0x35a: {  	v9 =	vadd.f32 v13, v9;
	v13 =	vld [tilespmem:$0x1FB80];
	_ =	sdelay $0x4  }
0x35b: {  	v10 =	vadd.f32 v13, v10;
	v13 =	vld [tilespmem:$0x1FB90];
	_ =	sdelay $0x4  }
0x35c: {  	v9 =	vadd.f32 v13, v9;
	v13 =	vld [tilespmem:$0x1FBA0];
	_ =	sdelay $0x4  }
0x35d: {  	v10 =	vadd.f32 v13, v10;
	v13 =	vld [tilespmem:$0x1FBB0];
	_ =	sdelay $0x4  }
0x35e: {  	v9 =	vadd.f32 v13, v9;
	v13 =	vld [tilespmem:$0x1FBC0];
	_ =	sdelay $0x4  }
0x35f: {  	v10 =	vadd.f32 v13, v10;
	v13 =	vld [tilespmem:$0x1FBD0];
	_ =	sdelay $0x4  }
0x360: {  	v9 =	vadd.f32 v13, v9;
	v13 =	vld [tilespmem:$0x1FBE0];
	_ =	sdelay $0x4  }
0x361: {  	v10 =	vadd.f32 v13, v10;
	v13 =	vld [tilespmem:$0x1FBF0];
	_ =	sdelay $0x4  }
0x362: {  	v9 =	vadd.f32 v13, v9;
	v13 =	vld [tilespmem:$0x1FC00];
	_ =	sdelay $0x4  }
0x363: {  	v10 =	vadd.f32 v13, v10;
	v13 =	vld [tilespmem:$0x1FC10];
	_ =	sdelay $0x4  }
0x364: {  	v9 =	vadd.f32 v13, v9;
	v13 =	vld [tilespmem:$0x1FC20];
	_ =	sdelay $0x4  }
0x365: {  	v10 =	vadd.f32 v13, v10;
	v13 =	vld [tilespmem:$0x1FC30];
	_ =	sdelay $0x4  }
0x366: {  	v9 =	vadd.f32 v13, v9;
	v13 =	vld [tilespmem:$0x1FC40];
	_ =	sdelay $0x4  }
0x367: {  	v10 =	vadd.f32 v13, v10;
	v13 =	vld [tilespmem:$0x1FC50];
	_ =	sdelay $0x4  }
0x368: {  	v9 =	vadd.f32 v13, v9;
	v13 =	vld [tilespmem:$0x1FC60];
	_ =	sdelay $0x4  }
0x369: {  	v10 =	vadd.f32 v13, v10;
	v13 =	vld [tilespmem:$0x1FC70];
	_ =	sdelay $0x4  }
0x36a: {  	v9 =	vadd.f32 v13, v9;
	v13 =	vld [tilespmem:$0x1FC80];
	_ =	sdelay $0x4  }
0x36b: {  	v10 =	vadd.f32 v13, v10;
	v13 =	vld [tilespmem:$0x1FC90];
	_ =	sdelay $0x4  }
0x36c: {  	v9 =	vadd.f32 v13, v9;
	v13 =	vld [tilespmem:$0x1FCA0];
	_ =	sdelay $0x4  }
0x36d: {  	v10 =	vadd.f32 v13, v10;
	v13 =	vld [tilespmem:$0x1FCB0];
	_ =	sdelay $0x4  }
0x36e: {  	v9 =	vadd.f32 v13, v9;
	v13 =	vld [tilespmem:$0x1FCC0];
	_ =	sdelay $0x4  }
0x36f: {  	v10 =	vadd.f32 v13, v10;
	v13 =	vld [tilespmem:$0x1FCD0];
	_ =	sdelay $0x4  }
0x370: {  	v9 =	vadd.f32 v13, v9;
	v13 =	vld [tilespmem:$0x1FCE0];
	_ =	sdelay $0x4  }
0x371: {  	v10 =	vadd.f32 v13, v10;
	v13 =	vld [tilespmem:$0x1FCF0];
	_ =	sdelay $0x4  }
0x372: {  	v9 =	vadd.f32 v13, v9;
	v13 =	vld [tilespmem:$0x1FD00];
	_ =	sdelay $0x4  }
0x373: {  	v10 =	vadd.f32 v13, v10;
	v13 =	vld [tilespmem:$0x1FD10];
	_ =	sdelay $0x4  }
0x374: {  	v9 =	vadd.f32 v13, v9;
	v13 =	vld [tilespmem:$0x1FD20];
	_ =	sdelay $0x4  }
0x375: {  	v10 =	vadd.f32 v13, v10;
	v13 =	vld [tilespmem:$0x1FD30];
	_ =	sdelay $0x4  }
0x376: {  	v9 =	vadd.f32 v13, v9;
	v13 =	vld [tilespmem:$0x1FD40];
	_ =	sdelay $0x3  }
0x377: {  	v48 =	vld [tilespmem:$0x1FF60]  }
0x378: {  	v10 =	vadd.f32 v13, v10;
	v13 =	vld [tilespmem:$0x1FD50]  }
0x379: {  	v53 =	vld [tilespmem:$0x1FFA0]  }
0x37a: {  	v55 =	vld [tilespmem:$0x1FFC0]  }
0x37b: {  	v57 =	vld [tilespmem:$0x1FFD0]  }
0x37c: {  	v15 =	vld [tilespmem:$0x1FFF0]  }
0x37d: {  	v9 =	vadd.f32 v13, v9;
	v13 =	vld [tilespmem:$0x1FD60]  }
0x37e: {  	v46 =	vld [tilespmem:$0x1FF50]  }
0x37f: {  	v50 =	vld [tilespmem:$0x1FF70]  }
0x380: {  	v54 =	vld [tilespmem:$0x1FFB0]  }
0x381: {  	v58 =	vld [tilespmem:$0x1FFE0];
	v62 =	vor.u32 s24, v16  }
0x382: {  	v10 =	vadd.f32 v13, v10;
	v13 =	vld [tilespmem:$0x1FD70]  }
0x383: {  	v5 =	vld.idx.msk [tilespmem:v37+s22+$0x0], $0xffff  }
0x384: {  	v7 =	vld.idx.msk [tilespmem:v39+s22+$0x0], $0xffff  }
0x385: {  	v11 =	vld.idx.msk [tilespmem:v41+s22+$0x0], $0xffff  }
0x386: {  	v63 =	vor.u32 s16, v16;
	v6 =	vadd.f32 v8, v6;
	v8 =	vld.idx.msk [tilespmem:v62+s22+$0x0], $0xffff  }
0x387: {  	v9 =	vadd.f32 v13, v9;
	v13 =	vld [tilespmem:$0x1FD80]  }
0x388: {  	v62 =	vld [tilespmem:$0x1FF90];
	v0 =	vadd.f32 v5, v0  }
0x389: {  	v6 =	vadd.f32 v7, v6;
	v7 =	vld.idx.msk [tilespmem:v28+s22+$0x0], $0xffff  }
0x38a: {  	v0 =	vadd.f32 v11, v0;
	v11 =	vld.idx.msk [tilespmem:v22+s22+$0x0], $0xffff;
	v22 =	vor.u32 s24, v18  }
0x38b: {  	v5 =	vld.idx.msk [tilespmem:v63+s22+$0x0], $0xffff;
	v6 =	vadd.f32 v12, v6  }
0x38c: {  	v10 =	vadd.f32 v13, v10;
	v13 =	vld [tilespmem:$0x1FD90]  }
0x38d: {  	v63 =	vld [tilespmem:$0x1FF80];
	v6 =	vadd.f32 v8, v6  }
0x38e: {  	v12 =	vld.idx.msk [tilespmem:v23+s22+$0x0], $0xffff;
	v23 =	vor.u32 s16, v18  }
0x38f: {  	v0 =	vadd.f32 v21, v0;
	v6 =	vadd.f32 v7, v6;
	v7 =	vld.idx.msk [tilespmem:v22+s22+$0x0], $0xffff  }
0x390: {  	v8 =	vld.idx.msk [tilespmem:v30+s22+$0x0], $0xffff  }
0x391: {  	s17 =	simm.s32 $0x4200;
	v0 =	vadd.f32 v5, v0;
	v9 =	vadd.f32 v13, v9;
	v13 =	vld [tilespmem:$0x1FDA0]  }
0x392: {  	v34 =	vor.u32 s17, v20;
	v21 =	vld.idx.msk [tilespmem:v29+s22+$0x0], $0xffff  }
0x393: {  	v0 =	vadd.f32 v11, v0;
	v11 =	vld.idx.msk [tilespmem:v23+s22+$0x0], $0xffff;
	v23 =	vor.u32 s17, v19;
	s24 =	simm.s32 $0x4300  }
0x394: {  	v6 =	vadd.f32 v12, v6;
	v5 =	vld.idx.msk [tilespmem:v31+s22+$0x0], $0xffff;
	v22 =	vor.u32 s24, v20  }
0x395: {  	v12 =	vld.idx.msk [tilespmem:v32+s22+$0x0], $0xffff  }
0x396: {  	v6 =	vadd.f32 v8, v6;
	v10 =	vadd.f32 v13, v10;
	v13 =	vld [tilespmem:$0x1FDB0]  }
0x397: {  	v0 =	vadd.f32 v21, v0;
	v8 =	vld.idx.msk [tilespmem:v34+s22+$0x0], $0xffff;
	v35 =	vor.u32 s24, v19  }
0x398: {  	v36 =	vor.u32 s17, v46;
	v6 =	vadd.f32 v7, v6;
	v7 =	vld.idx.msk [tilespmem:v23+s22+$0x0], $0xffff  }
0x399: {  	v0 =	vadd.f32 v5, v0;
	v5 =	vld.idx.msk [tilespmem:v22+s22+$0x0], $0xffff;
	v22 =	vor.u32 s17, v48  }
0x39a: {  	v38 =	vor.u32 s17, v50;
	v21 =	vld.idx.msk [tilespmem:v33+s22+$0x0], $0xffff  }
0x39b: {  	v6 =	vadd.f32 v12, v6;
	v9 =	vadd.f32 v13, v9;
	v13 =	vld [tilespmem:$0x1FDC0]  }
0x39c: {  	v37 =	vor.u32 s24, v46;
	v0 =	vadd.f32 v11, v0;
	v11 =	vld.idx.msk [tilespmem:v35+s22+$0x0], $0xffff  }
0x39d: {  	v40 =	vor.u32 s17, v63;
	v12 =	vld.idx.msk [tilespmem:v36+s22+$0x0], $0xffff;
	v6 =	vadd.f32 v8, v6  }
0x39e: {  	v23 =	vor.u32 s24, v48;
	v8 =	vld.idx.msk [tilespmem:v22+s22+$0x0], $0xffff  }
0x39f: {  	v39 =	vor.u32 s24, v50;
	v6 =	vadd.f32 v7, v6;
	v7 =	vld.idx.msk [tilespmem:v38+s22+$0x0], $0xffff  }
0x3a0: {  	v0 =	vadd.f32 v21, v0;
	v10 =	vadd.f32 v13, v10;
	v13 =	vld [tilespmem:$0x1FDD0]  }
0x3a1: {  	v42 =	vor.u32 s17, v53;
	v21 =	vld.idx.msk [tilespmem:v37+s22+$0x0], $0xffff  }
0x3a2: {  	v22 =	vor.u32 s24, v63;
	v6 =	vadd.f32 v12, v6;
	v12 =	vld.idx.msk [tilespmem:v40+s22+$0x0], $0xffff;
	v0 =	vadd.f32 v5, v0  }
0x3a3: {  	v5 =	vld.idx.msk [tilespmem:v23+s22+$0x0], $0xffff;
	v23 =	vor.u32 s17, v62  }
0x3a4: {  	v41 =	vor.u32 s24, v62;
	v6 =	vadd.f32 v8, v6;
	v0 =	vadd.f32 v11, v0;
	v11 =	vld.idx.msk [tilespmem:v39+s22+$0x0], $0xffff  }
0x3a5: {  	v9 =	vadd.f32 v13, v9;
	v13 =	vld [tilespmem:$0x1FDE0]  }
0x3a6: {  	v43 =	vor.u32 s24, v53;
	v6 =	vadd.f32 v7, v6;
	v7 =	vld.idx.msk [tilespmem:v42+s22+$0x0], $0xffff  }
0x3a7: {  	v0 =	vadd.f32 v21, v0;
	v21 =	vld.idx.msk [tilespmem:v22+s22+$0x0], $0xffff;
	v22 =	vor.u32 s17, v54  }
0x3a8: {  	v8 =	vld.idx.msk [tilespmem:v23+s22+$0x0], $0xffff;
	v23 =	vor.u32 s24, v54  }
0x3a9: {  	v44 =	vor.u32 s17, v14;
	v0 =	vadd.f32 v5, v0;
	v5 =	vld.idx.msk [tilespmem:v41+s22+$0x0], $0xffff  }
0x3aa: {  	v10 =	vadd.f32 v13, v10;
	v13 =	vld [tilespmem:$0x1FDF0]  }
0x3ab: {  	v45 =	vor.u32 s24, v14;
	v0 =	vadd.f32 v11, v0;
	v11 =	vld.idx.msk [tilespmem:v43+s22+$0x0], $0xffff  }
0x3ac: {  	v47 =	vor.u32 s17, v16;
	v6 =	vadd.f32 v12, v6;
	v12 =	vld.idx.msk [tilespmem:v22+s22+$0x0], $0xffff  }
0x3ad: {  	v22 =	vor.u32 s24, v16;
	v0 =	vadd.f32 v21, v0;
	v21 =	vld.idx.msk [tilespmem:v23+s22+$0x0], $0xffff  }
0x3ae: {  	v23 =	vor.u32 s17, v55;
	v6 =	vadd.f32 v8, v6;
	v8 =	vld.idx.msk [tilespmem:v44+s22+$0x0], $0xffff  }
0x3af: {  	v9 =	vadd.f32 v13, v9;
	v13 =	vld [tilespmem:$0x1FE00]  }
0x3b0: {  	v49 =	vor.u32 s24, v55;
	v0 =	vadd.f32 v5, v0;
	v5 =	vld.idx.msk [tilespmem:v45+s22+$0x0], $0xffff  }
0x3b1: {  	v51 =	vor.u32 s17, v57;
	v6 =	vadd.f32 v7, v6;
	v7 =	vld.idx.msk [tilespmem:v47+s22+$0x0], $0xffff  }
0x3b2: {  	v52 =	vor.u32 s24, v57;
	v0 =	vadd.f32 v11, v0;
	v11 =	vld.idx.msk [tilespmem:v22+s22+$0x0], $0xffff  }
0x3b3: {  	v22 =	vor.u32 s17, v58;
	v6 =	vadd.f32 v12, v6;
	v12 =	vld.idx.msk [tilespmem:v23+s22+$0x0], $0xffff  }
0x3b4: {  	v10 =	vadd.f32 v13, v10;
	v13 =	vld [tilespmem:$0x1FE10]  }
0x3b5: {  	v23 =	vor.u32 s24, v58;
	v0 =	vadd.f32 v21, v0;
	v21 =	vld.idx.msk [tilespmem:v49+s22+$0x0], $0xffff  }
0x3b6: {  	v56 =	vor.u32 s17, v18;
	v60 =	vor.u32 s17, v15;
	s17 =	simm.s32 $0x8300;
	v6 =	vadd.f32 v8, v6;
	v8 =	vld.idx.msk [tilespmem:v51+s22+$0x0], $0xffff  }
0x3b7: {  	v31 =	vor.u32 s17, v48;
	v0 =	vadd.f32 v5, v0;
	v5 =	vld.idx.msk [tilespmem:v52+s22+$0x0], $0xffff  }
0x3b8: {  	v33 =	vor.u32 s17, v63;
	v6 =	vadd.f32 v7, v6;
	v7 =	vld.idx.msk [tilespmem:v22+s22+$0x0], $0xffff  }
0x3b9: {  	v9 =	vadd.f32 v13, v9;
	v13 =	vld [tilespmem:$0x1FE20]  }
0x3ba: {  	v34 =	vor.u32 s17, v62;
	v0 =	vadd.f32 v11, v0;
	v11 =	vld.idx.msk [tilespmem:v23+s22+$0x0], $0xffff  }
0x3bb: {  	v59 =	vor.u32 s24, v18;
	v6 =	vadd.f32 v12, v6;
	v12 =	vld.idx.msk [tilespmem:v56+s22+$0x0], $0xffff  }
0x3bc: {  	v25 =	vld.idx.msk [tilespmem:v31+s22+$0x0], $0xffff  }
0x3bd: {  	v22 =	vor.u32 s24, v15;
	v24 =	vld.idx.msk [tilespmem:v33+s22+$0x0], $0xffff  }
0x3be: {  	s16 =	simm.s32 $0x8200;
	v10 =	vadd.f32 v13, v10;
	v13 =	vld [tilespmem:$0x1FE30]  }
0x3bf: {  	v23 =	vor.u32 s16, v20;
	v26 =	vld.idx.msk [tilespmem:v34+s22+$0x0], $0xffff  }
0x3c0: {  	v61 =	vor.u32 s17, v20;
	v0 =	vadd.f32 v21, v0;
	v21 =	vld.idx.msk [tilespmem:v59+s22+$0x0], $0xffff  }
0x3c1: {  	v28 =	vor.u32 s16, v19;
	v6 =	vadd.f32 v8, v6;
	v8 =	vld.idx.msk [tilespmem:v60+s22+$0x0], $0xffff  }
0x3c2: {  	v29 =	vor.u32 s17, v19;
	v0 =	vadd.f32 v5, v0;
	v5 =	vld.idx.msk [tilespmem:v22+s22+$0x0], $0xffff  }
0x3c3: {  	v9 =	vadd.f32 v13, v9;
	v13 =	vld [tilespmem:$0x1FE40]  }
0x3c4: {  	v22 =	vor.u32 s16, v46;
	v6 =	vadd.f32 v7, v6;
	v7 =	vld.idx.msk [tilespmem:v23+s22+$0x0], $0xffff  }
0x3c5: {  	v23 =	vor.u32 s17, v46;
	v0 =	vadd.f32 v11, v0;
	v11 =	vld.idx.msk [tilespmem:v61+s22+$0x0], $0xffff  }
0x3c6: {  	v30 =	vor.u32 s16, v48;
	v6 =	vadd.f32 v12, v6;
	v12 =	vld.idx.msk [tilespmem:v28+s22+$0x0], $0xffff  }
0x3c7: {  	v32 =	vor.u32 s16, v50;
	v0 =	vadd.f32 v21, v0;
	v21 =	vld.idx.msk [tilespmem:v29+s22+$0x0], $0xffff  }
0x3c8: {  	v6 =	vadd.f32 v8, v6;
	v10 =	vadd.f32 v13, v10;
	v13 =	vld [tilespmem:$0x1FE50]  }
0x3c9: {  	v8 =	vld.idx.msk [tilespmem:v22+s22+$0x0], $0xffff;
	v22 =	vor.u32 s17, v50;
	v0 =	vadd.f32 v5, v0  }
0x3ca: {  	v5 =	vld.idx.msk [tilespmem:v23+s22+$0x0], $0xffff;
	v23 =	vor.u32 s16, v63;
	v6 =	vadd.f32 v7, v6  }
0x3cb: {  	v7 =	vld.idx.msk [tilespmem:v30+s22+$0x0], $0xffff;
	v0 =	vadd.f32 v11, v0;
	v11 =	vor.u32 s16, v62  }
0x3cc: {  	v37 =	vor.u32 s17, v55;
	v6 =	vadd.f32 v12, v6;
	v12 =	vld.idx.msk [tilespmem:v32+s22+$0x0], $0xffff  }
0x3cd: {  	v0 =	vadd.f32 v21, v0;
	v9 =	vadd.f32 v13, v9;
	v13 =	vld [tilespmem:$0x1FE60]  }
0x3ce: {  	v21 =	vor.u32 s16, v53;
	v22 =	vld.idx.msk [tilespmem:v22+s22+$0x0], $0xffff;
	v6 =	vadd.f32 v8, v6  }
0x3cf: {  	v8 =	vld.idx.msk [tilespmem:v23+s22+$0x0], $0xffff;
	v23 =	vor.u32 s17, v53;
	v0 =	vadd.f32 v5, v0  }
0x3d0: {  	v5 =	vor.u32 s16, v54;
	v6 =	vadd.f32 v7, v6;
	v7 =	vld.idx.msk [tilespmem:v11+s22+$0x0], $0xffff  }
0x3d1: {  	v11 =	vor.u32 s17, v54;
	v0 =	vadd.f32 v25, v0;
	v25 =	vld.idx.msk [tilespmem:v37+s22+$0x0], $0xffff  }
0x3d2: {  	v10 =	vadd.f32 v13, v10;
	v13 =	vld [tilespmem:$0x1FE70]  }
0x3d3: {  	v35 =	vor.u32 s16, v14;
	v6 =	vadd.f32 v12, v6;
	v12 =	vld.idx.msk [tilespmem:v21+s22+$0x0], $0xffff  }
0x3d4: {  	v39 =	vor.u32 s17, v58;
	v23 =	vld.idx.msk [tilespmem:v23+s22+$0x0], $0xffff  }
0x3d5: {  	v21 =	vor.u32 s17, v14;
	v5 =	vld.idx.msk [tilespmem:v5+s22+$0x0], $0xffff  }
0x3d6: {  	v0 =	vadd.f32 v22, v0;
	v22 =	vor.u32 s16, v16;
	v6 =	vadd.f32 v8, v6;
	v11 =	vld.idx.msk [tilespmem:v11+s22+$0x0], $0xffff  }
0x3d7: {  	v9 =	vadd.f32 v13, v9;
	v13 =	vld [tilespmem:$0x1FE80]  }
0x3d8: {  	v8 =	vor.u32 s17, v16;
	v0 =	vadd.f32 v24, v0;
	v6 =	vadd.f32 v7, v6;
	v7 =	vld.idx.msk [tilespmem:v35+s22+$0x0], $0xffff  }
0x3d9: {  	v36 =	vor.u32 s16, v55;
	v24 =	vld.idx.msk [tilespmem:v39+s22+$0x0], $0xffff  }
0x3da: {  	v38 =	vor.u32 s16, v57;
	v0 =	vadd.f32 v26, v0;
	v21 =	vld.idx.msk [tilespmem:v21+s22+$0x0], $0xffff  }
0x3db: {  	v6 =	vadd.f32 v12, v6;
	v12 =	vld.idx.msk [tilespmem:v22+s22+$0x0], $0xffff;
	v22 =	vor.u32 s17, v57  }
0x3dc: {  	v0 =	vadd.f32 v23, v0;
	v10 =	vadd.f32 v13, v10;
	v13 =	vld [tilespmem:$0x1FE90]  }
0x3dd: {  	v8 =	vld.idx.msk [tilespmem:v8+s22+$0x0], $0xffff;
	v23 =	vor.u32 s16, v58;
	v5 =	vadd.f32 v5, v6  }
0x3de: {  	v40 =	vor.u32 s17, v18;
	v6 =	vld.idx.msk [tilespmem:v36+s22+$0x0], $0xffff;
	v0 =	vadd.f32 v11, v0  }
0x3df: {  	v11 =	vor.u32 s16, v18;
	v5 =	vadd.f32 v7, v5;
	v7 =	vld.idx.msk [tilespmem:v38+s22+$0x0], $0xffff  }
0x3e0: {  	v0 =	vadd.f32 v21, v0;
	v21 =	vor.u32 s16, v15;
	v22 =	vld.idx.msk [tilespmem:v22+s22+$0x0], $0xffff  }
0x3e1: {  	v5 =	vadd.f32 v12, v5;
	v9 =	vadd.f32 v13, v9;
	v13 =	vld [tilespmem:$0x1FEA0]  }
0x3e2: {  	s16 =	simm.s32 $0xC200;
	v12 =	vld.idx.msk [tilespmem:v23+s22+$0x0], $0xffff;
	v23 =	vor.u32 s17, v15  }
0x3e3: {  	s24 =	simm.s32 $0xC300;
	v26 =	vld.idx.msk [tilespmem:v40+s22+$0x0], $0xffff;
	v0 =	vadd.f32 v8, v0;
	v8 =	vor.u32 s16, v20;
	v5 =	vadd.f32 v6, v5  }
0x3e4: {  	v6 =	vld.idx.msk [tilespmem:v11+s22+$0x0], $0xffff;
	v11 =	vor.u32 s24, v20  }
0x3e5: {  	v41 =	vor.u32 s16, v19;
	v0 =	vadd.f32 v25, v0;
	v5 =	vadd.f32 v7, v5;
	v7 =	vld.idx.msk [tilespmem:v21+s22+$0x0], $0xffff  }
0x3e6: {  	v10 =	vadd.f32 v13, v10;
	v13 =	vld [tilespmem:$0x1FEB0]  }
0x3e7: {  	v21 =	vor.u32 s24, v19;
	v0 =	vadd.f32 v22, v0;
	v23 =	vld.idx.msk [tilespmem:v23+s22+$0x0], $0xffff  }
0x3e8: {  	v22 =	vor.u32 s16, v46;
	v5 =	vadd.f32 v12, v5;
	v8 =	vld.idx.msk [tilespmem:v8+s22+$0x0], $0xffff  }
0x3e9: {  	v12 =	vor.u32 s24, v46;
	v0 =	vadd.f32 v24, v0;
	v11 =	vld.idx.msk [tilespmem:v11+s22+$0x0], $0xffff  }
0x3ea: {  	v42 =	vor.u32 s16, v48;
	v5 =	vadd.f32 v6, v5;
	v6 =	vld.idx.msk [tilespmem:v41+s22+$0x0], $0xffff  }
0x3eb: {  	v0 =	vadd.f32 v26, v0;
	v9 =	vadd.f32 v13, v9;
	v13 =	vld [tilespmem:$0x1FEC0]  }
0x3ec: {  	v44 =	vor.u32 s16, v50;
	v21 =	vld.idx.msk [tilespmem:v21+s22+$0x0], $0xffff;
	v5 =	vadd.f32 v7, v5  }
0x3ed: {  	v43 =	vor.u32 s24, v48;
	v7 =	vld.idx.msk [tilespmem:v22+s22+$0x0], $0xffff;
	v0 =	vadd.f32 v23, v0  }
0x3ee: {  	v12 =	vld.idx.msk [tilespmem:v12+s22+$0x0], $0xffff;
	v23 =	vor.u32 s16, v63;
	v5 =	vadd.f32 v8, v5  }
0x3ef: {  	v8 =	vld.idx.msk [tilespmem:v42+s22+$0x0], $0xffff;
	v0 =	vadd.f32 v11, v0;
	v11 =	vor.u32 s16, v62  }
0x3f0: {  	v5 =	vadd.f32 v6, v5;
	v10 =	vadd.f32 v13, v10;
	v13 =	vld [tilespmem:$0x1FED0]  }
0x3f1: {  	v22 =	vor.u32 s24, v50;
	v6 =	vld.idx.msk [tilespmem:v44+s22+$0x0], $0xffff  }
0x3f2: {  	v25 =	vld.idx.msk [tilespmem:v43+s22+$0x0], $0xffff;
	v0 =	vadd.f32 v21, v0;
	v21 =	vor.u32 s16, v53;
	v5 =	vadd.f32 v7, v5  }
0x3f3: {  	v45 =	vor.u32 s24, v63;
	v7 =	vld.idx.msk [tilespmem:v23+s22+$0x0], $0xffff  }
0x3f4: {  	v0 =	vadd.f32 v12, v0;
	v12 =	vor.u32 s16, v54;
	v5 =	vadd.f32 v8, v5;
	v8 =	vld.idx.msk [tilespmem:v11+s22+$0x0], $0xffff  }
0x3f5: {  	v9 =	vadd.f32 v13, v9;
	v13 =	vld [tilespmem:$0x1FEE0]  }
0x3f6: {  	v47 =	vor.u32 s24, v62;
	v22 =	vld.idx.msk [tilespmem:v22+s22+$0x0], $0xffff;
	v5 =	vadd.f32 v6, v5  }
0x3f7: {  	v6 =	vld.idx.msk [tilespmem:v21+s22+$0x0], $0xffff  }
0x3f8: {  	v24 =	vld.idx.msk [tilespmem:v45+s22+$0x0], $0xffff;
	v23 =	vor.u32 s24, v53;
	v5 =	vadd.f32 v7, v5  }
0x3f9: {  	v11 =	vor.u32 s24, v54;
	v0 =	vadd.f32 v25, v0;
	v7 =	vld.idx.msk [tilespmem:v12+s22+$0x0], $0xffff  }
0x3fa: {  	v5 =	vadd.f32 v8, v5;
	v10 =	vadd.f32 v13, v10;
	v13 =	vld [tilespmem:$0x1FEF0]  }
0x3fb: {  	v26 =	vld.idx.msk [tilespmem:v47+s22+$0x0], $0xffff  }
0x3fc: {  	v0 =	vadd.f32 v22, v0;
	v12 =	vor.u32 s24, v16;
	v6 =	vadd.f32 v6, v5;
	v5 =	vld [tilespmem:$0x1FF10]  }
0x3fd: {  	v23 =	vld.idx.msk [tilespmem:v23+s22+$0x0], $0xffff  }
0x3fe: {  	v49 =	vor.u32 s16, v14;
	v0 =	vadd.f32 v24, v0;
	v11 =	vld.idx.msk [tilespmem:v11+s22+$0x0], $0xffff  }
0x3ff: {  	v6 =	vadd.f32 v7, v6;
	v7 =	vld [tilespmem:$0x1FF30];
	v9 =	vadd.f32 v13, v9  }
0x400: {  	v21 =	vor.u32 s24, v14;
	v0 =	vadd.f32 v26, v0;
	v13 =	vld [tilespmem:$0x1FF00]  }
0x401: {  	v22 =	vor.u32 s16, v16;
	v9 =	vadd.f32 v5, v9;
	v5 =	vld.idx.msk [tilespmem:v12+s22+$0x0], $0xffff  }
0x402: {  	v51 =	vor.u32 s16, v55;
	v0 =	vadd.f32 v23, v0;
	v12 =	vld [tilespmem:$0x1FF20]  }
0x403: {  	v56 =	vor.u32 s16, v57;
	v8 =	vld.idx.msk [tilespmem:v49+s22+$0x0], $0xffff  }
0x404: {  	v23 =	vor.u32 s16, v58;
	v7 =	vadd.f32 v7, v9;
	v9 =	vadd.f32 v11, v0;
	v11 =	vld [tilespmem:$0x1FF40]  }
0x405: {  	v52 =	vor.u32 s24, v55;
	v59 =	vld.idx.msk [tilespmem:v21+s22+$0x0], $0xffff;
	v10 =	vadd.f32 v13, v10  }
0x406: {  	v61 =	vor.u32 s24, v57;
	v60 =	vld.idx.msk [tilespmem:v22+s22+$0x0], $0xffff  }
0x407: {  	v45 =	vld.idx.msk [tilespmem:v51+s22+$0x0], $0xffff;
	v10 =	vadd.f32 v12, v10  }
0x408: {  	v47 =	vld.idx.msk [tilespmem:v56+s22+$0x0], $0xffff  }
0x409: {  	s30 =	simm.s32 $0x1ED10;
	v17 =	vor.u32 s16, v15;
	v49 =	vld.idx.msk [tilespmem:v23+s22+$0x0], $0xffff;
	v12 =	vadd.f32 v8, v6;
	v11 =	vadd.f32 v11, v10  }
0x40a: {  	v51 =	vmovc v14;
	v0 =	vld.idx.msk [tilespmem:v52+s22+$0x0], $0xffff;
	v52 =	vmovc v16;
	v13 =	vor.u32 s16, v18;
	[tilespmem:s30+$0x0] =	vst v7;
	v7 =	vor.u32 s24, v15;
	v8 =	vor.u32 s24, v18  }
0x40b: {  	s31 =	simm.s32 $0x2;
	s5 =	simm.s32 $0x400;
	v6 =	vld.idx.msk [tilespmem:v61+s22+$0x0], $0xffff;
	v10 =	vadd.f32 v59, v9;
	v9 =	vor.u32 s24, v58;
	v56 =	vadd.f32 v60, v12;
	[tilespmem:s30+$0xFFFFFFF0] =	vst v11  }
.LBB2_10:
0x40c: {  	_ =	sdelay $0x1  }
0x40d: {  	v12 =	vor.u32 s5, v19  }
0x40e: {  	s16 =	sadd.s32 $0x100, s5;
	v5 =	vadd.f32 v5, v10  }
0x40f: {  	v9 =	vld.idx.msk [tilespmem:v9+s22+$0x0], $0xffff;
	v23 =	vor.u32 s16, v20  }
0x410: {  	v34 =	vor.u32 s16, v46;
	v0 =	vadd.f32 v0, v5  }
0x411: {  	v11 =	vor.u32 s5, v20;
	v5 =	vld.idx.msk [tilespmem:v8+s22+$0x0], $0xffff  }
0x412: {  	v38 =	vor.u32 s16, v48;
	v37 =	vld.idx.msk [tilespmem:v12+s22+$0x0], $0xffff;
	v0 =	vadd.f32 v6, v0  }
0x413: {  	v10 =	vor.u32 s5, v46;
	v6 =	vld.idx.msk [tilespmem:v7+s22+$0x0], $0xffff  }
0x414: {  	v8 =	vor.u32 s16, v19;
	v36 =	vld.idx.msk [tilespmem:v23+s22+$0x0], $0xffff;
	v0 =	vadd.f32 v9, v0  }
0x415: {  	v34 =	vld.idx.msk [tilespmem:v34+s22+$0x0], $0xffff  }
0x416: {  	v7 =	vld.idx.msk [tilespmem:v11+s22+$0x0], $0xffff;
	v0 =	vadd.f32 v5, v0  }
0x417: {  	v38 =	vld.idx.msk [tilespmem:v38+s22+$0x0], $0xffff  }
0x418: {  	v40 =	vld.idx.msk [tilespmem:v10+s22+$0x0], $0xffff;
	v0 =	vadd.f32 v6, v0  }
0x419: {  	s30 =	sadd.s32 $0x20, s30;
	v39 =	vld.idx.msk [tilespmem:v8+s22+$0x0], $0xffff  }
0x41a: {  	[tilespmem:s30+$0x0] =	vst v0;
	v0 =	vld [tilespmem:$0x1FF50]  }
0x41b: {  	v6 =	vadd.f32 $0.0e+00, v7;
	_ =	sdelay $0x1  }
0x41c: {  	s24 =	sadd.s32 $0x4000, s5;
	v37 =	vadd.f32 v37, v6  }
0x41d: {  	s17 =	sadd.s32 $0x8000, s5;
	v29 =	vor.u32 s5, v53;
	v41 =	vor.u32 s16, v50;
	v44 =	vor.u32 s24, v53  }
0x41e: {  	v37 =	vadd.f32 v40, v37;
	v40 =	vor.u32 s16, v53;
	v53 =	vor.u32 s17, v0;
	v0 =	vld [tilespmem:$0x1FF60];
	_ =	sdelay $0x1  }
0x41f: {  	v36 =	vadd.f32 $0.0e+00, v36;
	_ =	sdelay $0x1  }
0x420: {  	v42 =	vor.u32 s16, v63;
	v36 =	vadd.f32 v39, v36;
	v39 =	vld.idx.msk [tilespmem:v41+s22+$0x0], $0xffff  }
0x421: {  	v41 =	vor.u32 s17, v0;
	v0 =	vld [tilespmem:$0x1FF70];
	_ =	sdelay $0x3  }
0x422: {  	v34 =	vadd.f32 v34, v36;
	v36 =	vld.idx.msk [tilespmem:v42+s22+$0x0], $0xffff  }
0x423: {  	v42 =	vor.u32 s17, v0;
	v0 =	vld [tilespmem:$0x1FF80];
	_ =	sdelay $0x2  }
0x424: {  	v34 =	vadd.f32 v38, v34;
	_ =	sdelay $0x1  }
0x425: {  	v34 =	vadd.f32 v39, v34;
	v39 =	vor.u32 s17, v0;
	v0 =	vld [tilespmem:$0x1FF90];
	_ =	sdelay $0x2  }
0x426: {  	v25 =	vor.u32 s5, v48  }
0x427: {  	v43 =	vor.u32 s16, v62;
	v14 =	vld.idx.msk [tilespmem:v40+s22+$0x0], $0xffff  }
0x428: {  	v40 =	vor.u32 s17, v0;
	v0 =	vld [tilespmem:$0x1FFA0]  }
0x429: {  	v26 =	vor.u32 s5, v50;
	_ =	sdelay $0x1  }
0x42a: {  	v27 =	vor.u32 s5, v63;
	v25 =	vld.idx.msk [tilespmem:v25+s22+$0x0], $0xffff  }
0x42b: {  	v28 =	vor.u32 s5, v62;
	v38 =	vld.idx.msk [tilespmem:v43+s22+$0x0], $0xffff  }
0x42c: {  	v43 =	vor.u32 s17, v0;
	v0 =	vld [tilespmem:$0x1FFB0]  }
0x42d: {  	v26 =	vld.idx.msk [tilespmem:v26+s22+$0x0], $0xffff;
	_ =	sdelay $0x1  }
0x42e: {  	v27 =	vld.idx.msk [tilespmem:v27+s22+$0x0], $0xffff  }
0x42f: {  	v28 =	vld.idx.msk [tilespmem:v28+s22+$0x0], $0xffff;
	v25 =	vadd.f32 v25, v37  }
0x430: {  	v31 =	vor.u32 s5, v51;
	v34 =	vadd.f32 v36, v34;
	v36 =	vor.u32 s17, v0;
	v0 =	vld [tilespmem:$0x1FFC0]  }
0x431: {  	v25 =	vadd.f32 v26, v25;
	_ =	sdelay $0x1  }
0x432: {  	v25 =	vadd.f32 v27, v25;
	_ =	sdelay $0x1  }
0x433: {  	v25 =	vadd.f32 v28, v25;
	v28 =	vld.idx.msk [tilespmem:v31+s22+$0x0], $0xffff;
	v31 =	vor.u32 s16, v0;
	v0 =	vor.u32 s17, v52  }
0x434: {  	[tilespmem:$0x1F970] =	vst v0;
	v0 =	vld [tilespmem:$0x1FFC0];
	_ =	sdelay $0x3  }
0x435: {  	v32 =	vor.u32 s5, v52;
	v26 =	vld.idx.msk [tilespmem:v29+s22+$0x0], $0xffff  }
0x436: {  	v34 =	vadd.f32 v38, v34;
	v38 =	vor.u32 s17, v0;
	v0 =	vld [tilespmem:$0x1FFD0];
	_ =	sdelay $0x3  }
0x437: {  	v25 =	vadd.f32 v26, v25;
	v26 =	vld.idx.msk [tilespmem:v32+s22+$0x0], $0xffff  }
0x438: {  	v32 =	vor.u32 s16, v0;
	v0 =	vld [tilespmem:$0x1FFD0];
	_ =	sdelay $0x4  }
0x439: {  	v0 =	vor.u32 s17, v0  }
0x43a: {  	[tilespmem:$0x1F980] =	vst v0;
	v0 =	vld [tilespmem:$0x1FFE0];
	_ =	sdelay $0x4  }
0x43b: {  	v0 =	vor.u32 s17, v0  }
0x43c: {  	[tilespmem:$0x1F990] =	vst v0;
	v0 =	vld [tilespmem:$0x1FFE0];
	_ =	sdelay $0x4  }
0x43d: {  	v37 =	vor.u32 s16, v54;
	v16 =	vor.u32 s16, v0;
	v0 =	vld [tilespmem:$0x1FFF0];
	_ =	sdelay $0x2  }
0x43e: {  	v35 =	vor.u32 s5, v57;
	v23 =	vor.u32 s5, v15  }
0x43f: {  	s0 =	sadd.s32 $0xC000, s5;
	v7 =	vor.u32 s24, v62;
	v62 =	vor.u32 s24, v57;
	v57 =	vor.u32 s24, v15  }
0x440: {  	v15 =	vld.idx.msk [tilespmem:v37+s22+$0x0], $0xffff;
	v14 =	vadd.f32 v14, v34;
	v34 =	vor.u32 s17, v0;
	v0 =	vor.u32 s0, v20  }
0x441: {  	[tilespmem:$0x1F9A0] =	vst v0;
	v0 =	vld [tilespmem:$0x1FF50];
	_ =	sdelay $0x3  }
0x442: {  	v14 =	vadd.f32 v15, v14;
	v15 =	vld.idx.msk [tilespmem:v31+s22+$0x0], $0xffff  }
0x443: {  	v31 =	vor.u32 s0, v0;
	v0 =	vld [tilespmem:$0x1FF60];
	_ =	sdelay $0x4  }
0x444: {  	v0 =	vor.u32 s0, v0  }
0x445: {  	[tilespmem:$0x1F9B0] =	vst v0;
	v0 =	vld [tilespmem:$0x1FF70];
	_ =	sdelay $0x1  }
0x446: {  	v60 =	vld.idx.msk [tilespmem:v17+s22+$0x0], $0xffff;
	v30 =	vor.u32 s5, v54  }
0x447: {  	v17 =	vld.idx.msk [tilespmem:v35+s22+$0x0], $0xffff;
	v35 =	vor.u32 s0, v19;
	v11 =	vor.u32 s24, v48;
	v48 =	vor.u32 s24, v54  }
0x448: {  	v21 =	vmovc v19;
	v9 =	vor.u32 s24, v19;
	v54 =	vor.u32 s17, v19;
	v29 =	vor.u32 s16, v51;
	v19 =	vld.idx.msk [tilespmem:v32+s22+$0x0], $0xffff  }
0x449: {  	v32 =	vor.u32 s0, v0;
	v0 =	vld [tilespmem:$0x1FFF0];
	_ =	sdelay $0x3  }
0x44a: {  	v33 =	vor.u32 s5, v55;
	v22 =	vor.u32 s24, v20;
	v8 =	vor.u32 s24, v63;
	v29 =	vld.idx.msk [tilespmem:v29+s22+$0x0], $0xffff  }
0x44b: {  	v63 =	vor.u32 s24, v55;
	v55 =	vor.u32 s17, v20;
	v6 =	vmovc v20;
	v20 =	vor.u32 s16, v0;
	v0 =	vld [tilespmem:$0x1FF80];
	_ =	sdelay $0x3  }
0x44c: {  	v27 =	vld.idx.msk [tilespmem:v30+s22+$0x0], $0xffff  }
0x44d: {  	v30 =	vor.u32 s16, v52;
	v14 =	vadd.f32 v29, v14;
	v29 =	vor.u32 s0, v0;
	v0 =	vld [tilespmem:$0x1FF90];
	_ =	sdelay $0x4  }
0x44e: {  	v30 =	vld.idx.msk [tilespmem:v30+s22+$0x0], $0xffff;
	v0 =	vor.u32 s0, v0  }
0x44f: {  	[tilespmem:$0x1F9C0] =	vst v0;
	v0 =	vld [tilespmem:$0x1FFA0];
	_ =	sdelay $0x2  }
0x450: {  	v59 =	vld.idx.msk [tilespmem:v13+s22+$0x0], $0xffff;
	v13 =	vor.u32 s5, v58;
	v25 =	vadd.f32 v27, v25  }
0x451: {  	v24 =	vor.u32 s5, v18;
	v27 =	vld.idx.msk [tilespmem:v33+s22+$0x0], $0xffff  }
0x452: {  	v25 =	vadd.f32 v28, v25;
	v14 =	vadd.f32 v30, v14;
	v30 =	vor.u32 s0, v0;
	v0 =	vld [tilespmem:$0x1FFB0];
	_ =	sdelay $0x1  }
0x453: {  	v25 =	vadd.f32 v26, v25  }
0x454: {  	v13 =	vld.idx.msk [tilespmem:v13+s22+$0x0], $0xffff  }
0x455: {  	v25 =	vadd.f32 v27, v25  }
0x456: {  	v24 =	vld.idx.msk [tilespmem:v24+s22+$0x0], $0xffff;
	v27 =	vor.u32 s0, v0;
	v0 =	vor.u32 s0, v51  }
0x457: {  	[tilespmem:$0x1F9D0] =	vst v0;
	v0 =	vadd.f32 v17, v25;
	v17 =	vld [tilespmem:$0x1FFC0];
	_ =	sdelay $0x1  }
0x458: {  	v0 =	vadd.f32 v13, v0;
	_ =	sdelay $0x1  }
0x459: {  	v0 =	vadd.f32 v24, v0;
	v24 =	vld.idx.msk [tilespmem:v9+s22+$0x0], $0xffff  }
0x45a: {  	v25 =	vor.u32 s0, v17;
	v17 =	vld [tilespmem:$0x1FFD0]  }
0x45b: {  	v9 =	vld [tilespmem:$0x1FFF0];
	_ =	sdelay $0x1  }
0x45c: {  	v61 =	vor.u32 s24, v58;
	v58 =	vor.u32 s24, v18;
	v12 =	vor.u32 s24, v46  }
0x45d: {  	v46 =	vor.u32 s24, v51;
	v10 =	vor.u32 s24, v50;
	v50 =	vor.u32 s24, v52;
	s24 =	sadd.s32 $0x4100, s5  }
0x45e: {  	v26 =	vor.u32 s24, v6;
	v16 =	vld.idx.msk [tilespmem:v16+s22+$0x0], $0xffff;
	v17 =	vor.u32 s0, v17  }
0x45f: {  	v14 =	vadd.f32 v15, v14;
	[tilespmem:$0x1F9E0] =	vst v17;
	v17 =	vor.u32 s0, v9;
	v9 =	vld [tilespmem:$0x1FF60];
	_ =	sdelay $0x1  }
0x460: {  	v23 =	vld.idx.msk [tilespmem:v23+s22+$0x0], $0xffff;
	v14 =	vadd.f32 v19, v14  }
0x461: {  	v13 =	vld [tilespmem:$0x1FFE0]  }
0x462: {  	v14 =	vadd.f32 v16, v14;
	v16 =	vld.idx.msk [tilespmem:v26+s22+$0x0], $0xffff  }
0x463: {  	v26 =	vadd.f32 v45, v56;
	v56 =	vor.u32 s24, v9;
	v9 =	vld [tilespmem:$0x1FF70]  }
0x464: {  	v33 =	vor.u32 s17, v18;
	v28 =	vmov v18;
	v18 =	vor.u32 s16, v18  }
0x465: {  	v19 =	vld.idx.msk [tilespmem:v20+s22+$0x0], $0xffff  }
0x466: {  	v20 =	vld.idx.msk [tilespmem:v22+s22+$0x0], $0xffff;
	v13 =	vor.u32 s0, v13  }
0x467: {  	[tilespmem:$0x1F9F0] =	vst v13;
	v13 =	vld [tilespmem:$0x1FF50]  }
0x468: {  	v0 =	vadd.f32 v23, v0;
	v23 =	vor.u32 s24, v9;
	v9 =	vld [tilespmem:$0x1FF80]  }
0x469: {  	v18 =	vld.idx.msk [tilespmem:v18+s22+$0x0], $0xffff;
	_ =	sdelay $0x1  }
0x46a: {  	v5 =	vor.u32 s24, v21  }
0x46b: {  	v22 =	vor.u32 s24, v13  }
0x46c: {  	v0 =	vadd.f32 v20, v0;
	v20 =	vor.u32 s24, v9;
	v9 =	vld [tilespmem:$0x1FF90]  }
0x46d: {  	v12 =	vld.idx.msk [tilespmem:v12+s22+$0x0], $0xffff;
	v14 =	vadd.f32 v18, v14;
	v18 =	vadd.f32 v47, v26  }
0x46e: {  	v11 =	vld.idx.msk [tilespmem:v11+s22+$0x0], $0xffff  }
0x46f: {  	v5 =	vld.idx.msk [tilespmem:v5+s22+$0x0], $0xffff;
	v18 =	vadd.f32 v49, v18  }
0x470: {  	v14 =	vadd.f32 v19, v14;
	v19 =	vld.idx.msk [tilespmem:v22+s22+$0x0], $0xffff  }
0x471: {  	v18 =	vadd.f32 v59, v18;
	v22 =	vor.u32 s24, v9;
	v9 =	vld.idx.msk [tilespmem:v8+s22+$0x0], $0xffff  }
0x472: {  	v14 =	vadd.f32 v16, v14;
	v0 =	vadd.f32 v24, v0;
	v8 =	vld [tilespmem:$0x1FFA0]  }
0x473: {  	v10 =	vld.idx.msk [tilespmem:v10+s22+$0x0], $0xffff;
	v18 =	vadd.f32 v60, v18  }
0x474: {  	v5 =	vadd.f32 v5, v14;
	v0 =	vadd.f32 v12, v0;
	_ =	sdelay $0x1  }
0x475: {  	v0 =	vadd.f32 v11, v0;
	v5 =	vadd.f32 v19, v5;
	v19 =	vld.idx.msk [tilespmem:v20+s22+$0x0], $0xffff;
	[tilespmem:s30+$0xFFFFFFF0] =	vst v18  }
0x476: {  	v12 =	vor.u32 s24, v8;
	v8 =	vld.idx.msk [tilespmem:v7+s22+$0x0], $0xffff  }
0x477: {  	v0 =	vadd.f32 v10, v0;
	v20 =	vmov v6;
	v6 =	vld [tilespmem:$0x1FFB0]  }
0x478: {  	v7 =	vld.idx.msk [tilespmem:v44+s22+$0x0], $0xffff  }
0x479: {  	v0 =	vadd.f32 v9, v0  }
0x47a: {  	v9 =	vld.idx.msk [tilespmem:v48+s22+$0x0], $0xffff  }
0x47b: {  	v0 =	vadd.f32 v8, v0  }
0x47c: {  	v11 =	vor.u32 s24, v6;
	v6 =	vld.idx.msk [tilespmem:v46+s22+$0x0], $0xffff  }
0x47d: {  	v0 =	vadd.f32 v7, v0  }
0x47e: {  	v7 =	vld.idx.msk [tilespmem:v50+s22+$0x0], $0xffff  }
0x47f: {  	v0 =	vadd.f32 v9, v0  }
0x480: {  	v9 =	vld.idx.msk [tilespmem:v63+s22+$0x0], $0xffff  }
0x481: {  	v0 =	vadd.f32 v6, v0  }
0x482: {  	v6 =	vld.idx.msk [tilespmem:v62+s22+$0x0], $0xffff  }
0x483: {  	v0 =	vadd.f32 v7, v0  }
0x484: {  	v7 =	vld.idx.msk [tilespmem:v61+s22+$0x0], $0xffff  }
0x485: {  	v16 =	vld.idx.msk [tilespmem:v56+s22+$0x0], $0xffff;
	v0 =	vadd.f32 v9, v0  }
0x486: {  	v9 =	vld.idx.msk [tilespmem:v58+s22+$0x0], $0xffff  }
0x487: {  	v14 =	vld.idx.msk [tilespmem:v23+s22+$0x0], $0xffff;
	v0 =	vadd.f32 v6, v0  }
0x488: {  	v10 =	vor.u32 s24, v51;
	v6 =	vld.idx.msk [tilespmem:v57+s22+$0x0], $0xffff  }
0x489: {  	v0 =	vadd.f32 v7, v0  }
0x48a: {  	v7 =	vld.idx.msk [tilespmem:v55+s22+$0x0], $0xffff  }
0x48b: {  	v5 =	vadd.f32 v16, v5;
	v16 =	vld.idx.msk [tilespmem:v22+s22+$0x0], $0xffff;
	v0 =	vadd.f32 v9, v0  }
0x48c: {  	v9 =	vld.idx.msk [tilespmem:v54+s22+$0x0], $0xffff  }
0x48d: {  	v10 =	vld.idx.msk [tilespmem:v10+s22+$0x0], $0xffff;
	v5 =	vadd.f32 v14, v5;
	v0 =	vadd.f32 v6, v0  }
0x48e: {  	v6 =	vld.idx.msk [tilespmem:v53+s22+$0x0], $0xffff  }
0x48f: {  	v5 =	vadd.f32 v19, v5;
	v12 =	vld.idx.msk [tilespmem:v12+s22+$0x0], $0xffff;
	v0 =	vadd.f32 v7, v0  }
0x490: {  	v7 =	vld.idx.msk [tilespmem:v41+s22+$0x0], $0xffff  }
0x491: {  	v5 =	vadd.f32 v16, v5;
	v16 =	vld [tilespmem:$0x1FFD0];
	v0 =	vadd.f32 v9, v0  }
0x492: {  	v9 =	vld.idx.msk [tilespmem:v42+s22+$0x0], $0xffff  }
0x493: {  	v11 =	vld.idx.msk [tilespmem:v11+s22+$0x0], $0xffff;
	v0 =	vadd.f32 v6, v0  }
0x494: {  	v14 =	vor.u32 s24, v52;
	v6 =	vld.idx.msk [tilespmem:v39+s22+$0x0], $0xffff  }
0x495: {  	v8 =	vld [tilespmem:$0x1FFC0];
	v0 =	vadd.f32 v7, v0  }
0x496: {  	v16 =	vor.u32 s24, v16;
	v7 =	vld.idx.msk [tilespmem:v40+s22+$0x0], $0xffff  }
0x497: {  	v5 =	vadd.f32 v12, v5;
	v0 =	vadd.f32 v9, v0  }
0x498: {  	v9 =	vld.idx.msk [tilespmem:v43+s22+$0x0], $0xffff  }
0x499: {  	v12 =	vld.idx.msk [tilespmem:v14+s22+$0x0], $0xffff;
	v5 =	vadd.f32 v11, v5;
	v0 =	vadd.f32 v6, v0  }
0x49a: {  	v14 =	vld [tilespmem:$0x1FFE0]  }
0x49b: {  	v8 =	vor.u32 s24, v8;
	v5 =	vadd.f32 v10, v5;
	v10 =	vld.idx.msk [tilespmem:v16+s22+$0x0], $0xffff;
	v0 =	vadd.f32 v7, v0  }
0x49c: {  	v16 =	vld [tilespmem:$0x1FFF0]  }
0x49d: {  	v0 =	vadd.f32 v9, v0;
	v9 =	vld [tilespmem:$0x1F970]  }
0x49e: {  	v37 =	vor.u32 s17, v51  }
0x49f: {  	v48 =	vld [tilespmem:$0x1FF60];
	v14 =	vor.u32 s24, v14  }
0x4a0: {  	v8 =	vld.idx.msk [tilespmem:v8+s22+$0x0], $0xffff  }
0x4a1: {  	v11 =	vor.u32 s24, v28;
	v6 =	vld.idx.msk [tilespmem:v36+s22+$0x0], $0xffff  }
0x4a2: {  	v46 =	vld [tilespmem:$0x1FF50];
	v16 =	vor.u32 s24, v16  }
0x4a3: {  	v5 =	vadd.f32 v12, v5;
	v7 =	vld.idx.msk [tilespmem:v37+s22+$0x0], $0xffff  }
0x4a4: {  	v12 =	vld.idx.msk [tilespmem:v14+s22+$0x0], $0xffff  }
0x4a5: {  	v5 =	vadd.f32 v8, v5;
	v9 =	vld.idx.msk [tilespmem:v9+s22+$0x0], $0xffff  }
0x4a6: {  	s17 =	sadd.s32 $0x8100, s5;
	v8 =	vld.idx.msk [tilespmem:v11+s22+$0x0], $0xffff;
	v0 =	vadd.f32 v6, v0  }
0x4a7: {  	v14 =	vor.u32 s17, v20;
	v5 =	vadd.f32 v10, v5;
	v10 =	vld.idx.msk [tilespmem:v16+s22+$0x0], $0xffff  }
0x4a8: {  	v16 =	vor.u32 s17, v46;
	v0 =	vadd.f32 v7, v0;
	v7 =	vld [tilespmem:$0x1F980]  }
0x4a9: {  	v50 =	vld [tilespmem:$0x1FF70];
	v5 =	vadd.f32 v12, v5  }
0x4aa: {  	v0 =	vadd.f32 v9, v0;
	v9 =	vld [tilespmem:$0x1F990]  }
0x4ab: {  	v62 =	vld [tilespmem:$0x1FF90];
	v5 =	vadd.f32 v8, v5  }
0x4ac: {  	v11 =	vor.u32 s17, v21;
	v12 =	vld.idx.msk [tilespmem:v14+s22+$0x0], $0xffff  }
0x4ad: {  	v5 =	vadd.f32 v10, v5;
	v10 =	vld.idx.msk [tilespmem:v16+s22+$0x0], $0xffff  }
0x4ae: {  	v6 =	vld.idx.msk [tilespmem:v38+s22+$0x0], $0xffff  }
0x4af: {  	v16 =	vld [tilespmem:$0x1FF80]  }
0x4b0: {  	v7 =	vld.idx.msk [tilespmem:v7+s22+$0x0], $0xffff  }
0x4b1: {  	v14 =	vor.u32 s17, v48;
	v8 =	vld.idx.msk [tilespmem:v11+s22+$0x0], $0xffff  }
0x4b2: {  	v9 =	vld.idx.msk [tilespmem:v9+s22+$0x0], $0xffff  }
0x4b3: {  	v11 =	vor.u32 s17, v50;
	v0 =	vadd.f32 v6, v0  }
0x4b4: {  	v53 =	vld [tilespmem:$0x1FFA0]  }
0x4b5: {  	v54 =	vld [tilespmem:$0x1FFB0];
	v5 =	vadd.f32 v12, v5;
	v16 =	vor.u32 s17, v16;
	v0 =	vadd.f32 v7, v0  }
0x4b6: {  	v12 =	vld.idx.msk [tilespmem:v14+s22+$0x0], $0xffff  }
0x4b7: {  	v14 =	vor.u32 s17, v62;
	v5 =	vadd.f32 v8, v5;
	v0 =	vadd.f32 v9, v0;
	v9 =	vld [tilespmem:$0x1F9A0]  }
0x4b8: {  	v8 =	vld.idx.msk [tilespmem:v11+s22+$0x0], $0xffff  }
0x4b9: {  	v57 =	vld [tilespmem:$0x1FFD0];
	v11 =	vor.u32 s17, v53;
	v5 =	vadd.f32 v10, v5  }
0x4ba: {  	v10 =	vld.idx.msk [tilespmem:v16+s22+$0x0], $0xffff  }
0x4bb: {  	v5 =	vadd.f32 v12, v5;
	v16 =	vor.u32 s17, v54;
	v6 =	vld.idx.msk [tilespmem:v33+s22+$0x0], $0xffff  }
0x4bc: {  	v12 =	vld.idx.msk [tilespmem:v14+s22+$0x0], $0xffff  }
0x4bd: {  	v14 =	vor.u32 s17, v51;
	v5 =	vadd.f32 v8, v5;
	v7 =	vld.idx.msk [tilespmem:v34+s22+$0x0], $0xffff  }
0x4be: {  	v8 =	vld.idx.msk [tilespmem:v11+s22+$0x0], $0xffff  }
0x4bf: {  	v5 =	vadd.f32 v10, v5;
	v9 =	vld.idx.msk [tilespmem:v9+s22+$0x0], $0xffff  }
0x4c0: {  	v10 =	vld.idx.msk [tilespmem:v16+s22+$0x0], $0xffff;
	v0 =	vadd.f32 v6, v0  }
0x4c1: {  	v55 =	vld [tilespmem:$0x1FFC0];
	v11 =	vor.u32 s17, v52;
	v5 =	vadd.f32 v12, v5  }
0x4c2: {  	v12 =	vld.idx.msk [tilespmem:v14+s22+$0x0], $0xffff;
	v14 =	vor.u32 s17, v57;
	v0 =	vadd.f32 v7, v0  }
0x4c3: {  	v5 =	vadd.f32 v8, v5  }
0x4c4: {  	v0 =	vadd.f32 v9, v0;
	v9 =	vld [tilespmem:$0x1F9B0]  }
0x4c5: {  	v58 =	vld [tilespmem:$0x1FFE0];
	v5 =	vadd.f32 v10, v5  }
0x4c6: {  	v16 =	vor.u32 s17, v55;
	v8 =	vld.idx.msk [tilespmem:v11+s22+$0x0], $0xffff  }
0x4c7: {  	v5 =	vadd.f32 v12, v5;
	v12 =	vld.idx.msk [tilespmem:v14+s22+$0x0], $0xffff  }
0x4c8: {  	v6 =	vld.idx.msk [tilespmem:v35+s22+$0x0], $0xffff  }
0x4c9: {  	v14 =	vld [tilespmem:$0x1FFF0]  }
0x4ca: {  	v11 =	vor.u32 s17, v58;
	v7 =	vld.idx.msk [tilespmem:v31+s22+$0x0], $0xffff  }
0x4cb: {  	v10 =	vld.idx.msk [tilespmem:v16+s22+$0x0], $0xffff;
	v16 =	vor.u32 s17, v28  }
0x4cc: {  	v9 =	vld.idx.msk [tilespmem:v9+s22+$0x0], $0xffff  }
0x4cd: {  	v0 =	vadd.f32 v6, v0  }
0x4ce: {  	s24 =	sadd.s32 $0xC100, s5;
	v5 =	vadd.f32 v8, v5;
	v14 =	vor.u32 s17, v14  }
0x4cf: {  	v8 =	vld.idx.msk [tilespmem:v11+s22+$0x0], $0xffff;
	v11 =	vor.u32 s24, v20;
	v0 =	vadd.f32 v7, v0  }
0x4d0: {  	v5 =	vadd.f32 v10, v5;
	v10 =	vld.idx.msk [tilespmem:v16+s22+$0x0], $0xffff  }
0x4d1: {  	v16 =	vor.u32 s24, v21;
	v0 =	vadd.f32 v9, v0;
	v9 =	vld [tilespmem:$0x1F9C0]  }
0x4d2: {  	v63 =	vld [tilespmem:$0x1FF80];
	v5 =	vadd.f32 v12, v5  }
0x4d3: {  	v12 =	vld.idx.msk [tilespmem:v14+s22+$0x0], $0xffff;
	v14 =	vor.u32 s24, v46  }
0x4d4: {  	v5 =	vadd.f32 v8, v5;
	v8 =	vld.idx.msk [tilespmem:v11+s22+$0x0], $0xffff  }
0x4d5: {  	v6 =	vld.idx.msk [tilespmem:v32+s22+$0x0], $0xffff  }
0x4d6: {  	v11 =	vor.u32 s24, v48;
	v5 =	vadd.f32 v10, v5;
	v10 =	vld.idx.msk [tilespmem:v16+s22+$0x0], $0xffff  }
0x4d7: {  	v7 =	vld.idx.msk [tilespmem:v29+s22+$0x0], $0xffff  }
0x4d8: {  	v16 =	vor.u32 s24, v50;
	v5 =	vadd.f32 v12, v5;
	v12 =	vld.idx.msk [tilespmem:v14+s22+$0x0], $0xffff  }
0x4d9: {  	v9 =	vld.idx.msk [tilespmem:v9+s22+$0x0], $0xffff  }
0x4da: {  	v14 =	vor.u32 s24, v63;
	v5 =	vadd.f32 v8, v5;
	v0 =	vadd.f32 v6, v0  }
0x4db: {  	v8 =	vld.idx.msk [tilespmem:v11+s22+$0x0], $0xffff  }
0x4dc: {  	v11 =	vor.u32 s24, v62;
	v5 =	vadd.f32 v10, v5;
	v0 =	vadd.f32 v7, v0  }
0x4dd: {  	v10 =	vld.idx.msk [tilespmem:v16+s22+$0x0], $0xffff  }
0x4de: {  	v16 =	vor.u32 s24, v53;
	v5 =	vadd.f32 v12, v5;
	v0 =	vadd.f32 v9, v0;
	v9 =	vld [tilespmem:$0x1F9D0]  }
0x4df: {  	v12 =	vld.idx.msk [tilespmem:v14+s22+$0x0], $0xffff  }
0x4e0: {  	v14 =	vor.u32 s24, v54;
	v5 =	vadd.f32 v8, v5  }
0x4e1: {  	v8 =	vld.idx.msk [tilespmem:v11+s22+$0x0], $0xffff  }
0x4e2: {  	v5 =	vadd.f32 v10, v5;
	v6 =	vld.idx.msk [tilespmem:v30+s22+$0x0], $0xffff  }
0x4e3: {  	v15 =	vor.u32 s0, v52;
	v10 =	vld.idx.msk [tilespmem:v16+s22+$0x0], $0xffff  }
0x4e4: {  	v5 =	vadd.f32 v12, v5;
	v7 =	vld.idx.msk [tilespmem:v27+s22+$0x0], $0xffff  }
0x4e5: {  	v12 =	vld.idx.msk [tilespmem:v14+s22+$0x0], $0xffff  }
0x4e6: {  	v5 =	vadd.f32 v8, v5;
	v14 =	vld.idx.msk [tilespmem:v9+s22+$0x0], $0xffff  }
0x4e7: {  	v0 =	vadd.f32 v6, v0  }
0x4e8: {  	v15 =	vld.idx.msk [tilespmem:v15+s22+$0x0], $0xffff;
	v8 =	vadd.f32 v10, v5  }
0x4e9: {  	v7 =	vadd.f32 v7, v0  }
0x4ea: {  	v11 =	vor.u32 s24, v51;
	v10 =	vadd.f32 v12, v8;
	v8 =	vld [tilespmem:$0x1F9E0]  }
0x4eb: {  	v7 =	vadd.f32 v14, v7  }
0x4ec: {  	v16 =	vor.u32 s24, v52  }
0x4ed: {  	v56 =	vadd.f32 v15, v7;
	v7 =	vld [tilespmem:$0x1F9F0]  }
0x4ee: {  	v45 =	vld.idx.msk [tilespmem:v25+s22+$0x0], $0xffff;
	v18 =	vor.u32 s24, v55  }
0x4ef: {  	s31 =	sadd.s32 $0x2, s31;
	v11 =	vld.idx.msk [tilespmem:v11+s22+$0x0], $0xffff;
	v6 =	vor.u32 s24, v57  }
0x4f0: {  	p0 =	slt.u32 s31, $0x3E;
	v15 =	vld [tilespmem:$0x1FFF0]  }
.Ltmp5:
0x4f1: {  	v5 =	vld.idx.msk [tilespmem:v16+s22+$0x0], $0xffff;
	(pc) =	sbr.rel @p0 .LBB2_10-.Ltmp5, $4  }
0x4f2: {  	v47 =	vld.idx.msk [tilespmem:v8+s22+$0x0], $0xffff  }
0x4f3: {  	v0 =	vld.idx.msk [tilespmem:v18+s22+$0x0], $0xffff  }
0x4f4: {  	v13 =	vor.u32 s0, v28;
	v10 =	vadd.f32 v11, v10;
	v6 =	vld.idx.msk [tilespmem:v6+s22+$0x0], $0xffff  }
0x4f5: {  	v19 =	vmovc v21;
	s5 =	sadd.s32 $0x200, s5;
	v8 =	vor.u32 s24, v28;
	v18 =	vmovc v28;
	v9 =	vor.u32 s24, v58;
	v49 =	vld.idx.msk [tilespmem:v7+s22+$0x0], $0xffff;
	v7 =	vor.u32 s24, v15  }
0x4f6: {  	_ =	sdelay $0x2  }
0x4f7: {  	v5 =	vadd.f32 v5, v10  }
0x4f8: {  	v9 =	vld.idx.msk [tilespmem:v9+s22+$0x0], $0xffff  }
0x4f9: {  	v0 =	vadd.f32 v0, v5  }
0x4fa: {  	v59 =	vadd.f32 v45, v56;
	v5 =	vld.idx.msk [tilespmem:v8+s22+$0x0], $0xffff  }
0x4fb: {  	v60 =	vld.idx.msk [tilespmem:v13+s22+$0x0], $0xffff;
	v0 =	vadd.f32 v6, v0  }
0x4fc: {  	v6 =	vld.idx.msk [tilespmem:v7+s22+$0x0], $0xffff;
	v7 =	vadd.f32 v47, v59  }
0x4fd: {  	v61 =	vld.idx.msk [tilespmem:v17+s22+$0x0], $0xffff;
	v0 =	vadd.f32 v9, v0  }
0x4fe: {  	v7 =	vadd.f32 v49, v7  }
0x4ff: {  	v0 =	vadd.f32 v5, v0  }
0x500: {  	v5 =	vadd.f32 v60, v7  }
0x501: {  	v0 =	vadd.f32 v6, v0  }
0x502: {  	s0 =	sadd.s32 $0x20, s30;
	s29 =	sadd.s32 $0x1, s29;
	v5 =	vadd.f32 v61, v5  }
0x503: {  	p0 =	sne.s32 s29, s15;
	[tilespmem:s0+$0x0] =	vst v0  }
.Ltmp6:
0x504: {  	s31 =	simm.s32 $0x80;
	[tilespmem:s0+$0xFFFFFFF0] =	vst v5;
	(pc) =	sbr.rel @p0 .LBB2_1-.Ltmp6, $4  }
0x505: {  	[hbm4b:s14+s31] =	stream.strided.scatter [tilespmem:s26], [sflag:$0x3], $0x400, s25, s31, $0x38;
	[tilespmem:$0x1F100] =	vst v63  }
0x506: {  	_ =	swait.ge [sflag:s28], $0x400  }
0x507: {  	[sflag:s28] =	ssyncset.done $0x0  }
0x508: {  	v22 =	vimm.f32 $0.0e+00;
	v14 =	vmov v51;
	v16 =	vmov v52;
	[sflag:s28] =	ssyncadd.s32 $0xFFFFFC00  }
0x509: {  	_ =	sfence.sel $0x180000  }
0x50a: {  	[bflag:$0x0] =	sbarrier.arrive $0xFFFF  }
0x50b: {  	_ =	strace $0x90000047  }
0x50c: {  	s0 =	stileid.u32;
	[bflag:$0x2] =	sbarrier.arrive $0xFFFF  }
0x50d: {  	p0 =	sne.s32 s0, $0x0;
	s0 =	rddreg [dreg:$0x3]  }
0x50e: {  	s0 =	sadd.s32 @!p0 $0x100000, s0  }
0x50f: {  	[sflag:s0] =	ssyncadd.tile.s32 @!p0 $0x1;
	_ =	shalt  }
.Lfunc_end2:
_tile_overlayer_lowered:
.L_overlay_start_2:
0x510: {  	(tag) =	ssettag $0x2  }
0x511: {  	s0 =	rddreg [dreg:$0x0];
	s2 =	stileid.u32  }
0x512: {  	s1 =	rddreg [dreg:$0x1];
	p0 =	sne.s32 s2, $0x0  }
0x513: {  	s3 =	rddreg [dreg:$0x2];
	[bflag:$0x3] =	sbarrier.arrive $0xFFFF;
	s2 =	simm.s32 @!p0 $0x1C03  }
0x514: {  	[timem:s3], [sflag:s2] =	dma.local @!p0 [hbm:s0], s1  }
0x515: {  	s0 =	simm.s32 @!p0 $0x3  }
0x516: {  	_ =	swait.ge @!p0 [sflag:s0], s1  }
0x517: {  	s1 =	ssub.s32 @!p0 $0x0, s1;
	[sflag:s0] =	ssyncset.done @!p0 $0x0  }
0x518: {  	[sflag:s0] =	ssyncadd.s32 @!p0 s1  }
0x519: {  	[bflag:$0x3] =	sbarrier.arrive $0xFFFF  }
0x51a: {  	_ =	shalt  }

</sc_bundles>
